<compile_context>
chip_gen: v7x
topology: tpu7x:2x2x1
jax: 0.10.2.dev20260603
libtpu: 0.0.44.dev20260713+nightly
codegen_flags: <defaults>
</compile_context>

<pallas_src>
import functools

import jax
import jax.numpy as jnp
from jax import lax
from jax.experimental import pallas as pl
from jax.experimental.pallas import tpu as pltpu
from jax.experimental.pallas import tpu_sc as plsc

NC = 2
NS = 16
NW = NC * NS
LANES = 16
CH = 100
G = 1


def _make_sc_propagate(t_steps, n_nodes, h, ep):
  nch = ep // CH
  nq = 4 if (nch % 8 == 0 and h > 64) else 1
  npart = nch // nq
  njj = npart // 2
  stripe = ((n_nodes + NS * 8 - 1) // (NS * 8)) * 8
  npad = NS * stripe
  mesh = plsc.VectorSubcoreMesh(core_axis_name="c", subcore_axis_name="s",
                                num_cores=NC, num_subcores=NS)

  @functools.partial(
      pl.kernel,
      out_type=jax.ShapeDtypeStruct((NC, t_steps, NS, stripe, h),
                                    jnp.float32),
      mesh=mesh,
      scratch_types=[
          pltpu.VMEM((nch, CH), jnp.int32),
          pltpu.VMEM((npart, CH), jnp.int32),
          pltpu.VMEM((CH, h), jnp.float32),
          pltpu.VMEM((CH, h), jnp.float32),
          pltpu.VMEM((stripe, h), jnp.float32),
          pltpu.VMEM_SHARED((npad, h), jnp.float32),
          pltpu.SemaphoreType.DMA,
          pltpu.SemaphoreType.DMA,
      ],
      compiler_params=pltpu.CompilerParams(use_tc_tiling_on_sc=False),
  )
  def prop(table_hbm, rowf_hbm, colr_hbm, out_hbm,
           col_v, row_v, bufa, bufb, zer_v, acc, sema, semb):
    c = lax.axis_index("c")
    s = lax.axis_index("s")
    g = c * NS + s
    sl = pl.ds(s * stripe, stripe)

    def fill_zero(i, _):
      for k in range(h // LANES):
        zer_v[i, pl.ds(k * LANES, LANES)] = jnp.zeros((LANES,), jnp.float32)
      return 0
    lax.fori_loop(0, stripe, fill_zero, 0)

    pltpu.sync_copy(colr_hbm.at[g], col_v)
    pltpu.sync_copy(zer_v, acc.at[sl])
    plsc.subcore_barrier()

    def step(t, _):
      for q in range(nq):
        pltpu.sync_copy(rowf_hbm.at[t, g, pl.ds(q * npart, npart)], row_v)
        pltpu.async_copy(table_hbm.at[row_v.at[0]], bufa, sema)

        def chunk2(jj, _):
          j0 = 2 * jj
          jc = q * npart + j0
          pltpu.async_copy(table_hbm.at[row_v.at[j0 + 1]], bufb, semb)
          pltpu.make_async_copy(table_hbm.at[row_v.at[j0]], bufa,
                                sema).wait()
          pltpu.sync_copy(bufa, acc.at[col_v.at[jc]], add=True)

          @pl.when(jj < njj - 1)
          def _():
            pltpu.async_copy(table_hbm.at[row_v.at[j0 + 2]], bufa, sema)
          pltpu.make_async_copy(table_hbm.at[row_v.at[j0 + 1]], bufb,
                                semb).wait()
          pltpu.sync_copy(bufb, acc.at[col_v.at[jc + 1]], add=True)
          return 0
        lax.fori_loop(0, njj, chunk2, 0)

      plsc.subcore_barrier()
      pltpu.sync_copy(acc.at[sl], out_hbm.at[c, t, s])
      pltpu.sync_copy(zer_v, acc.at[sl])
      plsc.subcore_barrier()
      return 0
    lax.fori_loop(0, t_steps, step, 0)

  return prop


def _dis_from_deg(degh):
  return lax.rsqrt(degh[0, :, 0] + degh[1, :, 0] + 1.0)


def _gru1_body(x_ref, degh_ref, wih_ref, whh_ref, bih_ref, bhh_ref,
               out_ref, gi_ref, *, t_steps, nb, h):
  dis = _dis_from_deg(degh_ref[...])[:, None]
  xb = x_ref[...]
  d = xb.shape[-1]
  gi = jnp.dot(xb.reshape(t_steps * nb, d), wih_ref[...],
               preferred_element_type=jnp.float32) + bih_ref[...]
  gi_ref[...] = gi.reshape(t_steps, nb, 3 * h)

  hprev = jnp.zeros((nb, h), jnp.float32)
  for t in range(t_steps):
    git = gi_ref[t]
    gh = jnp.dot(hprev, whh_ref[...],
                 preferred_element_type=jnp.float32) + bhh_ref[...]
    r = jax.nn.sigmoid(git[:, :h] + gh[:, :h])
    z = jax.nn.sigmoid(git[:, h:2 * h] + gh[:, h:2 * h])
    n = jnp.tanh(git[:, 2 * h:] + r * gh[:, 2 * h:])
    hprev = (1.0 - z) * n + z * hprev
    out_ref[t // G, :, (t % G) * h:(t % G + 1) * h] = hprev * dis


def _gru2_body(xp1_ref, s1_ref, degh_ref, b1_ref, wih_ref, whh_ref, bih_ref,
               bhh_ref, out_ref, *, t_steps, nb, h_in, h):
  dis = _dis_from_deg(degh_ref[...])[:, None]
  hprev = jnp.zeros((nb, h), jnp.float32)
  for t in range(t_steps):
    g, o = t // G, (t % G) * h_in
    sall = (xp1_ref[g, :, o:o + h_in] + s1_ref[0, g, :, o:o + h_in]
            + s1_ref[1, g, :, o:o + h_in])
    xt = jax.nn.relu(sall * dis + b1_ref[...])
    git = jnp.dot(xt, wih_ref[...],
                  preferred_element_type=jnp.float32) + bih_ref[...]
    gh = jnp.dot(hprev, whh_ref[...],
                 preferred_element_type=jnp.float32) + bhh_ref[...]
    r = jax.nn.sigmoid(git[:, :h] + gh[:, :h])
    z = jax.nn.sigmoid(git[:, h:2 * h] + gh[:, h:2 * h])
    n = jnp.tanh(git[:, 2 * h:] + r * gh[:, 2 * h:])
    hprev = (1.0 - z) * n + z * hprev
  out_ref[...] = hprev * dis


def _final_body(xp2_ref, s2_ref, degh_ref, b2_ref, wl_ref, blin_ref, out_ref,
                acc_ref, *, nblocks, out_dim):
  i = pl.program_id(0)
  dis = _dis_from_deg(degh_ref[...])[:, None]
  v = (xp2_ref[...] + s2_ref[0] + s2_ref[1]) * dis + b2_ref[...]
  part = jnp.sum(wl_ref[...] * v[None], axis=(1, 2))

  @pl.when(i == 0)
  def _():
    acc_ref[0, :] = jnp.zeros((128,), jnp.float32)
  acc_ref[0, :out_dim] += part

  @pl.when(i == nblocks - 1)
  def _():
    logits = acc_ref[0, :out_dim] + blin_ref[0]
    m = jnp.max(logits)
    p = jnp.exp(logits - m)
    out_ref[0, :] = p / jnp.sum(p)


def kernel(x, edge_index, W_ih1, W_hh1, b_ih1, b_hh1, bias1,
           W_ih2, W_hh2, b_ih2, b_hh2, bias2, W_lin, b_lin):
  t_steps, n, d = x.shape
  h1 = W_hh1.shape[1]
  h2 = W_hh2.shape[1]
  out_dim = W_lin.shape[0]
  e = edge_index.shape[1]
  ep = e // NW
  tg = t_steps // G
  hg = G * h1

  f32 = jnp.float32
  i32 = jnp.int32
  stripe = ((n + NS * 8 - 1) // (NS * 8)) * 8
  npad = NS * stripe

  ep_pad = ((ep + 2 * CH - 1) // (2 * CH)) * (2 * CH)
  pad = ep_pad - ep
  nch = ep_pad // CH
  rowp = edge_index[0].reshape(NW, ep)
  colp = edge_index[1].reshape(NW, ep)
  if pad:
    pad_cols = n + (jnp.arange(pad, dtype=i32) % (npad - n))
    colp = jnp.concatenate(
        [colp, jnp.broadcast_to(pad_cols[None], (NW, pad))], axis=1)
    rowp = jnp.concatenate([rowp, jnp.zeros((NW, pad), i32)], axis=1)
  colr = colp.reshape(NW, nch, CH)
  goff = (jnp.arange(tg, dtype=i32) * n)[:, None, None]
  rowf = (rowp[None] + goff).reshape(tg, NW, nch, CH)
  row1 = rowp.reshape(1, NW, nch, CH)

  deg_prop = _make_sc_propagate(1, n, LANES, ep_pad)
  degh4 = deg_prop(jnp.ones((n, LANES), f32), row1, colr)
  degh = degh4.reshape(NC, npad, LANES)

  nb = 400
  grid1 = n // nb
  xp1 = pl.pallas_call(
      functools.partial(_gru1_body, t_steps=t_steps, nb=nb, h=h1),
      grid=(grid1,),
      in_specs=[
          pl.BlockSpec((t_steps, nb, d), lambda i: (0, i, 0)),
          pl.BlockSpec((NC, nb, LANES), lambda i: (0, i, 0)),
          pl.BlockSpec((d, 3 * h1), lambda i: (0, 0)),
          pl.BlockSpec((h1, 3 * h1), lambda i: (0, 0)),
          pl.BlockSpec((1, 3 * h1), lambda i: (0, 0)),
          pl.BlockSpec((1, 3 * h1), lambda i: (0, 0)),
      ],
      out_specs=pl.BlockSpec((tg, nb, hg), lambda i: (0, i, 0)),
      out_shape=jax.ShapeDtypeStruct((tg, n, hg), f32),
      scratch_shapes=[pltpu.VMEM((t_steps, nb, 3 * h1), f32)],
  )(x, degh, W_ih1.T, W_hh1.T, b_ih1.reshape(1, -1), b_hh1.reshape(1, -1))

  prop1 = _make_sc_propagate(tg, n, hg, ep_pad)
  s1 = prop1(xp1.reshape(tg * n, hg), rowf, colr)
  s1 = s1.reshape(NC, tg, npad, hg)

  xp2 = pl.pallas_call(
      functools.partial(_gru2_body, t_steps=t_steps, nb=nb, h_in=h1, h=h2),
      grid=(grid1,),
      in_specs=[
          pl.BlockSpec((tg, nb, hg), lambda i: (0, i, 0)),
          pl.BlockSpec((NC, tg, nb, hg), lambda i: (0, 0, i, 0)),
          pl.BlockSpec((NC, nb, LANES), lambda i: (0, i, 0)),
          pl.BlockSpec((1, h1), lambda i: (0, 0)),
          pl.BlockSpec((h1, 3 * h2), lambda i: (0, 0)),
          pl.BlockSpec((h2, 3 * h2), lambda i: (0, 0)),
          pl.BlockSpec((1, 3 * h2), lambda i: (0, 0)),
          pl.BlockSpec((1, 3 * h2), lambda i: (0, 0)),
      ],
      out_specs=pl.BlockSpec((nb, h2), lambda i: (i, 0)),
      out_shape=jax.ShapeDtypeStruct((n, h2), f32),
  )(xp1, s1, degh, bias1.reshape(1, -1), W_ih2.T, W_hh2.T,
    b_ih2.reshape(1, -1), b_hh2.reshape(1, -1))

  prop2 = _make_sc_propagate(1, n, h2, ep_pad)
  s2 = prop2(xp2, row1, colr).reshape(NC, npad, h2)

  nb2 = 400
  grid3 = n // nb2
  probs = pl.pallas_call(
      functools.partial(_final_body, nblocks=grid3, out_dim=out_dim),
      grid=(grid3,),
      in_specs=[
          pl.BlockSpec((nb2, h2), lambda i: (i, 0)),
          pl.BlockSpec((NC, nb2, h2), lambda i: (0, i, 0)),
          pl.BlockSpec((NC, nb2, LANES), lambda i: (0, i, 0)),
          pl.BlockSpec((1, h2), lambda i: (0, 0)),
          pl.BlockSpec((out_dim, nb2, h2), lambda i: (0, i, 0)),
          pl.BlockSpec((1, out_dim), lambda i: (0, 0)),
      ],
      out_specs=pl.BlockSpec((1, out_dim), lambda i: (0, 0)),
      out_shape=jax.ShapeDtypeStruct((1, out_dim), f32),
      scratch_shapes=[pltpu.VMEM((8, 128), f32)],
  )(xp2, s2, degh, bias2.reshape(1, -1), W_lin.reshape(out_dim, n, h2),
    b_lin.reshape(1, -1))
  return probs

# --- scband reference (transcript-rebuilt; emitter-appended) ---
"""Pipeline reference for scband-direct-multi-step-model-62672162783861 (READ-ONLY COPY).

The authoritative reference and input builder live on the scoring server;
editing this copy changes nothing except your own understanding.
"""

import jax, jax.numpy as jnp
import numpy as np

T, N, D = 12, 10000, 128
H1, H2, OUT = 64, 32, 12
E = 320000


def gru(x, W_ih, W_hh, b_ih, b_hh):
    H = W_hh.shape[1]

    def step(h, xt):
        gi = xt @ W_ih.T + b_ih
        gh = h @ W_hh.T + b_hh
        i_r, i_z, i_n = jnp.split(gi, 3, axis=-1)
        h_r, h_z, h_n = jnp.split(gh, 3, axis=-1)
        r = jax.nn.sigmoid(i_r + h_r)
        z = jax.nn.sigmoid(i_z + h_z)
        n = jnp.tanh(i_n + r * h_n)
        h_new = (1.0 - z) * n + z * h
        return h_new, h_new

    h0 = jnp.zeros((x.shape[1], H), dtype=x.dtype)
    _, ys = jax.lax.scan(step, h0, x)
    return ys


def glstm_conv(x, edge_index, W_ih, W_hh, b_ih, b_hh, bias):
    n = x.shape[1]
    loops = jnp.arange(n, dtype=edge_index.dtype)
    ei = jnp.concatenate([edge_index, jnp.stack([loops, loops])], axis=1)
    xg = gru(x, W_ih, W_hh, b_ih, b_hh)
    row, col = ei[0], ei[1]
    deg = jnp.zeros((n,), dtype=x.dtype).at[col].add(1.0)
    dis = jnp.where(deg > 0, deg ** -0.5, 0.0)
    norm = dis[row] * dis[col]
    msg = norm[None, :, None] * xg[:, row, :]
    out = jnp.zeros(xg.shape, dtype=x.dtype).at[:, col, :].add(msg)
    return out + bias


def setup_inputs(seed: int = 0):
    key = jax.random.key(seed)
    ks = jax.random.split(key, 16)
    s1 = 1.0 / np.sqrt(H1)
    s2 = 1.0 / np.sqrt(H2)
    sl = 1.0 / np.sqrt(H2 * N)
    return {
        "x": jax.random.normal(ks[0], (T, N, D), dtype=jnp.float32),
        "edge_index": jax.random.randint(ks[1], (2, E), 0, N, dtype=jnp.int32),
        "W_ih1": jax.random.uniform(ks[2], (3 * H1, D), jnp.float32, -s1, s1),
        "W_hh1": jax.random.uniform(ks[3], (3 * H1, H1), jnp.float32, -s1, s1),
        "b_ih1": jax.random.uniform(ks[4], (3 * H1,), jnp.float32, -s1, s1),
        "b_hh1": jax.random.uniform(ks[5], (3 * H1,), jnp.float32, -s1, s1),
        "bias1": jnp.zeros((H1,), dtype=jnp.float32),
        "W_ih2": jax.random.uniform(ks[6], (3 * H2, H1), jnp.float32, -s2, s2),
        "W_hh2": jax.random.uniform(ks[7], (3 * H2, H2), jnp.float32, -s2, s2),
        "b_ih2": jax.random.uniform(ks[8], (3 * H2,), jnp.float32, -s2, s2),
        "b_hh2": jax.random.uniform(ks[9], (3 * H2,), jnp.float32, -s2, s2),
        "bias2": jnp.zeros((H2,), dtype=jnp.float32),
        "W_lin": jax.random.uniform(ks[10], (OUT, H2 * N), jnp.float32, -sl, sl),
        "b_lin": jax.random.uniform(ks[11], (OUT,), jnp.float32, -sl, sl),
    }


def reference(x, edge_index, W_ih1, W_hh1, b_ih1, b_hh1, bias1, W_ih2, W_hh2, b_ih2, b_hh2, bias2, W_lin, b_lin):
    out1 = glstm_conv(x, edge_index, W_ih1, W_hh1, b_ih1, b_hh1, bias1)
    out2 = glstm_conv(jax.nn.relu(out1), edge_index, W_ih2, W_hh2, b_ih2, b_hh2, bias2)
    last = out2[-1].reshape(1, -1)
    logits = last @ W_lin.T + b_lin
    return jax.nn.softmax(logits, axis=-1)

if __name__ == "__main__":
    import jax
    _d = setup_inputs()
    print(jax.jit(kernel)(*tuple(_d.values())))

</pallas_src>

<mosaic_0001>
#map = affine_map<(d0, d1) -> (0, 0)>
#map1 = affine_map<(d0, d1) -> (0, 0, 0, 0)>
#map2 = affine_map<(d0, d1) -> (0, 0, 0)>
#map3 = affine_map<(d0, d1) -> (0, 0, 0, 0, 0)>
module attributes {stable_mosaic.version = 14 : i64} {
  func.func @prop(%arg0: i32, %arg1: i32, %arg2: memref<10000x32xf32, #tpu.memory_space<hbm>>, %arg3: memref<1x32x100x100xi32, #tpu.memory_space<hbm>>, %arg4: memref<32x100x100xi32, #tpu.memory_space<hbm>>, %arg5: memref<2x1x16x632x32xf32, #tpu.memory_space<hbm>>, %arg6: memref<100x100xi32, #tpu.memory_space<vmem>>, %arg7: memref<100x100xi32, #tpu.memory_space<vmem>>, %arg8: memref<100x32xf32, #tpu.memory_space<vmem>>, %arg9: memref<100x32xf32, #tpu.memory_space<vmem>>, %arg10: memref<632x32xf32, #tpu.memory_space<vmem>>, %arg11: memref<10112x32xf32, #tpu.memory_space<vmem_shared>>, %arg12: memref<!tpu.dma_semaphore, #tpu.memory_space<semaphore_mem>>, %arg13: memref<!tpu.dma_semaphore, #tpu.memory_space<semaphore_mem>>) attributes {dimension_semantics = [#tpu.dimension_semantics<core_parallel>, #tpu.dimension_semantics<subcore_parallel>], iteration_bounds = array<i64: 2, 16>, scalar_prefetch = 0 : i64, scratch_operands = 8 : i64, tpu.core_type = #tpu.core_type<sc_vector_subcore>, window_params = [{transform_indices = #map}, {transform_indices = #map1}, {transform_indices = #map2}, {transform_indices = #map3}]} {
    %mul3A = arith.constant 16 : i32
    %mul3A_0 = arith.muli %arg0, %mul3A : i32
    %add3A = arith.addi %mul3A_0, %arg1 : i32
    %mul3A_1 = arith.constant 632 : i32
    %mul3A_2 = arith.muli %arg1, %mul3A_1 : i32
    %scan3A = arith.constant 0 : i32
    %scan3A_3 = arith.constant 0 : i32
    %scan3A_4 = arith.constant 632 : i32
    %scan3A_5 = arith.addi %scan3A_3, %scan3A_4 : i32
    %scan3A_6 = arith.constant 1 : i32
    %scan3A_7 = scf.for %scan3A_28 = %scan3A_3 to %scan3A_5 step %scan3A_6 iter_args(%scan3A_29 = %scan3A) -> (i32)  : i32 {
      %broadcast_in_dim3A = arith.constant 0.000000e+00 : f32
      %broadcast_in_dim3A_30 = vector.broadcast %broadcast_in_dim3A : f32 to vector<16xf32>
      %swap3A = arith.index_cast %scan3A_28 : i32 to index
      %swap3A_31 = arith.constant 0 : index
      %swap3A_32 = tpu.vector_load %arg10[%swap3A, %swap3A_31] {strides = array<i32>} : memref<632x32xf32, #tpu.memory_space<vmem>>, vector<1x16xf32>,
      %swap3A_33 = vector.shape_cast %swap3A_32 : vector<1x16xf32> to vector<16xf32>
      %swap3A_34 = vector.shape_cast %broadcast_in_dim3A_30 : vector<16xf32> to vector<1x16xf32>
      tpu.vector_store %arg10[%swap3A, %swap3A_31], %swap3A_34 {strides = array<i32>} : memref<632x32xf32, #tpu.memory_space<vmem>>, vector<1x16xf32>,
      %broadcast_in_dim3A_35 = arith.constant 0.000000e+00 : f32
      %broadcast_in_dim3A_36 = vector.broadcast %broadcast_in_dim3A_35 : f32 to vector<16xf32>
      %swap3A_37 = arith.index_cast %scan3A_28 : i32 to index
      %swap3A_38 = arith.constant 16 : index
      %swap3A_39 = tpu.vector_load %arg10[%swap3A_37, %swap3A_38] {strides = array<i32>} : memref<632x32xf32, #tpu.memory_space<vmem>>, vector<1x16xf32>,
      %swap3A_40 = vector.shape_cast %swap3A_39 : vector<1x16xf32> to vector<16xf32>
      %swap3A_41 = vector.shape_cast %broadcast_in_dim3A_36 : vector<16xf32> to vector<1x16xf32>
      tpu.vector_store %arg10[%swap3A_37, %swap3A_38], %swap3A_41 {strides = array<i32>} : memref<632x32xf32, #tpu.memory_space<vmem>>, vector<1x16xf32>,
      %scan3A_42 = arith.constant 0 : i32
      scf.yield %scan3A_42 : i32
    }
    %scan3A_8 = arith.constant 632 : i32
    "tpu.region"() ({
      %run_scoped3A = tpu.sem_alloc : memref<!tpu.dma_semaphore, #tpu.memory_space<semaphore_mem>>
      %dma_start3A_28 = arith.constant 0 : i32
      %dma_start3A_29 = arith.constant 0 : i32
      %dma_start3A_30 = tpu.memref_slice %arg4[%add3A, %dma_start3A_28, %dma_start3A_29] : memref<32x100x100xi32, #tpu.memory_space<hbm>> -> memref<1x100x100xi32, #tpu.memory_space<hbm>>
      %dma_start3A_31 = tpu.memref_squeeze %dma_start3A_30 : memref<1x100x100xi32, #tpu.memory_space<hbm>> -> memref<100x100xi32, #tpu.memory_space<hbm>>
      %dma_start3A_32 = arith.constant 0 : i32
      %dma_start3A_33 = arith.constant 0 : i32
      %dma_start3A_34 = tpu.memref_slice %arg4[%add3A, %dma_start3A_32, %dma_start3A_33] : memref<32x100x100xi32, #tpu.memory_space<hbm>> -> memref<1x100x100xi32, #tpu.memory_space<hbm>>
      %dma_start3A_35 = tpu.memref_squeeze %dma_start3A_34 : memref<1x100x100xi32, #tpu.memory_space<hbm>> -> memref<100x100xi32, #tpu.memory_space<hbm>>
      tpu.enqueue_dma source(%dma_start3A_35 : memref<100x100xi32, #tpu.memory_space<hbm>>) target(%arg6 : memref<100x100xi32, #tpu.memory_space<vmem>>) target_semaphore(%run_scoped3A : memref<!tpu.dma_semaphore, #tpu.memory_space<semaphore_mem>>)
      %dma_wait3A = arith.constant 0 : i32
      %dma_wait3A_36 = arith.constant 0 : i32
      %dma_wait3A_37 = tpu.memref_slice %arg4[%add3A, %dma_wait3A, %dma_wait3A_36] : memref<32x100x100xi32, #tpu.memory_space<hbm>> -> memref<1x100x100xi32, #tpu.memory_space<hbm>>
      %dma_wait3A_38 = tpu.memref_squeeze %dma_wait3A_37 : memref<1x100x100xi32, #tpu.memory_space<hbm>> -> memref<100x100xi32, #tpu.memory_space<hbm>>
      %dma_wait3A_39 = arith.constant 0 : i32
      %dma_wait3A_40 = arith.constant 0 : i32
      %dma_wait3A_41 = tpu.memref_slice %arg4[%add3A, %dma_wait3A_39, %dma_wait3A_40] : memref<32x100x100xi32, #tpu.memory_space<hbm>> -> memref<1x100x100xi32, #tpu.memory_space<hbm>>
      %dma_wait3A_42 = tpu.memref_squeeze %dma_wait3A_41 : memref<1x100x100xi32, #tpu.memory_space<hbm>> -> memref<100x100xi32, #tpu.memory_space<hbm>>
      tpu.wait_dma2 semaphore(%run_scoped3A : memref<!tpu.dma_semaphore, #tpu.memory_space<semaphore_mem>>) src(%dma_wait3A_42 : memref<100x100xi32, #tpu.memory_space<hbm>>) dst(%arg6 : memref<100x100xi32, #tpu.memory_space<vmem>>)
      tpu.yield
    }) : () -> ()
    "tpu.region"() ({
      %run_scoped3A = tpu.sem_alloc : memref<!tpu.dma_semaphore, #tpu.memory_space<semaphore_mem>>
      %dma_start3A_28 = arith.constant 0 : i32
      %dma_start3A_29 = tpu.memref_slice %arg11[%mul3A_2, %dma_start3A_28] : memref<10112x32xf32, #tpu.memory_space<vmem_shared>> -> memref<632x32xf32, #tpu.memory_space<vmem_shared>>
      %dma_start3A_30 = arith.constant 0 : i32
      %dma_start3A_31 = tpu.memref_slice %arg11[%mul3A_2, %dma_start3A_30] : memref<10112x32xf32, #tpu.memory_space<vmem_shared>> -> memref<632x32xf32, #tpu.memory_space<vmem_shared>>
      tpu.enqueue_dma source(%arg10 : memref<632x32xf32, #tpu.memory_space<vmem>>) target(%dma_start3A_31 : memref<632x32xf32, #tpu.memory_space<vmem_shared>>) target_semaphore(%run_scoped3A : memref<!tpu.dma_semaphore, #tpu.memory_space<semaphore_mem>>)
      %dma_wait3A = arith.constant 0 : i32
      %dma_wait3A_32 = tpu.memref_slice %arg11[%mul3A_2, %dma_wait3A] : memref<10112x32xf32, #tpu.memory_space<vmem_shared>> -> memref<632x32xf32, #tpu.memory_space<vmem_shared>>
      %dma_wait3A_33 = arith.constant 0 : i32
      %dma_wait3A_34 = tpu.memref_slice %arg11[%mul3A_2, %dma_wait3A_33] : memref<10112x32xf32, #tpu.memory_space<vmem_shared>> -> memref<632x32xf32, #tpu.memory_space<vmem_shared>>
      tpu.wait_dma2 semaphore(%run_scoped3A : memref<!tpu.dma_semaphore, #tpu.memory_space<semaphore_mem>>) src(%arg10 : memref<632x32xf32, #tpu.memory_space<vmem>>) dst(%dma_wait3A_34 : memref<632x32xf32, #tpu.memory_space<vmem_shared>>)
      tpu.yield
    }) : () -> ()
    %barrier3A = arith.constant 0 : index
    tpu.barrier barrier_id(%barrier3A)
    %scan3A_9 = arith.constant 0 : i32
    %scan3A_10 = arith.constant 0 : i32
    "tpu.region"() ({
      %run_scoped3A = tpu.sem_alloc : memref<!tpu.dma_semaphore, #tpu.memory_space<semaphore_mem>>
      %dma_start3A_28 = arith.constant 0 : i32
      %dma_start3A_29 = arith.constant 0 : i32
      %dma_start3A_30 = tpu.memref_slice %arg3[%scan3A_10, %add3A, %dma_start3A_28, %dma_start3A_29] : memref<1x32x100x100xi32, #tpu.memory_space<hbm>> -> memref<1x1x100x100xi32, #tpu.memory_space<hbm>>
      %dma_start3A_31 = tpu.memref_squeeze %dma_start3A_30 : memref<1x1x100x100xi32, #tpu.memory_space<hbm>> -> memref<100x100xi32, #tpu.memory_space<hbm>>
      %dma_start3A_32 = arith.constant 0 : i32
      %dma_start3A_33 = arith.constant 0 : i32
      %dma_start3A_34 = tpu.memref_slice %arg3[%scan3A_10, %add3A, %dma_start3A_32, %dma_start3A_33] : memref<1x32x100x100xi32, #tpu.memory_space<hbm>> -> memref<1x1x100x100xi32, #tpu.memory_space<hbm>>
      %dma_start3A_35 = tpu.memref_squeeze %dma_start3A_34 : memref<1x1x100x100xi32, #tpu.memory_space<hbm>> -> memref<100x100xi32, #tpu.memory_space<hbm>>
      tpu.enqueue_dma source(%dma_start3A_35 : memref<100x100xi32, #tpu.memory_space<hbm>>) target(%arg7 : memref<100x100xi32, #tpu.memory_space<vmem>>) target_semaphore(%run_scoped3A : memref<!tpu.dma_semaphore, #tpu.memory_space<semaphore_mem>>)
      %dma_wait3A = arith.constant 0 : i32
      %dma_wait3A_36 = arith.constant 0 : i32
      %dma_wait3A_37 = tpu.memref_slice %arg3[%scan3A_10, %add3A, %dma_wait3A, %dma_wait3A_36] : memref<1x32x100x100xi32, #tpu.memory_space<hbm>> -> memref<1x1x100x100xi32, #tpu.memory_space<hbm>>
      %dma_wait3A_38 = tpu.memref_squeeze %dma_wait3A_37 : memref<1x1x100x100xi32, #tpu.memory_space<hbm>> -> memref<100x100xi32, #tpu.memory_space<hbm>>
      %dma_wait3A_39 = arith.constant 0 : i32
      %dma_wait3A_40 = arith.constant 0 : i32
      %dma_wait3A_41 = tpu.memref_slice %arg3[%scan3A_10, %add3A, %dma_wait3A_39, %dma_wait3A_40] : memref<1x32x100x100xi32, #tpu.memory_space<hbm>> -> memref<1x1x100x100xi32, #tpu.memory_space<hbm>>
      %dma_wait3A_42 = tpu.memref_squeeze %dma_wait3A_41 : memref<1x1x100x100xi32, #tpu.memory_space<hbm>> -> memref<100x100xi32, #tpu.memory_space<hbm>>
      tpu.wait_dma2 semaphore(%run_scoped3A : memref<!tpu.dma_semaphore, #tpu.memory_space<semaphore_mem>>) src(%dma_wait3A_42 : memref<100x100xi32, #tpu.memory_space<hbm>>) dst(%arg7 : memref<100x100xi32, #tpu.memory_space<vmem>>)
      tpu.yield
    }) : () -> ()
    %dma_start3A = arith.constant 0 : i32
    %dma_start3A_11 = arith.constant 0 : i32
    %dma_start3A_12 = tpu.memref_slice %arg7[%dma_start3A, %dma_start3A_11] : memref<100x100xi32, #tpu.memory_space<vmem>> -> memref<1x100xi32, #tpu.memory_space<vmem>>
    %dma_start3A_13 = tpu.memref_squeeze %dma_start3A_12 : memref<1x100xi32, #tpu.memory_space<vmem>> -> memref<100xi32, #tpu.memory_space<vmem>>
    %dma_start3A_14 = arith.constant 0 : i32
    %dma_start3A_15 = arith.constant 0 : i32
    %dma_start3A_16 = tpu.memref_slice %arg2[%dma_start3A_14, %dma_start3A_15] : memref<10000x32xf32, #tpu.memory_space<hbm>> -> memref<10000x32xf32, #tpu.memory_space<hbm>>
    tpu.enqueue_indirect_dma source(%dma_start3A_16 : memref<10000x32xf32, #tpu.memory_space<hbm>>) target(%arg8 : memref<100x32xf32, #tpu.memory_space<vmem>>) offsets(%dma_start3A_13 : memref<100xi32, #tpu.memory_space<vmem>>) semaphore(%arg12 : memref<!tpu.dma_semaphore, #tpu.memory_space<semaphore_mem>>)
    %scan3A_17 = arith.constant 0 : i32
    %scan3A_18 = arith.constant 0 : i32
    %scan3A_19 = arith.constant 50 : i32
    %scan3A_20 = arith.addi %scan3A_18, %scan3A_19 : i32
    %scan3A_21 = arith.constant 1 : i32
    %scan3A_22 = scf.for %scan3A_28 = %scan3A_18 to %scan3A_20 step %scan3A_21 iter_args(%scan3A_29 = %scan3A_17) -> (i32)  : i32 {
      %mul3A_30 = arith.constant 2 : i32
      %mul3A_31 = arith.muli %mul3A_30, %scan3A_28 : i32
      %add3A_32 = arith.constant 0 : i32
      %add3A_33 = arith.addi %add3A_32, %mul3A_31 : i32
      %add3A_34 = arith.constant 1 : i32
      %add3A_35 = arith.addi %mul3A_31, %add3A_34 : i32
      %dma_start3A_36 = arith.constant 0 : i32
      %dma_start3A_37 = tpu.memref_slice %arg7[%add3A_35, %dma_start3A_36] : memref<100x100xi32, #tpu.memory_space<vmem>> -> memref<1x100xi32, #tpu.memory_space<vmem>>
      %dma_start3A_38 = tpu.memref_squeeze %dma_start3A_37 : memref<1x100xi32, #tpu.memory_space<vmem>> -> memref<100xi32, #tpu.memory_space<vmem>>
      %dma_start3A_39 = arith.constant 0 : i32
      %dma_start3A_40 = arith.constant 0 : i32
      %dma_start3A_41 = tpu.memref_slice %arg2[%dma_start3A_39, %dma_start3A_40] : memref<10000x32xf32, #tpu.memory_space<hbm>> -> memref<10000x32xf32, #tpu.memory_space<hbm>>
      tpu.enqueue_indirect_dma source(%dma_start3A_41 : memref<10000x32xf32, #tpu.memory_space<hbm>>) target(%arg9 : memref<100x32xf32, #tpu.memory_space<vmem>>) offsets(%dma_start3A_38 : memref<100xi32, #tpu.memory_space<vmem>>) semaphore(%arg13 : memref<!tpu.dma_semaphore, #tpu.memory_space<semaphore_mem>>)
      %dma_wait3A = arith.constant 0 : i32
      %dma_wait3A_42 = tpu.memref_slice %arg7[%mul3A_31, %dma_wait3A] : memref<100x100xi32, #tpu.memory_space<vmem>> -> memref<1x100xi32, #tpu.memory_space<vmem>>
      %dma_wait3A_43 = tpu.memref_squeeze %dma_wait3A_42 : memref<1x100xi32, #tpu.memory_space<vmem>> -> memref<100xi32, #tpu.memory_space<vmem>>
      %dma_wait3A_44 = arith.constant 0 : i32
      %dma_wait3A_45 = arith.constant 0 : i32
      %dma_wait3A_46 = tpu.memref_slice %arg2[%dma_wait3A_44, %dma_wait3A_45] : memref<10000x32xf32, #tpu.memory_space<hbm>> -> memref<10000x32xf32, #tpu.memory_space<hbm>>
      tpu.wait_indirect_dma semaphore(%arg12 : memref<!tpu.dma_semaphore, #tpu.memory_space<semaphore_mem>>) src(%dma_wait3A_46 : memref<10000x32xf32, #tpu.memory_space<hbm>>) dst(%arg8 : memref<100x32xf32, #tpu.memory_space<vmem>>)
      "tpu.region"() ({
        %run_scoped3A = tpu.sem_alloc : memref<!tpu.dma_semaphore, #tpu.memory_space<semaphore_mem>>
        %dma_start3A_60 = arith.constant 0 : i32
        %dma_start3A_61 = tpu.memref_slice %arg6[%add3A_33, %dma_start3A_60] : memref<100x100xi32, #tpu.memory_space<vmem>> -> memref<1x100xi32, #tpu.memory_space<vmem>>
        %dma_start3A_62 = tpu.memref_squeeze %dma_start3A_61 : memref<1x100xi32, #tpu.memory_space<vmem>> -> memref<100xi32, #tpu.memory_space<vmem>>
        %dma_start3A_63 = arith.constant 0 : i32
        %dma_start3A_64 = arith.constant 0 : i32
        %dma_start3A_65 = tpu.memref_slice %arg11[%dma_start3A_63, %dma_start3A_64] : memref<10112x32xf32, #tpu.memory_space<vmem_shared>> -> memref<10112x32xf32, #tpu.memory_space<vmem_shared>>
        tpu.enqueue_indirect_dma source(%arg8 : memref<100x32xf32, #tpu.memory_space<vmem>>) target(%dma_start3A_65 : memref<10112x32xf32, #tpu.memory_space<vmem_shared>>) offsets(%dma_start3A_62 : memref<100xi32, #tpu.memory_space<vmem>>) semaphore(%run_scoped3A : memref<!tpu.dma_semaphore, #tpu.memory_space<semaphore_mem>>) {add = true}
        %dma_wait3A_66 = arith.constant 0 : i32
        %dma_wait3A_67 = tpu.memref_slice %arg6[%add3A_33, %dma_wait3A_66] : memref<100x100xi32, #tpu.memory_space<vmem>> -> memref<1x100xi32, #tpu.memory_space<vmem>>
        %dma_wait3A_68 = tpu.memref_squeeze %dma_wait3A_67 : memref<1x100xi32, #tpu.memory_space<vmem>> -> memref<100xi32, #tpu.memory_space<vmem>>
        %dma_wait3A_69 = arith.constant 0 : i32
        %dma_wait3A_70 = arith.constant 0 : i32
        %dma_wait3A_71 = tpu.memref_slice %arg11[%dma_wait3A_69, %dma_wait3A_70] : memref<10112x32xf32, #tpu.memory_space<vmem_shared>> -> memref<10112x32xf32, #tpu.memory_space<vmem_shared>>
        tpu.wait_indirect_dma semaphore(%run_scoped3A : memref<!tpu.dma_semaphore, #tpu.memory_space<semaphore_mem>>) src(%arg8 : memref<100x32xf32, #tpu.memory_space<vmem>>) dst(%dma_wait3A_71 : memref<10112x32xf32, #tpu.memory_space<vmem_shared>>)
        tpu.yield
      }) : () -> ()
      %lt3A = arith.constant 49 : i32
      %lt3A_47 = arith.cmpi slt, %scan3A_28, %lt3A : i32
      %convert_element_type3A = arith.extui %lt3A_47 : i1 to i32
      %cond3A = arith.constant 0 : i32
      %cond3A_48 = arith.cmpi ne, %convert_element_type3A, %cond3A : i32
      scf.if %cond3A_48 {
        %add3A_60 = arith.constant 2 : i32
        %add3A_61 = arith.addi %mul3A_31, %add3A_60 : i32
        %dma_start3A_62 = arith.constant 0 : i32
        %dma_start3A_63 = tpu.memref_slice %arg7[%add3A_61, %dma_start3A_62] : memref<100x100xi32, #tpu.memory_space<vmem>> -> memref<1x100xi32, #tpu.memory_space<vmem>>
        %dma_start3A_64 = tpu.memref_squeeze %dma_start3A_63 : memref<1x100xi32, #tpu.memory_space<vmem>> -> memref<100xi32, #tpu.memory_space<vmem>>
        %dma_start3A_65 = arith.constant 0 : i32
        %dma_start3A_66 = arith.constant 0 : i32
        %dma_start3A_67 = tpu.memref_slice %arg2[%dma_start3A_65, %dma_start3A_66] : memref<10000x32xf32, #tpu.memory_space<hbm>> -> memref<10000x32xf32, #tpu.memory_space<hbm>>
        tpu.enqueue_indirect_dma source(%dma_start3A_67 : memref<10000x32xf32, #tpu.memory_space<hbm>>) target(%arg8 : memref<100x32xf32, #tpu.memory_space<vmem>>) offsets(%dma_start3A_64 : memref<100xi32, #tpu.memory_space<vmem>>) semaphore(%arg12 : memref<!tpu.dma_semaphore, #tpu.memory_space<semaphore_mem>>)
      } else {
      }
      %add3A_49 = arith.constant 1 : i32
      %add3A_50 = arith.addi %mul3A_31, %add3A_49 : i32
      %dma_wait3A_51 = arith.constant 0 : i32
      %dma_wait3A_52 = tpu.memref_slice %arg7[%add3A_50, %dma_wait3A_51] : memref<100x100xi32, #tpu.memory_space<vmem>> -> memref<1x100xi32, #tpu.memory_space<vmem>>
      %dma_wait3A_53 = tpu.memref_squeeze %dma_wait3A_52 : memref<1x100xi32, #tpu.memory_space<vmem>> -> memref<100xi32, #tpu.memory_space<vmem>>
      %dma_wait3A_54 = arith.constant 0 : i32
      %dma_wait3A_55 = arith.constant 0 : i32
      %dma_wait3A_56 = tpu.memref_slice %arg2[%dma_wait3A_54, %dma_wait3A_55] : memref<10000x32xf32, #tpu.memory_space<hbm>> -> memref<10000x32xf32, #tpu.memory_space<hbm>>
      tpu.wait_indirect_dma semaphore(%arg13 : memref<!tpu.dma_semaphore, #tpu.memory_space<semaphore_mem>>) src(%dma_wait3A_56 : memref<10000x32xf32, #tpu.memory_space<hbm>>) dst(%arg9 : memref<100x32xf32, #tpu.memory_space<vmem>>)
      %add3A_57 = arith.constant 1 : i32
      %add3A_58 = arith.addi %add3A_33, %add3A_57 : i32
      "tpu.region"() ({
        %run_scoped3A = tpu.sem_alloc : memref<!tpu.dma_semaphore, #tpu.memory_space<semaphore_mem>>
        %dma_start3A_60 = arith.constant 0 : i32
        %dma_start3A_61 = tpu.memref_slice %arg6[%add3A_58, %dma_start3A_60] : memref<100x100xi32, #tpu.memory_space<vmem>> -> memref<1x100xi32, #tpu.memory_space<vmem>>
        %dma_start3A_62 = tpu.memref_squeeze %dma_start3A_61 : memref<1x100xi32, #tpu.memory_space<vmem>> -> memref<100xi32, #tpu.memory_space<vmem>>
        %dma_start3A_63 = arith.constant 0 : i32
        %dma_start3A_64 = arith.constant 0 : i32
        %dma_start3A_65 = tpu.memref_slice %arg11[%dma_start3A_63, %dma_start3A_64] : memref<10112x32xf32, #tpu.memory_space<vmem_shared>> -> memref<10112x32xf32, #tpu.memory_space<vmem_shared>>
        tpu.enqueue_indirect_dma source(%arg9 : memref<100x32xf32, #tpu.memory_space<vmem>>) target(%dma_start3A_65 : memref<10112x32xf32, #tpu.memory_space<vmem_shared>>) offsets(%dma_start3A_62 : memref<100xi32, #tpu.memory_space<vmem>>) semaphore(%run_scoped3A : memref<!tpu.dma_semaphore, #tpu.memory_space<semaphore_mem>>) {add = true}
        %dma_wait3A_66 = arith.constant 0 : i32
        %dma_wait3A_67 = tpu.memref_slice %arg6[%add3A_58, %dma_wait3A_66] : memref<100x100xi32, #tpu.memory_space<vmem>> -> memref<1x100xi32, #tpu.memory_space<vmem>>
        %dma_wait3A_68 = tpu.memref_squeeze %dma_wait3A_67 : memref<1x100xi32, #tpu.memory_space<vmem>> -> memref<100xi32, #tpu.memory_space<vmem>>
        %dma_wait3A_69 = arith.constant 0 : i32
        %dma_wait3A_70 = arith.constant 0 : i32
        %dma_wait3A_71 = tpu.memref_slice %arg11[%dma_wait3A_69, %dma_wait3A_70] : memref<10112x32xf32, #tpu.memory_space<vmem_shared>> -> memref<10112x32xf32, #tpu.memory_space<vmem_shared>>
        tpu.wait_indirect_dma semaphore(%run_scoped3A : memref<!tpu.dma_semaphore, #tpu.memory_space<semaphore_mem>>) src(%arg9 : memref<100x32xf32, #tpu.memory_space<vmem>>) dst(%dma_wait3A_71 : memref<10112x32xf32, #tpu.memory_space<vmem_shared>>)
        tpu.yield
      }) : () -> ()
      %scan3A_59 = arith.constant 0 : i32
      scf.yield %scan3A_59 : i32
    }
    %scan3A_23 = arith.constant 50 : i32
    %barrier3A_24 = arith.constant 0 : index
    tpu.barrier barrier_id(%barrier3A_24)
    "tpu.region"() ({
      %run_scoped3A = tpu.sem_alloc : memref<!tpu.dma_semaphore, #tpu.memory_space<semaphore_mem>>
      %dma_start3A_28 = arith.constant 0 : i32
      %dma_start3A_29 = arith.constant 0 : i32
      %dma_start3A_30 = tpu.memref_slice %arg5[%arg0, %scan3A_10, %arg1, %dma_start3A_28, %dma_start3A_29] : memref<2x1x16x632x32xf32, #tpu.memory_space<hbm>> -> memref<1x1x1x632x32xf32, #tpu.memory_space<hbm>>
      %dma_start3A_31 = tpu.memref_squeeze %dma_start3A_30 : memref<1x1x1x632x32xf32, #tpu.memory_space<hbm>> -> memref<632x32xf32, #tpu.memory_space<hbm>>
      %dma_start3A_32 = arith.constant 0 : i32
      %dma_start3A_33 = tpu.memref_slice %arg11[%mul3A_2, %dma_start3A_32] : memref<10112x32xf32, #tpu.memory_space<vmem_shared>> -> memref<632x32xf32, #tpu.memory_space<vmem_shared>>
      tpu.enqueue_dma source(%dma_start3A_33 : memref<632x32xf32, #tpu.memory_space<vmem_shared>>) target(%dma_start3A_31 : memref<632x32xf32, #tpu.memory_space<hbm>>) target_semaphore(%run_scoped3A : memref<!tpu.dma_semaphore, #tpu.memory_space<semaphore_mem>>)
      %dma_wait3A = arith.constant 0 : i32
      %dma_wait3A_34 = arith.constant 0 : i32
      %dma_wait3A_35 = tpu.memref_slice %arg5[%arg0, %scan3A_10, %arg1, %dma_wait3A, %dma_wait3A_34] : memref<2x1x16x632x32xf32, #tpu.memory_space<hbm>> -> memref<1x1x1x632x32xf32, #tpu.memory_space<hbm>>
      %dma_wait3A_36 = tpu.memref_squeeze %dma_wait3A_35 : memref<1x1x1x632x32xf32, #tpu.memory_space<hbm>> -> memref<632x32xf32, #tpu.memory_space<hbm>>
      %dma_wait3A_37 = arith.constant 0 : i32
      %dma_wait3A_38 = tpu.memref_slice %arg11[%mul3A_2, %dma_wait3A_37] : memref<10112x32xf32, #tpu.memory_space<vmem_shared>> -> memref<632x32xf32, #tpu.memory_space<vmem_shared>>
      tpu.wait_dma2 semaphore(%run_scoped3A : memref<!tpu.dma_semaphore, #tpu.memory_space<semaphore_mem>>) src(%dma_wait3A_38 : memref<632x32xf32, #tpu.memory_space<vmem_shared>>) dst(%dma_wait3A_36 : memref<632x32xf32, #tpu.memory_space<hbm>>)
      tpu.yield
    }) : () -> ()
    "tpu.region"() ({
      %run_scoped3A = tpu.sem_alloc : memref<!tpu.dma_semaphore, #tpu.memory_space<semaphore_mem>>
      %dma_start3A_28 = arith.constant 0 : i32
      %dma_start3A_29 = tpu.memref_slice %arg11[%mul3A_2, %dma_start3A_28] : memref<10112x32xf32, #tpu.memory_space<vmem_shared>> -> memref<632x32xf32, #tpu.memory_space<vmem_shared>>
      %dma_start3A_30 = arith.constant 0 : i32
      %dma_start3A_31 = tpu.memref_slice %arg11[%mul3A_2, %dma_start3A_30] : memref<10112x32xf32, #tpu.memory_space<vmem_shared>> -> memref<632x32xf32, #tpu.memory_space<vmem_shared>>
      tpu.enqueue_dma source(%arg10 : memref<632x32xf32, #tpu.memory_space<vmem>>) target(%dma_start3A_31 : memref<632x32xf32, #tpu.memory_space<vmem_shared>>) target_semaphore(%run_scoped3A : memref<!tpu.dma_semaphore, #tpu.memory_space<semaphore_mem>>)
      %dma_wait3A = arith.constant 0 : i32
      %dma_wait3A_32 = tpu.memref_slice %arg11[%mul3A_2, %dma_wait3A] : memref<10112x32xf32, #tpu.memory_space<vmem_shared>> -> memref<632x32xf32, #tpu.memory_space<vmem_shared>>
      %dma_wait3A_33 = arith.constant 0 : i32
      %dma_wait3A_34 = tpu.memref_slice %arg11[%mul3A_2, %dma_wait3A_33] : memref<10112x32xf32, #tpu.memory_space<vmem_shared>> -> memref<632x32xf32, #tpu.memory_space<vmem_shared>>
      tpu.wait_dma2 semaphore(%run_scoped3A : memref<!tpu.dma_semaphore, #tpu.memory_space<semaphore_mem>>) src(%arg10 : memref<632x32xf32, #tpu.memory_space<vmem>>) dst(%dma_wait3A_34 : memref<632x32xf32, #tpu.memory_space<vmem_shared>>)
      tpu.yield
    }) : () -> ()
    %barrier3A_25 = arith.constant 0 : index
    tpu.barrier barrier_id(%barrier3A_25)
    %scan3A_26 = arith.constant 0 : i32
    %scan3A_27 = arith.constant 1 : i32
    return
  }
}

#map = affine_map<(d0, d1) -> (0, 0)>
#map1 = affine_map<(d0, d1) -> (0, 0, 0, 0)>
#map2 = affine_map<(d0, d1) -> (0, 0, 0)>
#map3 = affine_map<(d0, d1) -> (0, 0, 0, 0, 0)>
module attributes {stable_mosaic.version = 14 : i64} {
  func.func @prop(%arg0: i32, %arg1: i32, %arg2: memref<120000x64xf32, #tpu.memory_space<hbm>>, %arg3: memref<12x32x100x100xi32, #tpu.memory_space<hbm>>, %arg4: memref<32x100x100xi32, #tpu.memory_space<hbm>>, %arg5: memref<2x12x16x632x64xf32, #tpu.memory_space<hbm>>, %arg6: memref<100x100xi32, #tpu.memory_space<vmem>>, %arg7: memref<100x100xi32, #tpu.memory_space<vmem>>, %arg8: memref<100x64xf32, #tpu.memory_space<vmem>>, %arg9: memref<100x64xf32, #tpu.memory_space<vmem>>, %arg10: memref<632x64xf32, #tpu.memory_space<vmem>>, %arg11: memref<10112x64xf32, #tpu.memory_space<vmem_shared>>, %arg12: memref<!tpu.dma_semaphore, #tpu.memory_space<semaphore_mem>>, %arg13: memref<!tpu.dma_semaphore, #tpu.memory_space<semaphore_mem>>) attributes {dimension_semantics = [#tpu.dimension_semantics<core_parallel>, #tpu.dimension_semantics<subcore_parallel>], iteration_bounds = array<i64: 2, 16>, scalar_prefetch = 0 : i64, scratch_operands = 8 : i64, tpu.core_type = #tpu.core_type<sc_vector_subcore>, window_params = [{transform_indices = #map}, {transform_indices = #map1}, {transform_indices = #map2}, {transform_indices = #map3}]} {
    %mul3A = arith.constant 16 : i32
    %mul3A_0 = arith.muli %arg0, %mul3A : i32
    %add3A = arith.addi %mul3A_0, %arg1 : i32
    %mul3A_1 = arith.constant 632 : i32
    %mul3A_2 = arith.muli %arg1, %mul3A_1 : i32
    %scan3A = arith.constant 0 : i32
    %scan3A_3 = arith.constant 0 : i32
    %scan3A_4 = arith.constant 632 : i32
    %scan3A_5 = arith.addi %scan3A_3, %scan3A_4 : i32
    %scan3A_6 = arith.constant 1 : i32
    %scan3A_7 = scf.for %scan3A_16 = %scan3A_3 to %scan3A_5 step %scan3A_6 iter_args(%scan3A_17 = %scan3A) -> (i32)  : i32 {
      %broadcast_in_dim3A = arith.constant 0.000000e+00 : f32
      %broadcast_in_dim3A_18 = vector.broadcast %broadcast_in_dim3A : f32 to vector<16xf32>
      %swap3A = arith.index_cast %scan3A_16 : i32 to index
      %swap3A_19 = arith.constant 0 : index
      %swap3A_20 = tpu.vector_load %arg10[%swap3A, %swap3A_19] {strides = array<i32>} : memref<632x64xf32, #tpu.memory_space<vmem>>, vector<1x16xf32>,
      %swap3A_21 = vector.shape_cast %swap3A_20 : vector<1x16xf32> to vector<16xf32>
      %swap3A_22 = vector.shape_cast %broadcast_in_dim3A_18 : vector<16xf32> to vector<1x16xf32>
      tpu.vector_store %arg10[%swap3A, %swap3A_19], %swap3A_22 {strides = array<i32>} : memref<632x64xf32, #tpu.memory_space<vmem>>, vector<1x16xf32>,
      %broadcast_in_dim3A_23 = arith.constant 0.000000e+00 : f32
      %broadcast_in_dim3A_24 = vector.broadcast %broadcast_in_dim3A_23 : f32 to vector<16xf32>
      %swap3A_25 = arith.index_cast %scan3A_16 : i32 to index
      %swap3A_26 = arith.constant 16 : index
      %swap3A_27 = tpu.vector_load %arg10[%swap3A_25, %swap3A_26] {strides = array<i32>} : memref<632x64xf32, #tpu.memory_space<vmem>>, vector<1x16xf32>,
      %swap3A_28 = vector.shape_cast %swap3A_27 : vector<1x16xf32> to vector<16xf32>
      %swap3A_29 = vector.shape_cast %broadcast_in_dim3A_24 : vector<16xf32> to vector<1x16xf32>
      tpu.vector_store %arg10[%swap3A_25, %swap3A_26], %swap3A_29 {strides = array<i32>} : memref<632x64xf32, #tpu.memory_space<vmem>>, vector<1x16xf32>,
      %broadcast_in_dim3A_30 = arith.constant 0.000000e+00 : f32
      %broadcast_in_dim3A_31 = vector.broadcast %broadcast_in_dim3A_30 : f32 to vector<16xf32>
      %swap3A_32 = arith.index_cast %scan3A_16 : i32 to index
      %swap3A_33 = arith.constant 32 : index
      %swap3A_34 = tpu.vector_load %arg10[%swap3A_32, %swap3A_33] {strides = array<i32>} : memref<632x64xf32, #tpu.memory_space<vmem>>, vector<1x16xf32>,
      %swap3A_35 = vector.shape_cast %swap3A_34 : vector<1x16xf32> to vector<16xf32>
      %swap3A_36 = vector.shape_cast %broadcast_in_dim3A_31 : vector<16xf32> to vector<1x16xf32>
      tpu.vector_store %arg10[%swap3A_32, %swap3A_33], %swap3A_36 {strides = array<i32>} : memref<632x64xf32, #tpu.memory_space<vmem>>, vector<1x16xf32>,
      %broadcast_in_dim3A_37 = arith.constant 0.000000e+00 : f32
      %broadcast_in_dim3A_38 = vector.broadcast %broadcast_in_dim3A_37 : f32 to vector<16xf32>
      %swap3A_39 = arith.index_cast %scan3A_16 : i32 to index
      %swap3A_40 = arith.constant 48 : index
      %swap3A_41 = tpu.vector_load %arg10[%swap3A_39, %swap3A_40] {strides = array<i32>} : memref<632x64xf32, #tpu.memory_space<vmem>>, vector<1x16xf32>,
      %swap3A_42 = vector.shape_cast %swap3A_41 : vector<1x16xf32> to vector<16xf32>
      %swap3A_43 = vector.shape_cast %broadcast_in_dim3A_38 : vector<16xf32> to vector<1x16xf32>
      tpu.vector_store %arg10[%swap3A_39, %swap3A_40], %swap3A_43 {strides = array<i32>} : memref<632x64xf32, #tpu.memory_space<vmem>>, vector<1x16xf32>,
      %scan3A_44 = arith.constant 0 : i32
      scf.yield %scan3A_44 : i32
    }
    %scan3A_8 = arith.constant 632 : i32
    "tpu.region"() ({
      %run_scoped3A = tpu.sem_alloc : memref<!tpu.dma_semaphore, #tpu.memory_space<semaphore_mem>>
      %dma_start3A = arith.constant 0 : i32
      %dma_start3A_16 = arith.constant 0 : i32
      %dma_start3A_17 = tpu.memref_slice %arg4[%add3A, %dma_start3A, %dma_start3A_16] : memref<32x100x100xi32, #tpu.memory_space<hbm>> -> memref<1x100x100xi32, #tpu.memory_space<hbm>>
      %dma_start3A_18 = tpu.memref_squeeze %dma_start3A_17 : memref<1x100x100xi32, #tpu.memory_space<hbm>> -> memref<100x100xi32, #tpu.memory_space<hbm>>
      %dma_start3A_19 = arith.constant 0 : i32
      %dma_start3A_20 = arith.constant 0 : i32
      %dma_start3A_21 = tpu.memref_slice %arg4[%add3A, %dma_start3A_19, %dma_start3A_20] : memref<32x100x100xi32, #tpu.memory_space<hbm>> -> memref<1x100x100xi32, #tpu.memory_space<hbm>>
      %dma_start3A_22 = tpu.memref_squeeze %dma_start3A_21 : memref<1x100x100xi32, #tpu.memory_space<hbm>> -> memref<100x100xi32, #tpu.memory_space<hbm>>
      tpu.enqueue_dma source(%dma_start3A_22 : memref<100x100xi32, #tpu.memory_space<hbm>>) target(%arg6 : memref<100x100xi32, #tpu.memory_space<vmem>>) target_semaphore(%run_scoped3A : memref<!tpu.dma_semaphore, #tpu.memory_space<semaphore_mem>>)
      %dma_wait3A = arith.constant 0 : i32
      %dma_wait3A_23 = arith.constant 0 : i32
      %dma_wait3A_24 = tpu.memref_slice %arg4[%add3A, %dma_wait3A, %dma_wait3A_23] : memref<32x100x100xi32, #tpu.memory_space<hbm>> -> memref<1x100x100xi32, #tpu.memory_space<hbm>>
      %dma_wait3A_25 = tpu.memref_squeeze %dma_wait3A_24 : memref<1x100x100xi32, #tpu.memory_space<hbm>> -> memref<100x100xi32, #tpu.memory_space<hbm>>
      %dma_wait3A_26 = arith.constant 0 : i32
      %dma_wait3A_27 = arith.constant 0 : i32
      %dma_wait3A_28 = tpu.memref_slice %arg4[%add3A, %dma_wait3A_26, %dma_wait3A_27] : memref<32x100x100xi32, #tpu.memory_space<hbm>> -> memref<1x100x100xi32, #tpu.memory_space<hbm>>
      %dma_wait3A_29 = tpu.memref_squeeze %dma_wait3A_28 : memref<1x100x100xi32, #tpu.memory_space<hbm>> -> memref<100x100xi32, #tpu.memory_space<hbm>>
      tpu.wait_dma2 semaphore(%run_scoped3A : memref<!tpu.dma_semaphore, #tpu.memory_space<semaphore_mem>>) src(%dma_wait3A_29 : memref<100x100xi32, #tpu.memory_space<hbm>>) dst(%arg6 : memref<100x100xi32, #tpu.memory_space<vmem>>)
      tpu.yield
    }) : () -> ()
    "tpu.region"() ({
      %run_scoped3A = tpu.sem_alloc : memref<!tpu.dma_semaphore, #tpu.memory_space<semaphore_mem>>
      %dma_start3A = arith.constant 0 : i32
      %dma_start3A_16 = tpu.memref_slice %arg11[%mul3A_2, %dma_start3A] : memref<10112x64xf32, #tpu.memory_space<vmem_shared>> -> memref<632x64xf32, #tpu.memory_space<vmem_shared>>
      %dma_start3A_17 = arith.constant 0 : i32
      %dma_start3A_18 = tpu.memref_slice %arg11[%mul3A_2, %dma_start3A_17] : memref<10112x64xf32, #tpu.memory_space<vmem_shared>> -> memref<632x64xf32, #tpu.memory_space<vmem_shared>>
      tpu.enqueue_dma source(%arg10 : memref<632x64xf32, #tpu.memory_space<vmem>>) target(%dma_start3A_18 : memref<632x64xf32, #tpu.memory_space<vmem_shared>>) target_semaphore(%run_scoped3A : memref<!tpu.dma_semaphore, #tpu.memory_space<semaphore_mem>>)
      %dma_wait3A = arith.constant 0 : i32
      %dma_wait3A_19 = tpu.memref_slice %arg11[%mul3A_2, %dma_wait3A] : memref<10112x64xf32, #tpu.memory_space<vmem_shared>> -> memref<632x64xf32, #tpu.memory_space<vmem_shared>>
      %dma_wait3A_20 = arith.constant 0 : i32
      %dma_wait3A_21 = tpu.memref_slice %arg11[%mul3A_2, %dma_wait3A_20] : memref<10112x64xf32, #tpu.memory_space<vmem_shared>> -> memref<632x64xf32, #tpu.memory_space<vmem_shared>>
      tpu.wait_dma2 semaphore(%run_scoped3A : memref<!tpu.dma_semaphore, #tpu.memory_space<semaphore_mem>>) src(%arg10 : memref<632x64xf32, #tpu.memory_space<vmem>>) dst(%dma_wait3A_21 : memref<632x64xf32, #tpu.memory_space<vmem_shared>>)
      tpu.yield
    }) : () -> ()
    %barrier3A = arith.constant 0 : index
    tpu.barrier barrier_id(%barrier3A)
    %scan3A_9 = arith.constant 0 : i32
    %scan3A_10 = arith.constant 0 : i32
    %scan3A_11 = arith.constant 12 : i32
    %scan3A_12 = arith.addi %scan3A_10, %scan3A_11 : i32
    %scan3A_13 = arith.constant 1 : i32
    %scan3A_14 = scf.for %scan3A_16 = %scan3A_10 to %scan3A_12 step %scan3A_13 iter_args(%scan3A_17 = %scan3A_9) -> (i32)  : i32 {
      "tpu.region"() ({
        %run_scoped3A = tpu.sem_alloc : memref<!tpu.dma_semaphore, #tpu.memory_space<semaphore_mem>>
        %dma_start3A_34 = arith.constant 0 : i32
        %dma_start3A_35 = arith.constant 0 : i32
        %dma_start3A_36 = tpu.memref_slice %arg3[%scan3A_16, %add3A, %dma_start3A_34, %dma_start3A_35] : memref<12x32x100x100xi32, #tpu.memory_space<hbm>> -> memref<1x1x100x100xi32, #tpu.memory_space<hbm>>
        %dma_start3A_37 = tpu.memref_squeeze %dma_start3A_36 : memref<1x1x100x100xi32, #tpu.memory_space<hbm>> -> memref<100x100xi32, #tpu.memory_space<hbm>>
        %dma_start3A_38 = arith.constant 0 : i32
        %dma_start3A_39 = arith.constant 0 : i32
        %dma_start3A_40 = tpu.memref_slice %arg3[%scan3A_16, %add3A, %dma_start3A_38, %dma_start3A_39] : memref<12x32x100x100xi32, #tpu.memory_space<hbm>> -> memref<1x1x100x100xi32, #tpu.memory_space<hbm>>
        %dma_start3A_41 = tpu.memref_squeeze %dma_start3A_40 : memref<1x1x100x100xi32, #tpu.memory_space<hbm>> -> memref<100x100xi32, #tpu.memory_space<hbm>>
        tpu.enqueue_dma source(%dma_start3A_41 : memref<100x100xi32, #tpu.memory_space<hbm>>) target(%arg7 : memref<100x100xi32, #tpu.memory_space<vmem>>) target_semaphore(%run_scoped3A : memref<!tpu.dma_semaphore, #tpu.memory_space<semaphore_mem>>)
        %dma_wait3A = arith.constant 0 : i32
        %dma_wait3A_42 = arith.constant 0 : i32
        %dma_wait3A_43 = tpu.memref_slice %arg3[%scan3A_16, %add3A, %dma_wait3A, %dma_wait3A_42] : memref<12x32x100x100xi32, #tpu.memory_space<hbm>> -> memref<1x1x100x100xi32, #tpu.memory_space<hbm>>
        %dma_wait3A_44 = tpu.memref_squeeze %dma_wait3A_43 : memref<1x1x100x100xi32, #tpu.memory_space<hbm>> -> memref<100x100xi32, #tpu.memory_space<hbm>>
        %dma_wait3A_45 = arith.constant 0 : i32
        %dma_wait3A_46 = arith.constant 0 : i32
        %dma_wait3A_47 = tpu.memref_slice %arg3[%scan3A_16, %add3A, %dma_wait3A_45, %dma_wait3A_46] : memref<12x32x100x100xi32, #tpu.memory_space<hbm>> -> memref<1x1x100x100xi32, #tpu.memory_space<hbm>>
        %dma_wait3A_48 = tpu.memref_squeeze %dma_wait3A_47 : memref<1x1x100x100xi32, #tpu.memory_space<hbm>> -> memref<100x100xi32, #tpu.memory_space<hbm>>
        tpu.wait_dma2 semaphore(%run_scoped3A : memref<!tpu.dma_semaphore, #tpu.memory_space<semaphore_mem>>) src(%dma_wait3A_48 : memref<100x100xi32, #tpu.memory_space<hbm>>) dst(%arg7 : memref<100x100xi32, #tpu.memory_space<vmem>>)
        tpu.yield
      }) : () -> ()
      %dma_start3A = arith.constant 0 : i32
      %dma_start3A_18 = arith.constant 0 : i32
      %dma_start3A_19 = tpu.memref_slice %arg7[%dma_start3A, %dma_start3A_18] : memref<100x100xi32, #tpu.memory_space<vmem>> -> memref<1x100xi32, #tpu.memory_space<vmem>>
      %dma_start3A_20 = tpu.memref_squeeze %dma_start3A_19 : memref<1x100xi32, #tpu.memory_space<vmem>> -> memref<100xi32, #tpu.memory_space<vmem>>
      %dma_start3A_21 = arith.constant 0 : i32
      %dma_start3A_22 = arith.constant 0 : i32
      %dma_start3A_23 = tpu.memref_slice %arg2[%dma_start3A_21, %dma_start3A_22] : memref<120000x64xf32, #tpu.memory_space<hbm>> -> memref<120000x64xf32, #tpu.memory_space<hbm>>
      tpu.enqueue_indirect_dma source(%dma_start3A_23 : memref<120000x64xf32, #tpu.memory_space<hbm>>) target(%arg8 : memref<100x64xf32, #tpu.memory_space<vmem>>) offsets(%dma_start3A_20 : memref<100xi32, #tpu.memory_space<vmem>>) semaphore(%arg12 : memref<!tpu.dma_semaphore, #tpu.memory_space<semaphore_mem>>)
      %scan3A_24 = arith.constant 0 : i32
      %scan3A_25 = arith.constant 0 : i32
      %scan3A_26 = arith.constant 50 : i32
      %scan3A_27 = arith.addi %scan3A_25, %scan3A_26 : i32
      %scan3A_28 = arith.constant 1 : i32
      %scan3A_29 = scf.for %scan3A_34 = %scan3A_25 to %scan3A_27 step %scan3A_28 iter_args(%scan3A_35 = %scan3A_24) -> (i32)  : i32 {
        %mul3A_36 = arith.constant 2 : i32
        %mul3A_37 = arith.muli %mul3A_36, %scan3A_34 : i32
        %add3A_38 = arith.constant 0 : i32
        %add3A_39 = arith.addi %add3A_38, %mul3A_37 : i32
        %add3A_40 = arith.constant 1 : i32
        %add3A_41 = arith.addi %mul3A_37, %add3A_40 : i32
        %dma_start3A_42 = arith.constant 0 : i32
        %dma_start3A_43 = tpu.memref_slice %arg7[%add3A_41, %dma_start3A_42] : memref<100x100xi32, #tpu.memory_space<vmem>> -> memref<1x100xi32, #tpu.memory_space<vmem>>
        %dma_start3A_44 = tpu.memref_squeeze %dma_start3A_43 : memref<1x100xi32, #tpu.memory_space<vmem>> -> memref<100xi32, #tpu.memory_space<vmem>>
        %dma_start3A_45 = arith.constant 0 : i32
        %dma_start3A_46 = arith.constant 0 : i32
        %dma_start3A_47 = tpu.memref_slice %arg2[%dma_start3A_45, %dma_start3A_46] : memref<120000x64xf32, #tpu.memory_space<hbm>> -> memref<120000x64xf32, #tpu.memory_space<hbm>>
        tpu.enqueue_indirect_dma source(%dma_start3A_47 : memref<120000x64xf32, #tpu.memory_space<hbm>>) target(%arg9 : memref<100x64xf32, #tpu.memory_space<vmem>>) offsets(%dma_start3A_44 : memref<100xi32, #tpu.memory_space<vmem>>) semaphore(%arg13 : memref<!tpu.dma_semaphore, #tpu.memory_space<semaphore_mem>>)
        %dma_wait3A = arith.constant 0 : i32
        %dma_wait3A_48 = tpu.memref_slice %arg7[%mul3A_37, %dma_wait3A] : memref<100x100xi32, #tpu.memory_space<vmem>> -> memref<1x100xi32, #tpu.memory_space<vmem>>
        %dma_wait3A_49 = tpu.memref_squeeze %dma_wait3A_48 : memref<1x100xi32, #tpu.memory_space<vmem>> -> memref<100xi32, #tpu.memory_space<vmem>>
        %dma_wait3A_50 = arith.constant 0 : i32
        %dma_wait3A_51 = arith.constant 0 : i32
        %dma_wait3A_52 = tpu.memref_slice %arg2[%dma_wait3A_50, %dma_wait3A_51] : memref<120000x64xf32, #tpu.memory_space<hbm>> -> memref<120000x64xf32, #tpu.memory_space<hbm>>
        tpu.wait_indirect_dma semaphore(%arg12 : memref<!tpu.dma_semaphore, #tpu.memory_space<semaphore_mem>>) src(%dma_wait3A_52 : memref<120000x64xf32, #tpu.memory_space<hbm>>) dst(%arg8 : memref<100x64xf32, #tpu.memory_space<vmem>>)
        "tpu.region"() ({
          %run_scoped3A = tpu.sem_alloc : memref<!tpu.dma_semaphore, #tpu.memory_space<semaphore_mem>>
          %dma_start3A_66 = arith.constant 0 : i32
          %dma_start3A_67 = tpu.memref_slice %arg6[%add3A_39, %dma_start3A_66] : memref<100x100xi32, #tpu.memory_space<vmem>> -> memref<1x100xi32, #tpu.memory_space<vmem>>
          %dma_start3A_68 = tpu.memref_squeeze %dma_start3A_67 : memref<1x100xi32, #tpu.memory_space<vmem>> -> memref<100xi32, #tpu.memory_space<vmem>>
          %dma_start3A_69 = arith.constant 0 : i32
          %dma_start3A_70 = arith.constant 0 : i32
          %dma_start3A_71 = tpu.memref_slice %arg11[%dma_start3A_69, %dma_start3A_70] : memref<10112x64xf32, #tpu.memory_space<vmem_shared>> -> memref<10112x64xf32, #tpu.memory_space<vmem_shared>>
          tpu.enqueue_indirect_dma source(%arg8 : memref<100x64xf32, #tpu.memory_space<vmem>>) target(%dma_start3A_71 : memref<10112x64xf32, #tpu.memory_space<vmem_shared>>) offsets(%dma_start3A_68 : memref<100xi32, #tpu.memory_space<vmem>>) semaphore(%run_scoped3A : memref<!tpu.dma_semaphore, #tpu.memory_space<semaphore_mem>>) {add = true}
          %dma_wait3A_72 = arith.constant 0 : i32
          %dma_wait3A_73 = tpu.memref_slice %arg6[%add3A_39, %dma_wait3A_72] : memref<100x100xi32, #tpu.memory_space<vmem>> -> memref<1x100xi32, #tpu.memory_space<vmem>>
          %dma_wait3A_74 = tpu.memref_squeeze %dma_wait3A_73 : memref<1x100xi32, #tpu.memory_space<vmem>> -> memref<100xi32, #tpu.memory_space<vmem>>
          %dma_wait3A_75 = arith.constant 0 : i32
          %dma_wait3A_76 = arith.constant 0 : i32
          %dma_wait3A_77 = tpu.memref_slice %arg11[%dma_wait3A_75, %dma_wait3A_76] : memref<10112x64xf32, #tpu.memory_space<vmem_shared>> -> memref<10112x64xf32, #tpu.memory_space<vmem_shared>>
          tpu.wait_indirect_dma semaphore(%run_scoped3A : memref<!tpu.dma_semaphore, #tpu.memory_space<semaphore_mem>>) src(%arg8 : memref<100x64xf32, #tpu.memory_space<vmem>>) dst(%dma_wait3A_77 : memref<10112x64xf32, #tpu.memory_space<vmem_shared>>)
          tpu.yield
        }) : () -> ()
        %lt3A = arith.constant 49 : i32
        %lt3A_53 = arith.cmpi slt, %scan3A_34, %lt3A : i32
        %convert_element_type3A = arith.extui %lt3A_53 : i1 to i32
        %cond3A = arith.constant 0 : i32
        %cond3A_54 = arith.cmpi ne, %convert_element_type3A, %cond3A : i32
        scf.if %cond3A_54 {
          %add3A_66 = arith.constant 2 : i32
          %add3A_67 = arith.addi %mul3A_37, %add3A_66 : i32
          %dma_start3A_68 = arith.constant 0 : i32
          %dma_start3A_69 = tpu.memref_slice %arg7[%add3A_67, %dma_start3A_68] : memref<100x100xi32, #tpu.memory_space<vmem>> -> memref<1x100xi32, #tpu.memory_space<vmem>>
          %dma_start3A_70 = tpu.memref_squeeze %dma_start3A_69 : memref<1x100xi32, #tpu.memory_space<vmem>> -> memref<100xi32, #tpu.memory_space<vmem>>
          %dma_start3A_71 = arith.constant 0 : i32
          %dma_start3A_72 = arith.constant 0 : i32
          %dma_start3A_73 = tpu.memref_slice %arg2[%dma_start3A_71, %dma_start3A_72] : memref<120000x64xf32, #tpu.memory_space<hbm>> -> memref<120000x64xf32, #tpu.memory_space<hbm>>
          tpu.enqueue_indirect_dma source(%dma_start3A_73 : memref<120000x64xf32, #tpu.memory_space<hbm>>) target(%arg8 : memref<100x64xf32, #tpu.memory_space<vmem>>) offsets(%dma_start3A_70 : memref<100xi32, #tpu.memory_space<vmem>>) semaphore(%arg12 : memref<!tpu.dma_semaphore, #tpu.memory_space<semaphore_mem>>)
        } else {
        }
        %add3A_55 = arith.constant 1 : i32
        %add3A_56 = arith.addi %mul3A_37, %add3A_55 : i32
        %dma_wait3A_57 = arith.constant 0 : i32
        %dma_wait3A_58 = tpu.memref_slice %arg7[%add3A_56, %dma_wait3A_57] : memref<100x100xi32, #tpu.memory_space<vmem>> -> memref<1x100xi32, #tpu.memory_space<vmem>>
        %dma_wait3A_59 = tpu.memref_squeeze %dma_wait3A_58 : memref<1x100xi32, #tpu.memory_space<vmem>> -> memref<100xi32, #tpu.memory_space<vmem>>
        %dma_wait3A_60 = arith.constant 0 : i32
        %dma_wait3A_61 = arith.constant 0 : i32
        %dma_wait3A_62 = tpu.memref_slice %arg2[%dma_wait3A_60, %dma_wait3A_61] : memref<120000x64xf32, #tpu.memory_space<hbm>> -> memref<120000x64xf32, #tpu.memory_space<hbm>>
        tpu.wait_indirect_dma semaphore(%arg13 : memref<!tpu.dma_semaphore, #tpu.memory_space<semaphore_mem>>) src(%dma_wait3A_62 : memref<120000x64xf32, #tpu.memory_space<hbm>>) dst(%arg9 : memref<100x64xf32, #tpu.memory_space<vmem>>)
        %add3A_63 = arith.constant 1 : i32
        %add3A_64 = arith.addi %add3A_39, %add3A_63 : i32
        "tpu.region"() ({
          %run_scoped3A = tpu.sem_alloc : memref<!tpu.dma_semaphore, #tpu.memory_space<semaphore_mem>>
          %dma_start3A_66 = arith.constant 0 : i32
          %dma_start3A_67 = tpu.memref_slice %arg6[%add3A_64, %dma_start3A_66] : memref<100x100xi32, #tpu.memory_space<vmem>> -> memref<1x100xi32, #tpu.memory_space<vmem>>
          %dma_start3A_68 = tpu.memref_squeeze %dma_start3A_67 : memref<1x100xi32, #tpu.memory_space<vmem>> -> memref<100xi32, #tpu.memory_space<vmem>>
          %dma_start3A_69 = arith.constant 0 : i32
          %dma_start3A_70 = arith.constant 0 : i32
          %dma_start3A_71 = tpu.memref_slice %arg11[%dma_start3A_69, %dma_start3A_70] : memref<10112x64xf32, #tpu.memory_space<vmem_shared>> -> memref<10112x64xf32, #tpu.memory_space<vmem_shared>>
          tpu.enqueue_indirect_dma source(%arg9 : memref<100x64xf32, #tpu.memory_space<vmem>>) target(%dma_start3A_71 : memref<10112x64xf32, #tpu.memory_space<vmem_shared>>) offsets(%dma_start3A_68 : memref<100xi32, #tpu.memory_space<vmem>>) semaphore(%run_scoped3A : memref<!tpu.dma_semaphore, #tpu.memory_space<semaphore_mem>>) {add = true}
          %dma_wait3A_72 = arith.constant 0 : i32
          %dma_wait3A_73 = tpu.memref_slice %arg6[%add3A_64, %dma_wait3A_72] : memref<100x100xi32, #tpu.memory_space<vmem>> -> memref<1x100xi32, #tpu.memory_space<vmem>>
          %dma_wait3A_74 = tpu.memref_squeeze %dma_wait3A_73 : memref<1x100xi32, #tpu.memory_space<vmem>> -> memref<100xi32, #tpu.memory_space<vmem>>
          %dma_wait3A_75 = arith.constant 0 : i32
          %dma_wait3A_76 = arith.constant 0 : i32
          %dma_wait3A_77 = tpu.memref_slice %arg11[%dma_wait3A_75, %dma_wait3A_76] : memref<10112x64xf32, #tpu.memory_space<vmem_shared>> -> memref<10112x64xf32, #tpu.memory_space<vmem_shared>>
          tpu.wait_indirect_dma semaphore(%run_scoped3A : memref<!tpu.dma_semaphore, #tpu.memory_space<semaphore_mem>>) src(%arg9 : memref<100x64xf32, #tpu.memory_space<vmem>>) dst(%dma_wait3A_77 : memref<10112x64xf32, #tpu.memory_space<vmem_shared>>)
          tpu.yield
        }) : () -> ()
        %scan3A_65 = arith.constant 0 : i32
        scf.yield %scan3A_65 : i32
      }
      %scan3A_30 = arith.constant 50 : i32
      %barrier3A_31 = arith.constant 0 : index
      tpu.barrier barrier_id(%barrier3A_31)
      "tpu.region"() ({
        %run_scoped3A = tpu.sem_alloc : memref<!tpu.dma_semaphore, #tpu.memory_space<semaphore_mem>>
        %dma_start3A_34 = arith.constant 0 : i32
        %dma_start3A_35 = arith.constant 0 : i32
        %dma_start3A_36 = tpu.memref_slice %arg5[%arg0, %scan3A_16, %arg1, %dma_start3A_34, %dma_start3A_35] : memref<2x12x16x632x64xf32, #tpu.memory_space<hbm>> -> memref<1x1x1x632x64xf32, #tpu.memory_space<hbm>>
        %dma_start3A_37 = tpu.memref_squeeze %dma_start3A_36 : memref<1x1x1x632x64xf32, #tpu.memory_space<hbm>> -> memref<632x64xf32, #tpu.memory_space<hbm>>
        %dma_start3A_38 = arith.constant 0 : i32
        %dma_start3A_39 = tpu.memref_slice %arg11[%mul3A_2, %dma_start3A_38] : memref<10112x64xf32, #tpu.memory_space<vmem_shared>> -> memref<632x64xf32, #tpu.memory_space<vmem_shared>>
        tpu.enqueue_dma source(%dma_start3A_39 : memref<632x64xf32, #tpu.memory_space<vmem_shared>>) target(%dma_start3A_37 : memref<632x64xf32, #tpu.memory_space<hbm>>) target_semaphore(%run_scoped3A : memref<!tpu.dma_semaphore, #tpu.memory_space<semaphore_mem>>)
        %dma_wait3A = arith.constant 0 : i32
        %dma_wait3A_40 = arith.constant 0 : i32
        %dma_wait3A_41 = tpu.memref_slice %arg5[%arg0, %scan3A_16, %arg1, %dma_wait3A, %dma_wait3A_40] : memref<2x12x16x632x64xf32, #tpu.memory_space<hbm>> -> memref<1x1x1x632x64xf32, #tpu.memory_space<hbm>>
        %dma_wait3A_42 = tpu.memref_squeeze %dma_wait3A_41 : memref<1x1x1x632x64xf32, #tpu.memory_space<hbm>> -> memref<632x64xf32, #tpu.memory_space<hbm>>
        %dma_wait3A_43 = arith.constant 0 : i32
        %dma_wait3A_44 = tpu.memref_slice %arg11[%mul3A_2, %dma_wait3A_43] : memref<10112x64xf32, #tpu.memory_space<vmem_shared>> -> memref<632x64xf32, #tpu.memory_space<vmem_shared>>
        tpu.wait_dma2 semaphore(%run_scoped3A : memref<!tpu.dma_semaphore, #tpu.memory_space<semaphore_mem>>) src(%dma_wait3A_44 : memref<632x64xf32, #tpu.memory_space<vmem_shared>>) dst(%dma_wait3A_42 : memref<632x64xf32, #tpu.memory_space<hbm>>)
        tpu.yield
      }) : () -> ()
      "tpu.region"() ({
        %run_scoped3A = tpu.sem_alloc : memref<!tpu.dma_semaphore, #tpu.memory_space<semaphore_mem>>
        %dma_start3A_34 = arith.constant 0 : i32
        %dma_start3A_35 = tpu.memref_slice %arg11[%mul3A_2, %dma_start3A_34] : memref<10112x64xf32, #tpu.memory_space<vmem_shared>> -> memref<632x64xf32, #tpu.memory_space<vmem_shared>>
        %dma_start3A_36 = arith.constant 0 : i32
        %dma_start3A_37 = tpu.memref_slice %arg11[%mul3A_2, %dma_start3A_36] : memref<10112x64xf32, #tpu.memory_space<vmem_shared>> -> memref<632x64xf32, #tpu.memory_space<vmem_shared>>
        tpu.enqueue_dma source(%arg10 : memref<632x64xf32, #tpu.memory_space<vmem>>) target(%dma_start3A_37 : memref<632x64xf32, #tpu.memory_space<vmem_shared>>) target_semaphore(%run_scoped3A : memref<!tpu.dma_semaphore, #tpu.memory_space<semaphore_mem>>)
        %dma_wait3A = arith.constant 0 : i32
        %dma_wait3A_38 = tpu.memref_slice %arg11[%mul3A_2, %dma_wait3A] : memref<10112x64xf32, #tpu.memory_space<vmem_shared>> -> memref<632x64xf32, #tpu.memory_space<vmem_shared>>
        %dma_wait3A_39 = arith.constant 0 : i32
        %dma_wait3A_40 = tpu.memref_slice %arg11[%mul3A_2, %dma_wait3A_39] : memref<10112x64xf32, #tpu.memory_space<vmem_shared>> -> memref<632x64xf32, #tpu.memory_space<vmem_shared>>
        tpu.wait_dma2 semaphore(%run_scoped3A : memref<!tpu.dma_semaphore, #tpu.memory_space<semaphore_mem>>) src(%arg10 : memref<632x64xf32, #tpu.memory_space<vmem>>) dst(%dma_wait3A_40 : memref<632x64xf32, #tpu.memory_space<vmem_shared>>)
        tpu.yield
      }) : () -> ()
      %barrier3A_32 = arith.constant 0 : index
      tpu.barrier barrier_id(%barrier3A_32)
      %scan3A_33 = arith.constant 0 : i32
      scf.yield %scan3A_33 : i32
    }
    %scan3A_15 = arith.constant 12 : i32
    return
  }
}

#map = affine_map<(d0, d1) -> (0, 0)>
#map1 = affine_map<(d0, d1) -> (0, 0, 0, 0)>
#map2 = affine_map<(d0, d1) -> (0, 0, 0)>
#map3 = affine_map<(d0, d1) -> (0, 0, 0, 0, 0)>
module attributes {stable_mosaic.version = 14 : i64} {
  func.func @prop(%arg0: i32, %arg1: i32, %arg2: memref<10000x16xf32, #tpu.memory_space<hbm>>, %arg3: memref<1x32x100x100xi32, #tpu.memory_space<hbm>>, %arg4: memref<32x100x100xi32, #tpu.memory_space<hbm>>, %arg5: memref<2x1x16x632x16xf32, #tpu.memory_space<hbm>>, %arg6: memref<100x100xi32, #tpu.memory_space<vmem>>, %arg7: memref<100x100xi32, #tpu.memory_space<vmem>>, %arg8: memref<100x16xf32, #tpu.memory_space<vmem>>, %arg9: memref<100x16xf32, #tpu.memory_space<vmem>>, %arg10: memref<632x16xf32, #tpu.memory_space<vmem>>, %arg11: memref<10112x16xf32, #tpu.memory_space<vmem_shared>>, %arg12: memref<!tpu.dma_semaphore, #tpu.memory_space<semaphore_mem>>, %arg13: memref<!tpu.dma_semaphore, #tpu.memory_space<semaphore_mem>>) attributes {dimension_semantics = [#tpu.dimension_semantics<core_parallel>, #tpu.dimension_semantics<subcore_parallel>], iteration_bounds = array<i64: 2, 16>, scalar_prefetch = 0 : i64, scratch_operands = 8 : i64, tpu.core_type = #tpu.core_type<sc_vector_subcore>, window_params = [{transform_indices = #map}, {transform_indices = #map1}, {transform_indices = #map2}, {transform_indices = #map3}]} {
    %mul3A = arith.constant 16 : i32
    %mul3A_0 = arith.muli %arg0, %mul3A : i32
    %add3A = arith.addi %mul3A_0, %arg1 : i32
    %mul3A_1 = arith.constant 632 : i32
    %mul3A_2 = arith.muli %arg1, %mul3A_1 : i32
    %scan3A = arith.constant 0 : i32
    %scan3A_3 = arith.constant 0 : i32
    %scan3A_4 = arith.constant 632 : i32
    %scan3A_5 = arith.addi %scan3A_3, %scan3A_4 : i32
    %scan3A_6 = arith.constant 1 : i32
    %scan3A_7 = scf.for %scan3A_28 = %scan3A_3 to %scan3A_5 step %scan3A_6 iter_args(%scan3A_29 = %scan3A) -> (i32)  : i32 {
      %broadcast_in_dim3A = arith.constant 0.000000e+00 : f32
      %broadcast_in_dim3A_30 = vector.broadcast %broadcast_in_dim3A : f32 to vector<16xf32>
      %swap3A = arith.index_cast %scan3A_28 : i32 to index
      %swap3A_31 = arith.constant 0 : index
      %swap3A_32 = tpu.vector_load %arg10[%swap3A, %swap3A_31] {strides = array<i32>} : memref<632x16xf32, #tpu.memory_space<vmem>>, vector<1x16xf32>,
      %swap3A_33 = vector.shape_cast %swap3A_32 : vector<1x16xf32> to vector<16xf32>
      %swap3A_34 = vector.shape_cast %broadcast_in_dim3A_30 : vector<16xf32> to vector<1x16xf32>
      tpu.vector_store %arg10[%swap3A, %swap3A_31], %swap3A_34 {strides = array<i32>} : memref<632x16xf32, #tpu.memory_space<vmem>>, vector<1x16xf32>,
      %scan3A_35 = arith.constant 0 : i32
      scf.yield %scan3A_35 : i32
    }
    %scan3A_8 = arith.constant 632 : i32
    "tpu.region"() ({
      %run_scoped3A = tpu.sem_alloc : memref<!tpu.dma_semaphore, #tpu.memory_space<semaphore_mem>>
      %dma_start3A_28 = arith.constant 0 : i32
      %dma_start3A_29 = arith.constant 0 : i32
      %dma_start3A_30 = tpu.memref_slice %arg4[%add3A, %dma_start3A_28, %dma_start3A_29] : memref<32x100x100xi32, #tpu.memory_space<hbm>> -> memref<1x100x100xi32, #tpu.memory_space<hbm>>
      %dma_start3A_31 = tpu.memref_squeeze %dma_start3A_30 : memref<1x100x100xi32, #tpu.memory_space<hbm>> -> memref<100x100xi32, #tpu.memory_space<hbm>>
      %dma_start3A_32 = arith.constant 0 : i32
      %dma_start3A_33 = arith.constant 0 : i32
      %dma_start3A_34 = tpu.memref_slice %arg4[%add3A, %dma_start3A_32, %dma_start3A_33] : memref<32x100x100xi32, #tpu.memory_space<hbm>> -> memref<1x100x100xi32, #tpu.memory_space<hbm>>
      %dma_start3A_35 = tpu.memref_squeeze %dma_start3A_34 : memref<1x100x100xi32, #tpu.memory_space<hbm>> -> memref<100x100xi32, #tpu.memory_space<hbm>>
      tpu.enqueue_dma source(%dma_start3A_35 : memref<100x100xi32, #tpu.memory_space<hbm>>) target(%arg6 : memref<100x100xi32, #tpu.memory_space<vmem>>) target_semaphore(%run_scoped3A : memref<!tpu.dma_semaphore, #tpu.memory_space<semaphore_mem>>)
      %dma_wait3A = arith.constant 0 : i32
      %dma_wait3A_36 = arith.constant 0 : i32
      %dma_wait3A_37 = tpu.memref_slice %arg4[%add3A, %dma_wait3A, %dma_wait3A_36] : memref<32x100x100xi32, #tpu.memory_space<hbm>> -> memref<1x100x100xi32, #tpu.memory_space<hbm>>
      %dma_wait3A_38 = tpu.memref_squeeze %dma_wait3A_37 : memref<1x100x100xi32, #tpu.memory_space<hbm>> -> memref<100x100xi32, #tpu.memory_space<hbm>>
      %dma_wait3A_39 = arith.constant 0 : i32
      %dma_wait3A_40 = arith.constant 0 : i32
      %dma_wait3A_41 = tpu.memref_slice %arg4[%add3A, %dma_wait3A_39, %dma_wait3A_40] : memref<32x100x100xi32, #tpu.memory_space<hbm>> -> memref<1x100x100xi32, #tpu.memory_space<hbm>>
      %dma_wait3A_42 = tpu.memref_squeeze %dma_wait3A_41 : memref<1x100x100xi32, #tpu.memory_space<hbm>> -> memref<100x100xi32, #tpu.memory_space<hbm>>
      tpu.wait_dma2 semaphore(%run_scoped3A : memref<!tpu.dma_semaphore, #tpu.memory_space<semaphore_mem>>) src(%dma_wait3A_42 : memref<100x100xi32, #tpu.memory_space<hbm>>) dst(%arg6 : memref<100x100xi32, #tpu.memory_space<vmem>>)
      tpu.yield
    }) : () -> ()
    "tpu.region"() ({
      %run_scoped3A = tpu.sem_alloc : memref<!tpu.dma_semaphore, #tpu.memory_space<semaphore_mem>>
      %dma_start3A_28 = arith.constant 0 : i32
      %dma_start3A_29 = tpu.memref_slice %arg11[%mul3A_2, %dma_start3A_28] : memref<10112x16xf32, #tpu.memory_space<vmem_shared>> -> memref<632x16xf32, #tpu.memory_space<vmem_shared>>
      %dma_start3A_30 = arith.constant 0 : i32
      %dma_start3A_31 = tpu.memref_slice %arg11[%mul3A_2, %dma_start3A_30] : memref<10112x16xf32, #tpu.memory_space<vmem_shared>> -> memref<632x16xf32, #tpu.memory_space<vmem_shared>>
      tpu.enqueue_dma source(%arg10 : memref<632x16xf32, #tpu.memory_space<vmem>>) target(%dma_start3A_31 : memref<632x16xf32, #tpu.memory_space<vmem_shared>>) target_semaphore(%run_scoped3A : memref<!tpu.dma_semaphore, #tpu.memory_space<semaphore_mem>>)
      %dma_wait3A = arith.constant 0 : i32
      %dma_wait3A_32 = tpu.memref_slice %arg11[%mul3A_2, %dma_wait3A] : memref<10112x16xf32, #tpu.memory_space<vmem_shared>> -> memref<632x16xf32, #tpu.memory_space<vmem_shared>>
      %dma_wait3A_33 = arith.constant 0 : i32
      %dma_wait3A_34 = tpu.memref_slice %arg11[%mul3A_2, %dma_wait3A_33] : memref<10112x16xf32, #tpu.memory_space<vmem_shared>> -> memref<632x16xf32, #tpu.memory_space<vmem_shared>>
      tpu.wait_dma2 semaphore(%run_scoped3A : memref<!tpu.dma_semaphore, #tpu.memory_space<semaphore_mem>>) src(%arg10 : memref<632x16xf32, #tpu.memory_space<vmem>>) dst(%dma_wait3A_34 : memref<632x16xf32, #tpu.memory_space<vmem_shared>>)
      tpu.yield
    }) : () -> ()
    %barrier3A = arith.constant 0 : index
    tpu.barrier barrier_id(%barrier3A)
    %scan3A_9 = arith.constant 0 : i32
    %scan3A_10 = arith.constant 0 : i32
    "tpu.region"() ({
      %run_scoped3A = tpu.sem_alloc : memref<!tpu.dma_semaphore, #tpu.memory_space<semaphore_mem>>
      %dma_start3A_28 = arith.constant 0 : i32
      %dma_start3A_29 = arith.constant 0 : i32
      %dma_start3A_30 = tpu.memref_slice %arg3[%scan3A_10, %add3A, %dma_start3A_28, %dma_start3A_29] : memref<1x32x100x100xi32, #tpu.memory_space<hbm>> -> memref<1x1x100x100xi32, #tpu.memory_space<hbm>>
      %dma_start3A_31 = tpu.memref_squeeze %dma_start3A_30 : memref<1x1x100x100xi32, #tpu.memory_space<hbm>> -> memref<100x100xi32, #tpu.memory_space<hbm>>
      %dma_start3A_32 = arith.constant 0 : i32
      %dma_start3A_33 = arith.constant 0 : i32
      %dma_start3A_34 = tpu.memref_slice %arg3[%scan3A_10, %add3A, %dma_start3A_32, %dma_start3A_33] : memref<1x32x100x100xi32, #tpu.memory_space<hbm>> -> memref<1x1x100x100xi32, #tpu.memory_space<hbm>>
      %dma_start3A_35 = tpu.memref_squeeze %dma_start3A_34 : memref<1x1x100x100xi32, #tpu.memory_space<hbm>> -> memref<100x100xi32, #tpu.memory_space<hbm>>
      tpu.enqueue_dma source(%dma_start3A_35 : memref<100x100xi32, #tpu.memory_space<hbm>>) target(%arg7 : memref<100x100xi32, #tpu.memory_space<vmem>>) target_semaphore(%run_scoped3A : memref<!tpu.dma_semaphore, #tpu.memory_space<semaphore_mem>>)
      %dma_wait3A = arith.constant 0 : i32
      %dma_wait3A_36 = arith.constant 0 : i32
      %dma_wait3A_37 = tpu.memref_slice %arg3[%scan3A_10, %add3A, %dma_wait3A, %dma_wait3A_36] : memref<1x32x100x100xi32, #tpu.memory_space<hbm>> -> memref<1x1x100x100xi32, #tpu.memory_space<hbm>>
      %dma_wait3A_38 = tpu.memref_squeeze %dma_wait3A_37 : memref<1x1x100x100xi32, #tpu.memory_space<hbm>> -> memref<100x100xi32, #tpu.memory_space<hbm>>
      %dma_wait3A_39 = arith.constant 0 : i32
      %dma_wait3A_40 = arith.constant 0 : i32
      %dma_wait3A_41 = tpu.memref_slice %arg3[%scan3A_10, %add3A, %dma_wait3A_39, %dma_wait3A_40] : memref<1x32x100x100xi32, #tpu.memory_space<hbm>> -> memref<1x1x100x100xi32, #tpu.memory_space<hbm>>
      %dma_wait3A_42 = tpu.memref_squeeze %dma_wait3A_41 : memref<1x1x100x100xi32, #tpu.memory_space<hbm>> -> memref<100x100xi32, #tpu.memory_space<hbm>>
      tpu.wait_dma2 semaphore(%run_scoped3A : memref<!tpu.dma_semaphore, #tpu.memory_space<semaphore_mem>>) src(%dma_wait3A_42 : memref<100x100xi32, #tpu.memory_space<hbm>>) dst(%arg7 : memref<100x100xi32, #tpu.memory_space<vmem>>)
      tpu.yield
    }) : () -> ()
    %dma_start3A = arith.constant 0 : i32
    %dma_start3A_11 = arith.constant 0 : i32
    %dma_start3A_12 = tpu.memref_slice %arg7[%dma_start3A, %dma_start3A_11] : memref<100x100xi32, #tpu.memory_space<vmem>> -> memref<1x100xi32, #tpu.memory_space<vmem>>
    %dma_start3A_13 = tpu.memref_squeeze %dma_start3A_12 : memref<1x100xi32, #tpu.memory_space<vmem>> -> memref<100xi32, #tpu.memory_space<vmem>>
    %dma_start3A_14 = arith.constant 0 : i32
    %dma_start3A_15 = arith.constant 0 : i32
    %dma_start3A_16 = tpu.memref_slice %arg2[%dma_start3A_14, %dma_start3A_15] : memref<10000x16xf32, #tpu.memory_space<hbm>> -> memref<10000x16xf32, #tpu.memory_space<hbm>>
    tpu.enqueue_indirect_dma source(%dma_start3A_16 : memref<10000x16xf32, #tpu.memory_space<hbm>>) target(%arg8 : memref<100x16xf32, #tpu.memory_space<vmem>>) offsets(%dma_start3A_13 : memref<100xi32, #tpu.memory_space<vmem>>) semaphore(%arg12 : memref<!tpu.dma_semaphore, #tpu.memory_space<semaphore_mem>>)
    %scan3A_17 = arith.constant 0 : i32
    %scan3A_18 = arith.constant 0 : i32
    %scan3A_19 = arith.constant 50 : i32
    %scan3A_20 = arith.addi %scan3A_18, %scan3A_19 : i32
    %scan3A_21 = arith.constant 1 : i32
    %scan3A_22 = scf.for %scan3A_28 = %scan3A_18 to %scan3A_20 step %scan3A_21 iter_args(%scan3A_29 = %scan3A_17) -> (i32)  : i32 {
      %mul3A_30 = arith.constant 2 : i32
      %mul3A_31 = arith.muli %mul3A_30, %scan3A_28 : i32
      %add3A_32 = arith.constant 0 : i32
      %add3A_33 = arith.addi %add3A_32, %mul3A_31 : i32
      %add3A_34 = arith.constant 1 : i32
      %add3A_35 = arith.addi %mul3A_31, %add3A_34 : i32
      %dma_start3A_36 = arith.constant 0 : i32
      %dma_start3A_37 = tpu.memref_slice %arg7[%add3A_35, %dma_start3A_36] : memref<100x100xi32, #tpu.memory_space<vmem>> -> memref<1x100xi32, #tpu.memory_space<vmem>>
      %dma_start3A_38 = tpu.memref_squeeze %dma_start3A_37 : memref<1x100xi32, #tpu.memory_space<vmem>> -> memref<100xi32, #tpu.memory_space<vmem>>
      %dma_start3A_39 = arith.constant 0 : i32
      %dma_start3A_40 = arith.constant 0 : i32
      %dma_start3A_41 = tpu.memref_slice %arg2[%dma_start3A_39, %dma_start3A_40] : memref<10000x16xf32, #tpu.memory_space<hbm>> -> memref<10000x16xf32, #tpu.memory_space<hbm>>
      tpu.enqueue_indirect_dma source(%dma_start3A_41 : memref<10000x16xf32, #tpu.memory_space<hbm>>) target(%arg9 : memref<100x16xf32, #tpu.memory_space<vmem>>) offsets(%dma_start3A_38 : memref<100xi32, #tpu.memory_space<vmem>>) semaphore(%arg13 : memref<!tpu.dma_semaphore, #tpu.memory_space<semaphore_mem>>)
      %dma_wait3A = arith.constant 0 : i32
      %dma_wait3A_42 = tpu.memref_slice %arg7[%mul3A_31, %dma_wait3A] : memref<100x100xi32, #tpu.memory_space<vmem>> -> memref<1x100xi32, #tpu.memory_space<vmem>>
      %dma_wait3A_43 = tpu.memref_squeeze %dma_wait3A_42 : memref<1x100xi32, #tpu.memory_space<vmem>> -> memref<100xi32, #tpu.memory_space<vmem>>
      %dma_wait3A_44 = arith.constant 0 : i32
      %dma_wait3A_45 = arith.constant 0 : i32
      %dma_wait3A_46 = tpu.memref_slice %arg2[%dma_wait3A_44, %dma_wait3A_45] : memref<10000x16xf32, #tpu.memory_space<hbm>> -> memref<10000x16xf32, #tpu.memory_space<hbm>>
      tpu.wait_indirect_dma semaphore(%arg12 : memref<!tpu.dma_semaphore, #tpu.memory_space<semaphore_mem>>) src(%dma_wait3A_46 : memref<10000x16xf32, #tpu.memory_space<hbm>>) dst(%arg8 : memref<100x16xf32, #tpu.memory_space<vmem>>)
      "tpu.region"() ({
        %run_scoped3A = tpu.sem_alloc : memref<!tpu.dma_semaphore, #tpu.memory_space<semaphore_mem>>
        %dma_start3A_60 = arith.constant 0 : i32
        %dma_start3A_61 = tpu.memref_slice %arg6[%add3A_33, %dma_start3A_60] : memref<100x100xi32, #tpu.memory_space<vmem>> -> memref<1x100xi32, #tpu.memory_space<vmem>>
        %dma_start3A_62 = tpu.memref_squeeze %dma_start3A_61 : memref<1x100xi32, #tpu.memory_space<vmem>> -> memref<100xi32, #tpu.memory_space<vmem>>
        %dma_start3A_63 = arith.constant 0 : i32
        %dma_start3A_64 = arith.constant 0 : i32
        %dma_start3A_65 = tpu.memref_slice %arg11[%dma_start3A_63, %dma_start3A_64] : memref<10112x16xf32, #tpu.memory_space<vmem_shared>> -> memref<10112x16xf32, #tpu.memory_space<vmem_shared>>
        tpu.enqueue_indirect_dma source(%arg8 : memref<100x16xf32, #tpu.memory_space<vmem>>) target(%dma_start3A_65 : memref<10112x16xf32, #tpu.memory_space<vmem_shared>>) offsets(%dma_start3A_62 : memref<100xi32, #tpu.memory_space<vmem>>) semaphore(%run_scoped3A : memref<!tpu.dma_semaphore, #tpu.memory_space<semaphore_mem>>) {add = true}
        %dma_wait3A_66 = arith.constant 0 : i32
        %dma_wait3A_67 = tpu.memref_slice %arg6[%add3A_33, %dma_wait3A_66] : memref<100x100xi32, #tpu.memory_space<vmem>> -> memref<1x100xi32, #tpu.memory_space<vmem>>
        %dma_wait3A_68 = tpu.memref_squeeze %dma_wait3A_67 : memref<1x100xi32, #tpu.memory_space<vmem>> -> memref<100xi32, #tpu.memory_space<vmem>>
        %dma_wait3A_69 = arith.constant 0 : i32
        %dma_wait3A_70 = arith.constant 0 : i32
        %dma_wait3A_71 = tpu.memref_slice %arg11[%dma_wait3A_69, %dma_wait3A_70] : memref<10112x16xf32, #tpu.memory_space<vmem_shared>> -> memref<10112x16xf32, #tpu.memory_space<vmem_shared>>
        tpu.wait_indirect_dma semaphore(%run_scoped3A : memref<!tpu.dma_semaphore, #tpu.memory_space<semaphore_mem>>) src(%arg8 : memref<100x16xf32, #tpu.memory_space<vmem>>) dst(%dma_wait3A_71 : memref<10112x16xf32, #tpu.memory_space<vmem_shared>>)
        tpu.yield
      }) : () -> ()
      %lt3A = arith.constant 49 : i32
      %lt3A_47 = arith.cmpi slt, %scan3A_28, %lt3A : i32
      %convert_element_type3A = arith.extui %lt3A_47 : i1 to i32
      %cond3A = arith.constant 0 : i32
      %cond3A_48 = arith.cmpi ne, %convert_element_type3A, %cond3A : i32
      scf.if %cond3A_48 {
        %add3A_60 = arith.constant 2 : i32
        %add3A_61 = arith.addi %mul3A_31, %add3A_60 : i32
        %dma_start3A_62 = arith.constant 0 : i32
        %dma_start3A_63 = tpu.memref_slice %arg7[%add3A_61, %dma_start3A_62] : memref<100x100xi32, #tpu.memory_space<vmem>> -> memref<1x100xi32, #tpu.memory_space<vmem>>
        %dma_start3A_64 = tpu.memref_squeeze %dma_start3A_63 : memref<1x100xi32, #tpu.memory_space<vmem>> -> memref<100xi32, #tpu.memory_space<vmem>>
        %dma_start3A_65 = arith.constant 0 : i32
        %dma_start3A_66 = arith.constant 0 : i32
        %dma_start3A_67 = tpu.memref_slice %arg2[%dma_start3A_65, %dma_start3A_66] : memref<10000x16xf32, #tpu.memory_space<hbm>> -> memref<10000x16xf32, #tpu.memory_space<hbm>>
        tpu.enqueue_indirect_dma source(%dma_start3A_67 : memref<10000x16xf32, #tpu.memory_space<hbm>>) target(%arg8 : memref<100x16xf32, #tpu.memory_space<vmem>>) offsets(%dma_start3A_64 : memref<100xi32, #tpu.memory_space<vmem>>) semaphore(%arg12 : memref<!tpu.dma_semaphore, #tpu.memory_space<semaphore_mem>>)
      } else {
      }
      %add3A_49 = arith.constant 1 : i32
      %add3A_50 = arith.addi %mul3A_31, %add3A_49 : i32
      %dma_wait3A_51 = arith.constant 0 : i32
      %dma_wait3A_52 = tpu.memref_slice %arg7[%add3A_50, %dma_wait3A_51] : memref<100x100xi32, #tpu.memory_space<vmem>> -> memref<1x100xi32, #tpu.memory_space<vmem>>
      %dma_wait3A_53 = tpu.memref_squeeze %dma_wait3A_52 : memref<1x100xi32, #tpu.memory_space<vmem>> -> memref<100xi32, #tpu.memory_space<vmem>>
      %dma_wait3A_54 = arith.constant 0 : i32
      %dma_wait3A_55 = arith.constant 0 : i32
      %dma_wait3A_56 = tpu.memref_slice %arg2[%dma_wait3A_54, %dma_wait3A_55] : memref<10000x16xf32, #tpu.memory_space<hbm>> -> memref<10000x16xf32, #tpu.memory_space<hbm>>
      tpu.wait_indirect_dma semaphore(%arg13 : memref<!tpu.dma_semaphore, #tpu.memory_space<semaphore_mem>>) src(%dma_wait3A_56 : memref<10000x16xf32, #tpu.memory_space<hbm>>) dst(%arg9 : memref<100x16xf32, #tpu.memory_space<vmem>>)
      %add3A_57 = arith.constant 1 : i32
      %add3A_58 = arith.addi %add3A_33, %add3A_57 : i32
      "tpu.region"() ({
        %run_scoped3A = tpu.sem_alloc : memref<!tpu.dma_semaphore, #tpu.memory_space<semaphore_mem>>
        %dma_start3A_60 = arith.constant 0 : i32
        %dma_start3A_61 = tpu.memref_slice %arg6[%add3A_58, %dma_start3A_60] : memref<100x100xi32, #tpu.memory_space<vmem>> -> memref<1x100xi32, #tpu.memory_space<vmem>>
        %dma_start3A_62 = tpu.memref_squeeze %dma_start3A_61 : memref<1x100xi32, #tpu.memory_space<vmem>> -> memref<100xi32, #tpu.memory_space<vmem>>
        %dma_start3A_63 = arith.constant 0 : i32
        %dma_start3A_64 = arith.constant 0 : i32
        %dma_start3A_65 = tpu.memref_slice %arg11[%dma_start3A_63, %dma_start3A_64] : memref<10112x16xf32, #tpu.memory_space<vmem_shared>> -> memref<10112x16xf32, #tpu.memory_space<vmem_shared>>
        tpu.enqueue_indirect_dma source(%arg9 : memref<100x16xf32, #tpu.memory_space<vmem>>) target(%dma_start3A_65 : memref<10112x16xf32, #tpu.memory_space<vmem_shared>>) offsets(%dma_start3A_62 : memref<100xi32, #tpu.memory_space<vmem>>) semaphore(%run_scoped3A : memref<!tpu.dma_semaphore, #tpu.memory_space<semaphore_mem>>) {add = true}
        %dma_wait3A_66 = arith.constant 0 : i32
        %dma_wait3A_67 = tpu.memref_slice %arg6[%add3A_58, %dma_wait3A_66] : memref<100x100xi32, #tpu.memory_space<vmem>> -> memref<1x100xi32, #tpu.memory_space<vmem>>
        %dma_wait3A_68 = tpu.memref_squeeze %dma_wait3A_67 : memref<1x100xi32, #tpu.memory_space<vmem>> -> memref<100xi32, #tpu.memory_space<vmem>>
        %dma_wait3A_69 = arith.constant 0 : i32
        %dma_wait3A_70 = arith.constant 0 : i32
        %dma_wait3A_71 = tpu.memref_slice %arg11[%dma_wait3A_69, %dma_wait3A_70] : memref<10112x16xf32, #tpu.memory_space<vmem_shared>> -> memref<10112x16xf32, #tpu.memory_space<vmem_shared>>
        tpu.wait_indirect_dma semaphore(%run_scoped3A : memref<!tpu.dma_semaphore, #tpu.memory_space<semaphore_mem>>) src(%arg9 : memref<100x16xf32, #tpu.memory_space<vmem>>) dst(%dma_wait3A_71 : memref<10112x16xf32, #tpu.memory_space<vmem_shared>>)
        tpu.yield
      }) : () -> ()
      %scan3A_59 = arith.constant 0 : i32
      scf.yield %scan3A_59 : i32
    }
    %scan3A_23 = arith.constant 50 : i32
    %barrier3A_24 = arith.constant 0 : index
    tpu.barrier barrier_id(%barrier3A_24)
    "tpu.region"() ({
      %run_scoped3A = tpu.sem_alloc : memref<!tpu.dma_semaphore, #tpu.memory_space<semaphore_mem>>
      %dma_start3A_28 = arith.constant 0 : i32
      %dma_start3A_29 = arith.constant 0 : i32
      %dma_start3A_30 = tpu.memref_slice %arg5[%arg0, %scan3A_10, %arg1, %dma_start3A_28, %dma_start3A_29] : memref<2x1x16x632x16xf32, #tpu.memory_space<hbm>> -> memref<1x1x1x632x16xf32, #tpu.memory_space<hbm>>
      %dma_start3A_31 = tpu.memref_squeeze %dma_start3A_30 : memref<1x1x1x632x16xf32, #tpu.memory_space<hbm>> -> memref<632x16xf32, #tpu.memory_space<hbm>>
      %dma_start3A_32 = arith.constant 0 : i32
      %dma_start3A_33 = tpu.memref_slice %arg11[%mul3A_2, %dma_start3A_32] : memref<10112x16xf32, #tpu.memory_space<vmem_shared>> -> memref<632x16xf32, #tpu.memory_space<vmem_shared>>
      tpu.enqueue_dma source(%dma_start3A_33 : memref<632x16xf32, #tpu.memory_space<vmem_shared>>) target(%dma_start3A_31 : memref<632x16xf32, #tpu.memory_space<hbm>>) target_semaphore(%run_scoped3A : memref<!tpu.dma_semaphore, #tpu.memory_space<semaphore_mem>>)
      %dma_wait3A = arith.constant 0 : i32
      %dma_wait3A_34 = arith.constant 0 : i32
      %dma_wait3A_35 = tpu.memref_slice %arg5[%arg0, %scan3A_10, %arg1, %dma_wait3A, %dma_wait3A_34] : memref<2x1x16x632x16xf32, #tpu.memory_space<hbm>> -> memref<1x1x1x632x16xf32, #tpu.memory_space<hbm>>
      %dma_wait3A_36 = tpu.memref_squeeze %dma_wait3A_35 : memref<1x1x1x632x16xf32, #tpu.memory_space<hbm>> -> memref<632x16xf32, #tpu.memory_space<hbm>>
      %dma_wait3A_37 = arith.constant 0 : i32
      %dma_wait3A_38 = tpu.memref_slice %arg11[%mul3A_2, %dma_wait3A_37] : memref<10112x16xf32, #tpu.memory_space<vmem_shared>> -> memref<632x16xf32, #tpu.memory_space<vmem_shared>>
      tpu.wait_dma2 semaphore(%run_scoped3A : memref<!tpu.dma_semaphore, #tpu.memory_space<semaphore_mem>>) src(%dma_wait3A_38 : memref<632x16xf32, #tpu.memory_space<vmem_shared>>) dst(%dma_wait3A_36 : memref<632x16xf32, #tpu.memory_space<hbm>>)
      tpu.yield
    }) : () -> ()
    "tpu.region"() ({
      %run_scoped3A = tpu.sem_alloc : memref<!tpu.dma_semaphore, #tpu.memory_space<semaphore_mem>>
      %dma_start3A_28 = arith.constant 0 : i32
      %dma_start3A_29 = tpu.memref_slice %arg11[%mul3A_2, %dma_start3A_28] : memref<10112x16xf32, #tpu.memory_space<vmem_shared>> -> memref<632x16xf32, #tpu.memory_space<vmem_shared>>
      %dma_start3A_30 = arith.constant 0 : i32
      %dma_start3A_31 = tpu.memref_slice %arg11[%mul3A_2, %dma_start3A_30] : memref<10112x16xf32, #tpu.memory_space<vmem_shared>> -> memref<632x16xf32, #tpu.memory_space<vmem_shared>>
      tpu.enqueue_dma source(%arg10 : memref<632x16xf32, #tpu.memory_space<vmem>>) target(%dma_start3A_31 : memref<632x16xf32, #tpu.memory_space<vmem_shared>>) target_semaphore(%run_scoped3A : memref<!tpu.dma_semaphore, #tpu.memory_space<semaphore_mem>>)
      %dma_wait3A = arith.constant 0 : i32
      %dma_wait3A_32 = tpu.memref_slice %arg11[%mul3A_2, %dma_wait3A] : memref<10112x16xf32, #tpu.memory_space<vmem_shared>> -> memref<632x16xf32, #tpu.memory_space<vmem_shared>>
      %dma_wait3A_33 = arith.constant 0 : i32
      %dma_wait3A_34 = tpu.memref_slice %arg11[%mul3A_2, %dma_wait3A_33] : memref<10112x16xf32, #tpu.memory_space<vmem_shared>> -> memref<632x16xf32, #tpu.memory_space<vmem_shared>>
      tpu.wait_dma2 semaphore(%run_scoped3A : memref<!tpu.dma_semaphore, #tpu.memory_space<semaphore_mem>>) src(%arg10 : memref<632x16xf32, #tpu.memory_space<vmem>>) dst(%dma_wait3A_34 : memref<632x16xf32, #tpu.memory_space<vmem_shared>>)
      tpu.yield
    }) : () -> ()
    %barrier3A_25 = arith.constant 0 : index
    tpu.barrier barrier_id(%barrier3A_25)
    %scan3A_26 = arith.constant 0 : i32
    %scan3A_27 = arith.constant 1 : i32
    return
  }
}

module attributes {stable_mosaic.version = 14 : i64} {
  func.func @_gru1_body(%arg0: i32, %arg1: memref<12x400x128xf32, #tpu.memory_space<vmem>>, %arg2: memref<2x400x16xf32, #tpu.memory_space<vmem>>, %arg3: memref<128x192xf32, #tpu.memory_space<vmem>>, %arg4: memref<64x192xf32, #tpu.memory_space<vmem>>, %arg5: memref<1x192xf32, #tpu.memory_space<vmem>>, %arg6: memref<1x192xf32, #tpu.memory_space<vmem>>, %arg7: memref<12x400x64xf32, #tpu.memory_space<vmem>>, %arg8: memref<12x400x192xf32, #tpu.memory_space<vmem>>) attributes {dimension_semantics = [#tpu.dimension_semantics<arbitrary>], iteration_bounds = array<i64: 25>, scalar_prefetch = 0 : i64, scratch_operands = 1 : i64, tpu.core_type = #tpu.core_type<tc>, window_params = [{transform_indices = @transform_0, window_bounds = array<i64: 12, 400, 128>}, {transform_indices = @transform_1, window_bounds = array<i64: 2, 400, 16>}, {pipeline_mode = #tpu.pipeline_mode<synchronous>, transform_indices = @transform_2, window_bounds = array<i64: 128, 192>}, {pipeline_mode = #tpu.pipeline_mode<synchronous>, transform_indices = @transform_3, window_bounds = array<i64: 64, 192>}, {pipeline_mode = #tpu.pipeline_mode<synchronous>, transform_indices = @transform_4, window_bounds = array<i64: 1, 192>}, {pipeline_mode = #tpu.pipeline_mode<synchronous>, transform_indices = @transform_5, window_bounds = array<i64: 1, 192>}, {transform_indices = @transform_6, window_bounds = array<i64: 12, 400, 64>}]} {
    %get3A = arith.constant 0 : index
    %get3A_0 = arith.constant 0 : index
    %get3A_1 = arith.constant 0 : index
    %get3A_2 = vector.load %arg2[%get3A, %get3A_0, %get3A_1] : memref<2x400x16xf32, #tpu.memory_space<vmem>>, vector<2x400x16xf32>
    %slice3A = vector.extract_strided_slice %get3A_2 {offsets = [0, 0, 0], sizes = [1, 400, 1], strides = [1, 1, 1]} : vector<2x400x16xf32> to vector<1x400x1xf32>
    %squeeze3A = vector.shape_cast %slice3A : vector<1x400x1xf32> to vector<400xf32>
    %slice3A_3 = vector.extract_strided_slice %get3A_2 {offsets = [1, 0, 0], sizes = [1, 400, 1], strides = [1, 1, 1]} : vector<2x400x16xf32> to vector<1x400x1xf32>
    %squeeze3A_4 = vector.shape_cast %slice3A_3 : vector<1x400x1xf32> to vector<400xf32>
    %add3A = arith.addf %squeeze3A, %squeeze3A_4 : vector<400xf32>
    %add3A_5 = arith.constant 1.000000e+00 : f32
    %add3A_6 = vector.broadcast %add3A_5 : f32 to vector<400xf32>
    %add3A_7 = arith.addf %add3A, %add3A_6 : vector<400xf32>
    %rsqrt3A = math.rsqrt %add3A_7 : vector<400xf32>
    %broadcast_in_dim3A = vector.shape_cast %rsqrt3A : vector<400xf32> to vector<400x1xf32>
    %get3A_8 = arith.constant 0 : index
    %get3A_9 = arith.constant 0 : index
    %get3A_10 = arith.constant 0 : index
    %get3A_11 = vector.load %arg1[%get3A_8, %get3A_9, %get3A_10] : memref<12x400x128xf32, #tpu.memory_space<vmem>>, vector<12x400x128xf32>
    %reshape3A = vector.shape_cast %get3A_11 : vector<12x400x128xf32> to vector<4800x128xf32>
    %get3A_12 = arith.constant 0 : index
    %get3A_13 = arith.constant 0 : index
    %get3A_14 = vector.load %arg3[%get3A_12, %get3A_13] : memref<128x192xf32, #tpu.memory_space<vmem>>, vector<128x192xf32>
    %dot_general3A = arith.constant dense<0.000000e+00> : vector<4800x192xf32>
    %dot_general3A_15 = tpu.matmul %reshape3A, %get3A_14, %dot_general3A {dimension_numbers = #tpu.dot_dimension_numbers<[1], [0], [0], [1], [0, 0, 1, 1], [], []>, transpose_lhs_hint = false} : vector<4800x128xf32>, vector<128x192xf32>, vector<4800x192xf32> -> vector<4800x192xf32>
    %get3A_16 = arith.constant 0 : index
    %get3A_17 = arith.constant 0 : index
    %get3A_18 = vector.load %arg5[%get3A_16, %get3A_17] : memref<1x192xf32, #tpu.memory_space<vmem>>, vector<1x192xf32>
    %add3A_19 = vector.broadcast %get3A_18 : vector<1x192xf32> to vector<4800x192xf32>
    %add3A_20 = arith.addf %dot_general3A_15, %add3A_19 : vector<4800x192xf32>
    %reshape3A_21 = vector.shape_cast %add3A_20 : vector<4800x192xf32> to vector<12x400x192xf32>
    %swap3A = arith.constant 0 : index
    %swap3A_22 = arith.constant 0 : index
    %swap3A_23 = arith.constant 0 : index
    %swap3A_24 = vector.load %arg8[%swap3A, %swap3A_22, %swap3A_23] : memref<12x400x192xf32, #tpu.memory_space<vmem>>, vector<12x400x192xf32>
    tpu.vector_store %arg8[%swap3A, %swap3A_22, %swap3A_23], %reshape3A_21 {strides = array<i32>} : memref<12x400x192xf32, #tpu.memory_space<vmem>>, vector<12x400x192xf32>,
    %broadcast_in_dim3A_25 = arith.constant 0.000000e+00 : f32
    %broadcast_in_dim3A_26 = vector.broadcast %broadcast_in_dim3A_25 : f32 to vector<400x64xf32>
    %get3A_27 = arith.constant 0 : index
    %get3A_28 = arith.constant 0 : index
    %get3A_29 = arith.constant 0 : index
    %get3A_30 = vector.load %arg8[%get3A_27, %get3A_28, %get3A_29] : memref<12x400x192xf32, #tpu.memory_space<vmem>>, vector<1x400x192xf32>
    %get3A_31 = vector.shape_cast %get3A_30 : vector<1x400x192xf32> to vector<400x192xf32>
    %get3A_32 = arith.constant 0 : index
    %get3A_33 = arith.constant 0 : index
    %get3A_34 = vector.load %arg4[%get3A_32, %get3A_33] : memref<64x192xf32, #tpu.memory_space<vmem>>, vector<64x192xf32>
    %dot_general3A_35 = arith.constant dense<0.000000e+00> : vector<400x192xf32>
    %dot_general3A_36 = tpu.matmul %broadcast_in_dim3A_26, %get3A_34, %dot_general3A_35 {dimension_numbers = #tpu.dot_dimension_numbers<[1], [0], [0], [1], [0, 0, 1, 1], [], []>, transpose_lhs_hint = false} : vector<400x64xf32>, vector<64x192xf32>, vector<400x192xf32> -> vector<400x192xf32>
    %get3A_37 = arith.constant 0 : index
    %get3A_38 = arith.constant 0 : index
    %get3A_39 = vector.load %arg6[%get3A_37, %get3A_38] : memref<1x192xf32, #tpu.memory_space<vmem>>, vector<1x192xf32>
    %add3A_40 = vector.broadcast %get3A_39 : vector<1x192xf32> to vector<400x192xf32>
    %add3A_41 = arith.addf %dot_general3A_36, %add3A_40 : vector<400x192xf32>
    %slice3A_42 = vector.extract_strided_slice %get3A_31 {offsets = [0, 0], sizes = [400, 64], strides = [1, 1]} : vector<400x192xf32> to vector<400x64xf32>
    %slice3A_43 = vector.extract_strided_slice %add3A_41 {offsets = [0, 0], sizes = [400, 64], strides = [1, 1]} : vector<400x192xf32> to vector<400x64xf32>
    %add3A_44 = arith.addf %slice3A_42, %slice3A_43 : vector<400x64xf32>
    %logistic3A = arith.negf %add3A_44 : vector<400x64xf32>
    %logistic3A_45 = math.exp %logistic3A : vector<400x64xf32>
    %logistic3A_46 = arith.constant 1.000000e+00 : f32
    %logistic3A_47 = vector.broadcast %logistic3A_46 : f32 to vector<400x64xf32>
    %logistic3A_48 = arith.addf %logistic3A_47, %logistic3A_45 : vector<400x64xf32>
    %logistic3A_49 = arith.divf %logistic3A_47, %logistic3A_48 : vector<400x64xf32>
    %slice3A_50 = vector.extract_strided_slice %get3A_31 {offsets = [0, 64], sizes = [400, 64], strides = [1, 1]} : vector<400x192xf32> to vector<400x64xf32>
    %slice3A_51 = vector.extract_strided_slice %add3A_41 {offsets = [0, 64], sizes = [400, 64], strides = [1, 1]} : vector<400x192xf32> to vector<400x64xf32>
    %add3A_52 = arith.addf %slice3A_50, %slice3A_51 : vector<400x64xf32>
    %logistic3A_53 = arith.negf %add3A_52 : vector<400x64xf32>
    %logistic3A_54 = math.exp %logistic3A_53 : vector<400x64xf32>
    %logistic3A_55 = arith.constant 1.000000e+00 : f32
    %logistic3A_56 = vector.broadcast %logistic3A_55 : f32 to vector<400x64xf32>
    %logistic3A_57 = arith.addf %logistic3A_56, %logistic3A_54 : vector<400x64xf32>
    %logistic3A_58 = arith.divf %logistic3A_56, %logistic3A_57 : vector<400x64xf32>
    %slice3A_59 = vector.extract_strided_slice %get3A_31 {offsets = [0, 128], sizes = [400, 64], strides = [1, 1]} : vector<400x192xf32> to vector<400x64xf32>
    %slice3A_60 = vector.extract_strided_slice %add3A_41 {offsets = [0, 128], sizes = [400, 64], strides = [1, 1]} : vector<400x192xf32> to vector<400x64xf32>
    %mul3A = arith.mulf %logistic3A_49, %slice3A_60 : vector<400x64xf32>
    %add3A_61 = arith.addf %slice3A_59, %mul3A : vector<400x64xf32>
    %tanh3A = math.tanh %add3A_61 : vector<400x64xf32>
    %sub3A = arith.constant 1.000000e+00 : f32
    %sub3A_62 = vector.broadcast %sub3A : f32 to vector<400x64xf32>
    %sub3A_63 = arith.subf %sub3A_62, %logistic3A_58 : vector<400x64xf32>
    %mul3A_64 = arith.mulf %sub3A_63, %tanh3A : vector<400x64xf32>
    %mul3A_65 = arith.mulf %logistic3A_58, %broadcast_in_dim3A_26 : vector<400x64xf32>
    %add3A_66 = arith.addf %mul3A_64, %mul3A_65 : vector<400x64xf32>
    %mul3A_67 = vector.broadcast %broadcast_in_dim3A : vector<400x1xf32> to vector<400x64xf32>
    %mul3A_68 = arith.mulf %add3A_66, %mul3A_67 : vector<400x64xf32>
    %swap3A_69 = arith.constant 0 : index
    %swap3A_70 = arith.constant 0 : index
    %swap3A_71 = arith.constant 0 : index
    %swap3A_72 = vector.load %arg7[%swap3A_69, %swap3A_70, %swap3A_71] : memref<12x400x64xf32, #tpu.memory_space<vmem>>, vector<1x400x64xf32>
    %swap3A_73 = vector.shape_cast %swap3A_72 : vector<1x400x64xf32> to vector<400x64xf32>
    %swap3A_74 = vector.shape_cast %mul3A_68 : vector<400x64xf32> to vector<1x400x64xf32>
    tpu.vector_store %arg7[%swap3A_69, %swap3A_70, %swap3A_71], %swap3A_74 {strides = array<i32>} : memref<12x400x64xf32, #tpu.memory_space<vmem>>, vector<1x400x64xf32>,
    %get3A_75 = arith.constant 1 : index
    %get3A_76 = arith.constant 0 : index
    %get3A_77 = arith.constant 0 : index
    %get3A_78 = vector.load %arg8[%get3A_75, %get3A_76, %get3A_77] : memref<12x400x192xf32, #tpu.memory_space<vmem>>, vector<1x400x192xf32>
    %get3A_79 = vector.shape_cast %get3A_78 : vector<1x400x192xf32> to vector<400x192xf32>
    %get3A_80 = arith.constant 0 : index
    %get3A_81 = arith.constant 0 : index
    %get3A_82 = vector.load %arg4[%get3A_80, %get3A_81] : memref<64x192xf32, #tpu.memory_space<vmem>>, vector<64x192xf32>
    %dot_general3A_83 = arith.constant dense<0.000000e+00> : vector<400x192xf32>
    %dot_general3A_84 = tpu.matmul %add3A_66, %get3A_82, %dot_general3A_83 {dimension_numbers = #tpu.dot_dimension_numbers<[1], [0], [0], [1], [0, 0, 1, 1], [], []>, transpose_lhs_hint = false} : vector<400x64xf32>, vector<64x192xf32>, vector<400x192xf32> -> vector<400x192xf32>
    %get3A_85 = arith.constant 0 : index
    %get3A_86 = arith.constant 0 : index
    %get3A_87 = vector.load %arg6[%get3A_85, %get3A_86] : memref<1x192xf32, #tpu.memory_space<vmem>>, vector<1x192xf32>
    %add3A_88 = vector.broadcast %get3A_87 : vector<1x192xf32> to vector<400x192xf32>
    %add3A_89 = arith.addf %dot_general3A_84, %add3A_88 : vector<400x192xf32>
    %slice3A_90 = vector.extract_strided_slice %get3A_79 {offsets = [0, 0], sizes = [400, 64], strides = [1, 1]} : vector<400x192xf32> to vector<400x64xf32>
    %slice3A_91 = vector.extract_strided_slice %add3A_89 {offsets = [0, 0], sizes = [400, 64], strides = [1, 1]} : vector<400x192xf32> to vector<400x64xf32>
    %add3A_92 = arith.addf %slice3A_90, %slice3A_91 : vector<400x64xf32>
    %logistic3A_93 = arith.negf %add3A_92 : vector<400x64xf32>
    %logistic3A_94 = math.exp %logistic3A_93 : vector<400x64xf32>
    %logistic3A_95 = arith.constant 1.000000e+00 : f32
    %logistic3A_96 = vector.broadcast %logistic3A_95 : f32 to vector<400x64xf32>
    %logistic3A_97 = arith.addf %logistic3A_96, %logistic3A_94 : vector<400x64xf32>
    %logistic3A_98 = arith.divf %logistic3A_96, %logistic3A_97 : vector<400x64xf32>
    %slice3A_99 = vector.extract_strided_slice %get3A_79 {offsets = [0, 64], sizes = [400, 64], strides = [1, 1]} : vector<400x192xf32> to vector<400x64xf32>
    %slice3A_100 = vector.extract_strided_slice %add3A_89 {offsets = [0, 64], sizes = [400, 64], strides = [1, 1]} : vector<400x192xf32> to vector<400x64xf32>
    %add3A_101 = arith.addf %slice3A_99, %slice3A_100 : vector<400x64xf32>
    %logistic3A_102 = arith.negf %add3A_101 : vector<400x64xf32>
    %logistic3A_103 = math.exp %logistic3A_102 : vector<400x64xf32>
    %logistic3A_104 = arith.constant 1.000000e+00 : f32
    %logistic3A_105 = vector.broadcast %logistic3A_104 : f32 to vector<400x64xf32>
    %logistic3A_106 = arith.addf %logistic3A_105, %logistic3A_103 : vector<400x64xf32>
    %logistic3A_107 = arith.divf %logistic3A_105, %logistic3A_106 : vector<400x64xf32>
    %slice3A_108 = vector.extract_strided_slice %get3A_79 {offsets = [0, 128], sizes = [400, 64], strides = [1, 1]} : vector<400x192xf32> to vector<400x64xf32>
    %slice3A_109 = vector.extract_strided_slice %add3A_89 {offsets = [0, 128], sizes = [400, 64], strides = [1, 1]} : vector<400x192xf32> to vector<400x64xf32>
    %mul3A_110 = arith.mulf %logistic3A_98, %slice3A_109 : vector<400x64xf32>
    %add3A_111 = arith.addf %slice3A_108, %mul3A_110 : vector<400x64xf32>
    %tanh3A_112 = math.tanh %add3A_111 : vector<400x64xf32>
    %sub3A_113 = arith.constant 1.000000e+00 : f32
    %sub3A_114 = vector.broadcast %sub3A_113 : f32 to vector<400x64xf32>
    %sub3A_115 = arith.subf %sub3A_114, %logistic3A_107 : vector<400x64xf32>
    %mul3A_116 = arith.mulf %sub3A_115, %tanh3A_112 : vector<400x64xf32>
    %mul3A_117 = arith.mulf %logistic3A_107, %add3A_66 : vector<400x64xf32>
    %add3A_118 = arith.addf %mul3A_116, %mul3A_117 : vector<400x64xf32>
    %mul3A_119 = vector.broadcast %broadcast_in_dim3A : vector<400x1xf32> to vector<400x64xf32>
    %mul3A_120 = arith.mulf %add3A_118, %mul3A_119 : vector<400x64xf32>
    %swap3A_121 = arith.constant 1 : index
    %swap3A_122 = arith.constant 0 : index
    %swap3A_123 = arith.constant 0 : index
    %swap3A_124 = vector.load %arg7[%swap3A_121, %swap3A_122, %swap3A_123] : memref<12x400x64xf32, #tpu.memory_space<vmem>>, vector<1x400x64xf32>
    %swap3A_125 = vector.shape_cast %swap3A_124 : vector<1x400x64xf32> to vector<400x64xf32>
    %swap3A_126 = vector.shape_cast %mul3A_120 : vector<400x64xf32> to vector<1x400x64xf32>
    tpu.vector_store %arg7[%swap3A_121, %swap3A_122, %swap3A_123], %swap3A_126 {strides = array<i32>} : memref<12x400x64xf32, #tpu.memory_space<vmem>>, vector<1x400x64xf32>,
    %get3A_127 = arith.constant 2 : index
    %get3A_128 = arith.constant 0 : index
    %get3A_129 = arith.constant 0 : index
    %get3A_130 = vector.load %arg8[%get3A_127, %get3A_128, %get3A_129] : memref<12x400x192xf32, #tpu.memory_space<vmem>>, vector<1x400x192xf32>
    %get3A_131 = vector.shape_cast %get3A_130 : vector<1x400x192xf32> to vector<400x192xf32>
    %get3A_132 = arith.constant 0 : index
    %get3A_133 = arith.constant 0 : index
    %get3A_134 = vector.load %arg4[%get3A_132, %get3A_133] : memref<64x192xf32, #tpu.memory_space<vmem>>, vector<64x192xf32>
    %dot_general3A_135 = arith.constant dense<0.000000e+00> : vector<400x192xf32>
    %dot_general3A_136 = tpu.matmul %add3A_118, %get3A_134, %dot_general3A_135 {dimension_numbers = #tpu.dot_dimension_numbers<[1], [0], [0], [1], [0, 0, 1, 1], [], []>, transpose_lhs_hint = false} : vector<400x64xf32>, vector<64x192xf32>, vector<400x192xf32> -> vector<400x192xf32>
    %get3A_137 = arith.constant 0 : index
    %get3A_138 = arith.constant 0 : index
    %get3A_139 = vector.load %arg6[%get3A_137, %get3A_138] : memref<1x192xf32, #tpu.memory_space<vmem>>, vector<1x192xf32>
    %add3A_140 = vector.broadcast %get3A_139 : vector<1x192xf32> to vector<400x192xf32>
    %add3A_141 = arith.addf %dot_general3A_136, %add3A_140 : vector<400x192xf32>
    %slice3A_142 = vector.extract_strided_slice %get3A_131 {offsets = [0, 0], sizes = [400, 64], strides = [1, 1]} : vector<400x192xf32> to vector<400x64xf32>
    %slice3A_143 = vector.extract_strided_slice %add3A_141 {offsets = [0, 0], sizes = [400, 64], strides = [1, 1]} : vector<400x192xf32> to vector<400x64xf32>
    %add3A_144 = arith.addf %slice3A_142, %slice3A_143 : vector<400x64xf32>
    %logistic3A_145 = arith.negf %add3A_144 : vector<400x64xf32>
    %logistic3A_146 = math.exp %logistic3A_145 : vector<400x64xf32>
    %logistic3A_147 = arith.constant 1.000000e+00 : f32
    %logistic3A_148 = vector.broadcast %logistic3A_147 : f32 to vector<400x64xf32>
    %logistic3A_149 = arith.addf %logistic3A_148, %logistic3A_146 : vector<400x64xf32>
    %logistic3A_150 = arith.divf %logistic3A_148, %logistic3A_149 : vector<400x64xf32>
    %slice3A_151 = vector.extract_strided_slice %get3A_131 {offsets = [0, 64], sizes = [400, 64], strides = [1, 1]} : vector<400x192xf32> to vector<400x64xf32>
    %slice3A_152 = vector.extract_strided_slice %add3A_141 {offsets = [0, 64], sizes = [400, 64], strides = [1, 1]} : vector<400x192xf32> to vector<400x64xf32>
    %add3A_153 = arith.addf %slice3A_151, %slice3A_152 : vector<400x64xf32>
    %logistic3A_154 = arith.negf %add3A_153 : vector<400x64xf32>
    %logistic3A_155 = math.exp %logistic3A_154 : vector<400x64xf32>
    %logistic3A_156 = arith.constant 1.000000e+00 : f32
    %logistic3A_157 = vector.broadcast %logistic3A_156 : f32 to vector<400x64xf32>
    %logistic3A_158 = arith.addf %logistic3A_157, %logistic3A_155 : vector<400x64xf32>
    %logistic3A_159 = arith.divf %logistic3A_157, %logistic3A_158 : vector<400x64xf32>
    %slice3A_160 = vector.extract_strided_slice %get3A_131 {offsets = [0, 128], sizes = [400, 64], strides = [1, 1]} : vector<400x192xf32> to vector<400x64xf32>
    %slice3A_161 = vector.extract_strided_slice %add3A_141 {offsets = [0, 128], sizes = [400, 64], strides = [1, 1]} : vector<400x192xf32> to vector<400x64xf32>
    %mul3A_162 = arith.mulf %logistic3A_150, %slice3A_161 : vector<400x64xf32>
    %add3A_163 = arith.addf %slice3A_160, %mul3A_162 : vector<400x64xf32>
    %tanh3A_164 = math.tanh %add3A_163 : vector<400x64xf32>
    %sub3A_165 = arith.constant 1.000000e+00 : f32
    %sub3A_166 = vector.broadcast %sub3A_165 : f32 to vector<400x64xf32>
    %sub3A_167 = arith.subf %sub3A_166, %logistic3A_159 : vector<400x64xf32>
    %mul3A_168 = arith.mulf %sub3A_167, %tanh3A_164 : vector<400x64xf32>
    %mul3A_169 = arith.mulf %logistic3A_159, %add3A_118 : vector<400x64xf32>
    %add3A_170 = arith.addf %mul3A_168, %mul3A_169 : vector<400x64xf32>
    %mul3A_171 = vector.broadcast %broadcast_in_dim3A : vector<400x1xf32> to vector<400x64xf32>
    %mul3A_172 = arith.mulf %add3A_170, %mul3A_171 : vector<400x64xf32>
    %swap3A_173 = arith.constant 2 : index
    %swap3A_174 = arith.constant 0 : index
    %swap3A_175 = arith.constant 0 : index
    %swap3A_176 = vector.load %arg7[%swap3A_173, %swap3A_174, %swap3A_175] : memref<12x400x64xf32, #tpu.memory_space<vmem>>, vector<1x400x64xf32>
    %swap3A_177 = vector.shape_cast %swap3A_176 : vector<1x400x64xf32> to vector<400x64xf32>
    %swap3A_178 = vector.shape_cast %mul3A_172 : vector<400x64xf32> to vector<1x400x64xf32>
    tpu.vector_store %arg7[%swap3A_173, %swap3A_174, %swap3A_175], %swap3A_178 {strides = array<i32>} : memref<12x400x64xf32, #tpu.memory_space<vmem>>, vector<1x400x64xf32>,
    %get3A_179 = arith.constant 3 : index
    %get3A_180 = arith.constant 0 : index
    %get3A_181 = arith.constant 0 : index
    %get3A_182 = vector.load %arg8[%get3A_179, %get3A_180, %get3A_181] : memref<12x400x192xf32, #tpu.memory_space<vmem>>, vector<1x400x192xf32>
    %get3A_183 = vector.shape_cast %get3A_182 : vector<1x400x192xf32> to vector<400x192xf32>
    %get3A_184 = arith.constant 0 : index
    %get3A_185 = arith.constant 0 : index
    %get3A_186 = vector.load %arg4[%get3A_184, %get3A_185] : memref<64x192xf32, #tpu.memory_space<vmem>>, vector<64x192xf32>
    %dot_general3A_187 = arith.constant dense<0.000000e+00> : vector<400x192xf32>
    %dot_general3A_188 = tpu.matmul %add3A_170, %get3A_186, %dot_general3A_187 {dimension_numbers = #tpu.dot_dimension_numbers<[1], [0], [0], [1], [0, 0, 1, 1], [], []>, transpose_lhs_hint = false} : vector<400x64xf32>, vector<64x192xf32>, vector<400x192xf32> -> vector<400x192xf32>
    %get3A_189 = arith.constant 0 : index
    %get3A_190 = arith.constant 0 : index
    %get3A_191 = vector.load %arg6[%get3A_189, %get3A_190] : memref<1x192xf32, #tpu.memory_space<vmem>>, vector<1x192xf32>
    %add3A_192 = vector.broadcast %get3A_191 : vector<1x192xf32> to vector<400x192xf32>
    %add3A_193 = arith.addf %dot_general3A_188, %add3A_192 : vector<400x192xf32>
    %slice3A_194 = vector.extract_strided_slice %get3A_183 {offsets = [0, 0], sizes = [400, 64], strides = [1, 1]} : vector<400x192xf32> to vector<400x64xf32>
    %slice3A_195 = vector.extract_strided_slice %add3A_193 {offsets = [0, 0], sizes = [400, 64], strides = [1, 1]} : vector<400x192xf32> to vector<400x64xf32>
    %add3A_196 = arith.addf %slice3A_194, %slice3A_195 : vector<400x64xf32>
    %logistic3A_197 = arith.negf %add3A_196 : vector<400x64xf32>
    %logistic3A_198 = math.exp %logistic3A_197 : vector<400x64xf32>
    %logistic3A_199 = arith.constant 1.000000e+00 : f32
    %logistic3A_200 = vector.broadcast %logistic3A_199 : f32 to vector<400x64xf32>
    %logistic3A_201 = arith.addf %logistic3A_200, %logistic3A_198 : vector<400x64xf32>
    %logistic3A_202 = arith.divf %logistic3A_200, %logistic3A_201 : vector<400x64xf32>
    %slice3A_203 = vector.extract_strided_slice %get3A_183 {offsets = [0, 64], sizes = [400, 64], strides = [1, 1]} : vector<400x192xf32> to vector<400x64xf32>
    %slice3A_204 = vector.extract_strided_slice %add3A_193 {offsets = [0, 64], sizes = [400, 64], strides = [1, 1]} : vector<400x192xf32> to vector<400x64xf32>
    %add3A_205 = arith.addf %slice3A_203, %slice3A_204 : vector<400x64xf32>
    %logistic3A_206 = arith.negf %add3A_205 : vector<400x64xf32>
    %logistic3A_207 = math.exp %logistic3A_206 : vector<400x64xf32>
    %logistic3A_208 = arith.constant 1.000000e+00 : f32
    %logistic3A_209 = vector.broadcast %logistic3A_208 : f32 to vector<400x64xf32>
    %logistic3A_210 = arith.addf %logistic3A_209, %logistic3A_207 : vector<400x64xf32>
    %logistic3A_211 = arith.divf %logistic3A_209, %logistic3A_210 : vector<400x64xf32>
    %slice3A_212 = vector.extract_strided_slice %get3A_183 {offsets = [0, 128], sizes = [400, 64], strides = [1, 1]} : vector<400x192xf32> to vector<400x64xf32>
    %slice3A_213 = vector.extract_strided_slice %add3A_193 {offsets = [0, 128], sizes = [400, 64], strides = [1, 1]} : vector<400x192xf32> to vector<400x64xf32>
    %mul3A_214 = arith.mulf %logistic3A_202, %slice3A_213 : vector<400x64xf32>
    %add3A_215 = arith.addf %slice3A_212, %mul3A_214 : vector<400x64xf32>
    %tanh3A_216 = math.tanh %add3A_215 : vector<400x64xf32>
    %sub3A_217 = arith.constant 1.000000e+00 : f32
    %sub3A_218 = vector.broadcast %sub3A_217 : f32 to vector<400x64xf32>
    %sub3A_219 = arith.subf %sub3A_218, %logistic3A_211 : vector<400x64xf32>
    %mul3A_220 = arith.mulf %sub3A_219, %tanh3A_216 : vector<400x64xf32>
    %mul3A_221 = arith.mulf %logistic3A_211, %add3A_170 : vector<400x64xf32>
    %add3A_222 = arith.addf %mul3A_220, %mul3A_221 : vector<400x64xf32>
    %mul3A_223 = vector.broadcast %broadcast_in_dim3A : vector<400x1xf32> to vector<400x64xf32>
    %mul3A_224 = arith.mulf %add3A_222, %mul3A_223 : vector<400x64xf32>
    %swap3A_225 = arith.constant 3 : index
    %swap3A_226 = arith.constant 0 : index
    %swap3A_227 = arith.constant 0 : index
    %swap3A_228 = vector.load %arg7[%swap3A_225, %swap3A_226, %swap3A_227] : memref<12x400x64xf32, #tpu.memory_space<vmem>>, vector<1x400x64xf32>
    %swap3A_229 = vector.shape_cast %swap3A_228 : vector<1x400x64xf32> to vector<400x64xf32>
    %swap3A_230 = vector.shape_cast %mul3A_224 : vector<400x64xf32> to vector<1x400x64xf32>
    tpu.vector_store %arg7[%swap3A_225, %swap3A_226, %swap3A_227], %swap3A_230 {strides = array<i32>} : memref<12x400x64xf32, #tpu.memory_space<vmem>>, vector<1x400x64xf32>,
    %get3A_231 = arith.constant 4 : index
    %get3A_232 = arith.constant 0 : index
    %get3A_233 = arith.constant 0 : index
    %get3A_234 = vector.load %arg8[%get3A_231, %get3A_232, %get3A_233] : memref<12x400x192xf32, #tpu.memory_space<vmem>>, vector<1x400x192xf32>
    %get3A_235 = vector.shape_cast %get3A_234 : vector<1x400x192xf32> to vector<400x192xf32>
    %get3A_236 = arith.constant 0 : index
    %get3A_237 = arith.constant 0 : index
    %get3A_238 = vector.load %arg4[%get3A_236, %get3A_237] : memref<64x192xf32, #tpu.memory_space<vmem>>, vector<64x192xf32>
    %dot_general3A_239 = arith.constant dense<0.000000e+00> : vector<400x192xf32>
    %dot_general3A_240 = tpu.matmul %add3A_222, %get3A_238, %dot_general3A_239 {dimension_numbers = #tpu.dot_dimension_numbers<[1], [0], [0], [1], [0, 0, 1, 1], [], []>, transpose_lhs_hint = false} : vector<400x64xf32>, vector<64x192xf32>, vector<400x192xf32> -> vector<400x192xf32>
    %get3A_241 = arith.constant 0 : index
    %get3A_242 = arith.constant 0 : index
    %get3A_243 = vector.load %arg6[%get3A_241, %get3A_242] : memref<1x192xf32, #tpu.memory_space<vmem>>, vector<1x192xf32>
    %add3A_244 = vector.broadcast %get3A_243 : vector<1x192xf32> to vector<400x192xf32>
    %add3A_245 = arith.addf %dot_general3A_240, %add3A_244 : vector<400x192xf32>
    %slice3A_246 = vector.extract_strided_slice %get3A_235 {offsets = [0, 0], sizes = [400, 64], strides = [1, 1]} : vector<400x192xf32> to vector<400x64xf32>
    %slice3A_247 = vector.extract_strided_slice %add3A_245 {offsets = [0, 0], sizes = [400, 64], strides = [1, 1]} : vector<400x192xf32> to vector<400x64xf32>
    %add3A_248 = arith.addf %slice3A_246, %slice3A_247 : vector<400x64xf32>
    %logistic3A_249 = arith.negf %add3A_248 : vector<400x64xf32>
    %logistic3A_250 = math.exp %logistic3A_249 : vector<400x64xf32>
    %logistic3A_251 = arith.constant 1.000000e+00 : f32
    %logistic3A_252 = vector.broadcast %logistic3A_251 : f32 to vector<400x64xf32>
    %logistic3A_253 = arith.addf %logistic3A_252, %logistic3A_250 : vector<400x64xf32>
    %logistic3A_254 = arith.divf %logistic3A_252, %logistic3A_253 : vector<400x64xf32>
    %slice3A_255 = vector.extract_strided_slice %get3A_235 {offsets = [0, 64], sizes = [400, 64], strides = [1, 1]} : vector<400x192xf32> to vector<400x64xf32>
    %slice3A_256 = vector.extract_strided_slice %add3A_245 {offsets = [0, 64], sizes = [400, 64], strides = [1, 1]} : vector<400x192xf32> to vector<400x64xf32>
    %add3A_257 = arith.addf %slice3A_255, %slice3A_256 : vector<400x64xf32>
    %logistic3A_258 = arith.negf %add3A_257 : vector<400x64xf32>
    %logistic3A_259 = math.exp %logistic3A_258 : vector<400x64xf32>
    %logistic3A_260 = arith.constant 1.000000e+00 : f32
    %logistic3A_261 = vector.broadcast %logistic3A_260 : f32 to vector<400x64xf32>
    %logistic3A_262 = arith.addf %logistic3A_261, %logistic3A_259 : vector<400x64xf32>
    %logistic3A_263 = arith.divf %logistic3A_261, %logistic3A_262 : vector<400x64xf32>
    %slice3A_264 = vector.extract_strided_slice %get3A_235 {offsets = [0, 128], sizes = [400, 64], strides = [1, 1]} : vector<400x192xf32> to vector<400x64xf32>
    %slice3A_265 = vector.extract_strided_slice %add3A_245 {offsets = [0, 128], sizes = [400, 64], strides = [1, 1]} : vector<400x192xf32> to vector<400x64xf32>
    %mul3A_266 = arith.mulf %logistic3A_254, %slice3A_265 : vector<400x64xf32>
    %add3A_267 = arith.addf %slice3A_264, %mul3A_266 : vector<400x64xf32>
    %tanh3A_268 = math.tanh %add3A_267 : vector<400x64xf32>
    %sub3A_269 = arith.constant 1.000000e+00 : f32
    %sub3A_270 = vector.broadcast %sub3A_269 : f32 to vector<400x64xf32>
    %sub3A_271 = arith.subf %sub3A_270, %logistic3A_263 : vector<400x64xf32>
    %mul3A_272 = arith.mulf %sub3A_271, %tanh3A_268 : vector<400x64xf32>
    %mul3A_273 = arith.mulf %logistic3A_263, %add3A_222 : vector<400x64xf32>
    %add3A_274 = arith.addf %mul3A_272, %mul3A_273 : vector<400x64xf32>
    %mul3A_275 = vector.broadcast %broadcast_in_dim3A : vector<400x1xf32> to vector<400x64xf32>
    %mul3A_276 = arith.mulf %add3A_274, %mul3A_275 : vector<400x64xf32>
    %swap3A_277 = arith.constant 4 : index
    %swap3A_278 = arith.constant 0 : index
    %swap3A_279 = arith.constant 0 : index
    %swap3A_280 = vector.load %arg7[%swap3A_277, %swap3A_278, %swap3A_279] : memref<12x400x64xf32, #tpu.memory_space<vmem>>, vector<1x400x64xf32>
    %swap3A_281 = vector.shape_cast %swap3A_280 : vector<1x400x64xf32> to vector<400x64xf32>
    %swap3A_282 = vector.shape_cast %mul3A_276 : vector<400x64xf32> to vector<1x400x64xf32>
    tpu.vector_store %arg7[%swap3A_277, %swap3A_278, %swap3A_279], %swap3A_282 {strides = array<i32>} : memref<12x400x64xf32, #tpu.memory_space<vmem>>, vector<1x400x64xf32>,
    %get3A_283 = arith.constant 5 : index
    %get3A_284 = arith.constant 0 : index
    %get3A_285 = arith.constant 0 : index
    %get3A_286 = vector.load %arg8[%get3A_283, %get3A_284, %get3A_285] : memref<12x400x192xf32, #tpu.memory_space<vmem>>, vector<1x400x192xf32>
    %get3A_287 = vector.shape_cast %get3A_286 : vector<1x400x192xf32> to vector<400x192xf32>
    %get3A_288 = arith.constant 0 : index
    %get3A_289 = arith.constant 0 : index
    %get3A_290 = vector.load %arg4[%get3A_288, %get3A_289] : memref<64x192xf32, #tpu.memory_space<vmem>>, vector<64x192xf32>
    %dot_general3A_291 = arith.constant dense<0.000000e+00> : vector<400x192xf32>
    %dot_general3A_292 = tpu.matmul %add3A_274, %get3A_290, %dot_general3A_291 {dimension_numbers = #tpu.dot_dimension_numbers<[1], [0], [0], [1], [0, 0, 1, 1], [], []>, transpose_lhs_hint = false} : vector<400x64xf32>, vector<64x192xf32>, vector<400x192xf32> -> vector<400x192xf32>
    %get3A_293 = arith.constant 0 : index
    %get3A_294 = arith.constant 0 : index
    %get3A_295 = vector.load %arg6[%get3A_293, %get3A_294] : memref<1x192xf32, #tpu.memory_space<vmem>>, vector<1x192xf32>
    %add3A_296 = vector.broadcast %get3A_295 : vector<1x192xf32> to vector<400x192xf32>
    %add3A_297 = arith.addf %dot_general3A_292, %add3A_296 : vector<400x192xf32>
    %slice3A_298 = vector.extract_strided_slice %get3A_287 {offsets = [0, 0], sizes = [400, 64], strides = [1, 1]} : vector<400x192xf32> to vector<400x64xf32>
    %slice3A_299 = vector.extract_strided_slice %add3A_297 {offsets = [0, 0], sizes = [400, 64], strides = [1, 1]} : vector<400x192xf32> to vector<400x64xf32>
    %add3A_300 = arith.addf %slice3A_298, %slice3A_299 : vector<400x64xf32>
    %logistic3A_301 = arith.negf %add3A_300 : vector<400x64xf32>
    %logistic3A_302 = math.exp %logistic3A_301 : vector<400x64xf32>
    %logistic3A_303 = arith.constant 1.000000e+00 : f32
    %logistic3A_304 = vector.broadcast %logistic3A_303 : f32 to vector<400x64xf32>
    %logistic3A_305 = arith.addf %logistic3A_304, %logistic3A_302 : vector<400x64xf32>
    %logistic3A_306 = arith.divf %logistic3A_304, %logistic3A_305 : vector<400x64xf32>
    %slice3A_307 = vector.extract_strided_slice %get3A_287 {offsets = [0, 64], sizes = [400, 64], strides = [1, 1]} : vector<400x192xf32> to vector<400x64xf32>
    %slice3A_308 = vector.extract_strided_slice %add3A_297 {offsets = [0, 64], sizes = [400, 64], strides = [1, 1]} : vector<400x192xf32> to vector<400x64xf32>
    %add3A_309 = arith.addf %slice3A_307, %slice3A_308 : vector<400x64xf32>
    %logistic3A_310 = arith.negf %add3A_309 : vector<400x64xf32>
    %logistic3A_311 = math.exp %logistic3A_310 : vector<400x64xf32>
    %logistic3A_312 = arith.constant 1.000000e+00 : f32
    %logistic3A_313 = vector.broadcast %logistic3A_312 : f32 to vector<400x64xf32>
    %logistic3A_314 = arith.addf %logistic3A_313, %logistic3A_311 : vector<400x64xf32>
    %logistic3A_315 = arith.divf %logistic3A_313, %logistic3A_314 : vector<400x64xf32>
    %slice3A_316 = vector.extract_strided_slice %get3A_287 {offsets = [0, 128], sizes = [400, 64], strides = [1, 1]} : vector<400x192xf32> to vector<400x64xf32>
    %slice3A_317 = vector.extract_strided_slice %add3A_297 {offsets = [0, 128], sizes = [400, 64], strides = [1, 1]} : vector<400x192xf32> to vector<400x64xf32>
    %mul3A_318 = arith.mulf %logistic3A_306, %slice3A_317 : vector<400x64xf32>
    %add3A_319 = arith.addf %slice3A_316, %mul3A_318 : vector<400x64xf32>
    %tanh3A_320 = math.tanh %add3A_319 : vector<400x64xf32>
    %sub3A_321 = arith.constant 1.000000e+00 : f32
    %sub3A_322 = vector.broadcast %sub3A_321 : f32 to vector<400x64xf32>
    %sub3A_323 = arith.subf %sub3A_322, %logistic3A_315 : vector<400x64xf32>
    %mul3A_324 = arith.mulf %sub3A_323, %tanh3A_320 : vector<400x64xf32>
    %mul3A_325 = arith.mulf %logistic3A_315, %add3A_274 : vector<400x64xf32>
    %add3A_326 = arith.addf %mul3A_324, %mul3A_325 : vector<400x64xf32>
    %mul3A_327 = vector.broadcast %broadcast_in_dim3A : vector<400x1xf32> to vector<400x64xf32>
    %mul3A_328 = arith.mulf %add3A_326, %mul3A_327 : vector<400x64xf32>
    %swap3A_329 = arith.constant 5 : index
    %swap3A_330 = arith.constant 0 : index
    %swap3A_331 = arith.constant 0 : index
    %swap3A_332 = vector.load %arg7[%swap3A_329, %swap3A_330, %swap3A_331] : memref<12x400x64xf32, #tpu.memory_space<vmem>>, vector<1x400x64xf32>
    %swap3A_333 = vector.shape_cast %swap3A_332 : vector<1x400x64xf32> to vector<400x64xf32>
    %swap3A_334 = vector.shape_cast %mul3A_328 : vector<400x64xf32> to vector<1x400x64xf32>
    tpu.vector_store %arg7[%swap3A_329, %swap3A_330, %swap3A_331], %swap3A_334 {strides = array<i32>} : memref<12x400x64xf32, #tpu.memory_space<vmem>>, vector<1x400x64xf32>,
    %get3A_335 = arith.constant 6 : index
    %get3A_336 = arith.constant 0 : index
    %get3A_337 = arith.constant 0 : index
    %get3A_338 = vector.load %arg8[%get3A_335, %get3A_336, %get3A_337] : memref<12x400x192xf32, #tpu.memory_space<vmem>>, vector<1x400x192xf32>
    %get3A_339 = vector.shape_cast %get3A_338 : vector<1x400x192xf32> to vector<400x192xf32>
    %get3A_340 = arith.constant 0 : index
    %get3A_341 = arith.constant 0 : index
    %get3A_342 = vector.load %arg4[%get3A_340, %get3A_341] : memref<64x192xf32, #tpu.memory_space<vmem>>, vector<64x192xf32>
    %dot_general3A_343 = arith.constant dense<0.000000e+00> : vector<400x192xf32>
    %dot_general3A_344 = tpu.matmul %add3A_326, %get3A_342, %dot_general3A_343 {dimension_numbers = #tpu.dot_dimension_numbers<[1], [0], [0], [1], [0, 0, 1, 1], [], []>, transpose_lhs_hint = false} : vector<400x64xf32>, vector<64x192xf32>, vector<400x192xf32> -> vector<400x192xf32>
    %get3A_345 = arith.constant 0 : index
    %get3A_346 = arith.constant 0 : index
    %get3A_347 = vector.load %arg6[%get3A_345, %get3A_346] : memref<1x192xf32, #tpu.memory_space<vmem>>, vector<1x192xf32>
    %add3A_348 = vector.broadcast %get3A_347 : vector<1x192xf32> to vector<400x192xf32>
    %add3A_349 = arith.addf %dot_general3A_344, %add3A_348 : vector<400x192xf32>
    %slice3A_350 = vector.extract_strided_slice %get3A_339 {offsets = [0, 0], sizes = [400, 64], strides = [1, 1]} : vector<400x192xf32> to vector<400x64xf32>
    %slice3A_351 = vector.extract_strided_slice %add3A_349 {offsets = [0, 0], sizes = [400, 64], strides = [1, 1]} : vector<400x192xf32> to vector<400x64xf32>
    %add3A_352 = arith.addf %slice3A_350, %slice3A_351 : vector<400x64xf32>
    %logistic3A_353 = arith.negf %add3A_352 : vector<400x64xf32>
    %logistic3A_354 = math.exp %logistic3A_353 : vector<400x64xf32>
    %logistic3A_355 = arith.constant 1.000000e+00 : f32
    %logistic3A_356 = vector.broadcast %logistic3A_355 : f32 to vector<400x64xf32>
    %logistic3A_357 = arith.addf %logistic3A_356, %logistic3A_354 : vector<400x64xf32>
    %logistic3A_358 = arith.divf %logistic3A_356, %logistic3A_357 : vector<400x64xf32>
    %slice3A_359 = vector.extract_strided_slice %get3A_339 {offsets = [0, 64], sizes = [400, 64], strides = [1, 1]} : vector<400x192xf32> to vector<400x64xf32>
    %slice3A_360 = vector.extract_strided_slice %add3A_349 {offsets = [0, 64], sizes = [400, 64], strides = [1, 1]} : vector<400x192xf32> to vector<400x64xf32>
    %add3A_361 = arith.addf %slice3A_359, %slice3A_360 : vector<400x64xf32>
    %logistic3A_362 = arith.negf %add3A_361 : vector<400x64xf32>
    %logistic3A_363 = math.exp %logistic3A_362 : vector<400x64xf32>
    %logistic3A_364 = arith.constant 1.000000e+00 : f32
    %logistic3A_365 = vector.broadcast %logistic3A_364 : f32 to vector<400x64xf32>
    %logistic3A_366 = arith.addf %logistic3A_365, %logistic3A_363 : vector<400x64xf32>
    %logistic3A_367 = arith.divf %logistic3A_365, %logistic3A_366 : vector<400x64xf32>
    %slice3A_368 = vector.extract_strided_slice %get3A_339 {offsets = [0, 128], sizes = [400, 64], strides = [1, 1]} : vector<400x192xf32> to vector<400x64xf32>
    %slice3A_369 = vector.extract_strided_slice %add3A_349 {offsets = [0, 128], sizes = [400, 64], strides = [1, 1]} : vector<400x192xf32> to vector<400x64xf32>
    %mul3A_370 = arith.mulf %logistic3A_358, %slice3A_369 : vector<400x64xf32>
    %add3A_371 = arith.addf %slice3A_368, %mul3A_370 : vector<400x64xf32>
    %tanh3A_372 = math.tanh %add3A_371 : vector<400x64xf32>
    %sub3A_373 = arith.constant 1.000000e+00 : f32
    %sub3A_374 = vector.broadcast %sub3A_373 : f32 to vector<400x64xf32>
    %sub3A_375 = arith.subf %sub3A_374, %logistic3A_367 : vector<400x64xf32>
    %mul3A_376 = arith.mulf %sub3A_375, %tanh3A_372 : vector<400x64xf32>
    %mul3A_377 = arith.mulf %logistic3A_367, %add3A_326 : vector<400x64xf32>
    %add3A_378 = arith.addf %mul3A_376, %mul3A_377 : vector<400x64xf32>
    %mul3A_379 = vector.broadcast %broadcast_in_dim3A : vector<400x1xf32> to vector<400x64xf32>
    %mul3A_380 = arith.mulf %add3A_378, %mul3A_379 : vector<400x64xf32>
    %swap3A_381 = arith.constant 6 : index
    %swap3A_382 = arith.constant 0 : index
    %swap3A_383 = arith.constant 0 : index
    %swap3A_384 = vector.load %arg7[%swap3A_381, %swap3A_382, %swap3A_383] : memref<12x400x64xf32, #tpu.memory_space<vmem>>, vector<1x400x64xf32>
    %swap3A_385 = vector.shape_cast %swap3A_384 : vector<1x400x64xf32> to vector<400x64xf32>
    %swap3A_386 = vector.shape_cast %mul3A_380 : vector<400x64xf32> to vector<1x400x64xf32>
    tpu.vector_store %arg7[%swap3A_381, %swap3A_382, %swap3A_383], %swap3A_386 {strides = array<i32>} : memref<12x400x64xf32, #tpu.memory_space<vmem>>, vector<1x400x64xf32>,
    %get3A_387 = arith.constant 7 : index
    %get3A_388 = arith.constant 0 : index
    %get3A_389 = arith.constant 0 : index
    %get3A_390 = vector.load %arg8[%get3A_387, %get3A_388, %get3A_389] : memref<12x400x192xf32, #tpu.memory_space<vmem>>, vector<1x400x192xf32>
    %get3A_391 = vector.shape_cast %get3A_390 : vector<1x400x192xf32> to vector<400x192xf32>
    %get3A_392 = arith.constant 0 : index
    %get3A_393 = arith.constant 0 : index
    %get3A_394 = vector.load %arg4[%get3A_392, %get3A_393] : memref<64x192xf32, #tpu.memory_space<vmem>>, vector<64x192xf32>
    %dot_general3A_395 = arith.constant dense<0.000000e+00> : vector<400x192xf32>
    %dot_general3A_396 = tpu.matmul %add3A_378, %get3A_394, %dot_general3A_395 {dimension_numbers = #tpu.dot_dimension_numbers<[1], [0], [0], [1], [0, 0, 1, 1], [], []>, transpose_lhs_hint = false} : vector<400x64xf32>, vector<64x192xf32>, vector<400x192xf32> -> vector<400x192xf32>
    %get3A_397 = arith.constant 0 : index
    %get3A_398 = arith.constant 0 : index
    %get3A_399 = vector.load %arg6[%get3A_397, %get3A_398] : memref<1x192xf32, #tpu.memory_space<vmem>>, vector<1x192xf32>
    %add3A_400 = vector.broadcast %get3A_399 : vector<1x192xf32> to vector<400x192xf32>
    %add3A_401 = arith.addf %dot_general3A_396, %add3A_400 : vector<400x192xf32>
    %slice3A_402 = vector.extract_strided_slice %get3A_391 {offsets = [0, 0], sizes = [400, 64], strides = [1, 1]} : vector<400x192xf32> to vector<400x64xf32>
    %slice3A_403 = vector.extract_strided_slice %add3A_401 {offsets = [0, 0], sizes = [400, 64], strides = [1, 1]} : vector<400x192xf32> to vector<400x64xf32>
    %add3A_404 = arith.addf %slice3A_402, %slice3A_403 : vector<400x64xf32>
    %logistic3A_405 = arith.negf %add3A_404 : vector<400x64xf32>
    %logistic3A_406 = math.exp %logistic3A_405 : vector<400x64xf32>
    %logistic3A_407 = arith.constant 1.000000e+00 : f32
    %logistic3A_408 = vector.broadcast %logistic3A_407 : f32 to vector<400x64xf32>
    %logistic3A_409 = arith.addf %logistic3A_408, %logistic3A_406 : vector<400x64xf32>
    %logistic3A_410 = arith.divf %logistic3A_408, %logistic3A_409 : vector<400x64xf32>
    %slice3A_411 = vector.extract_strided_slice %get3A_391 {offsets = [0, 64], sizes = [400, 64], strides = [1, 1]} : vector<400x192xf32> to vector<400x64xf32>
    %slice3A_412 = vector.extract_strided_slice %add3A_401 {offsets = [0, 64], sizes = [400, 64], strides = [1, 1]} : vector<400x192xf32> to vector<400x64xf32>
    %add3A_413 = arith.addf %slice3A_411, %slice3A_412 : vector<400x64xf32>
    %logistic3A_414 = arith.negf %add3A_413 : vector<400x64xf32>
    %logistic3A_415 = math.exp %logistic3A_414 : vector<400x64xf32>
    %logistic3A_416 = arith.constant 1.000000e+00 : f32
    %logistic3A_417 = vector.broadcast %logistic3A_416 : f32 to vector<400x64xf32>
    %logistic3A_418 = arith.addf %logistic3A_417, %logistic3A_415 : vector<400x64xf32>
    %logistic3A_419 = arith.divf %logistic3A_417, %logistic3A_418 : vector<400x64xf32>
    %slice3A_420 = vector.extract_strided_slice %get3A_391 {offsets = [0, 128], sizes = [400, 64], strides = [1, 1]} : vector<400x192xf32> to vector<400x64xf32>
    %slice3A_421 = vector.extract_strided_slice %add3A_401 {offsets = [0, 128], sizes = [400, 64], strides = [1, 1]} : vector<400x192xf32> to vector<400x64xf32>
    %mul3A_422 = arith.mulf %logistic3A_410, %slice3A_421 : vector<400x64xf32>
    %add3A_423 = arith.addf %slice3A_420, %mul3A_422 : vector<400x64xf32>
    %tanh3A_424 = math.tanh %add3A_423 : vector<400x64xf32>
    %sub3A_425 = arith.constant 1.000000e+00 : f32
    %sub3A_426 = vector.broadcast %sub3A_425 : f32 to vector<400x64xf32>
    %sub3A_427 = arith.subf %sub3A_426, %logistic3A_419 : vector<400x64xf32>
    %mul3A_428 = arith.mulf %sub3A_427, %tanh3A_424 : vector<400x64xf32>
    %mul3A_429 = arith.mulf %logistic3A_419, %add3A_378 : vector<400x64xf32>
    %add3A_430 = arith.addf %mul3A_428, %mul3A_429 : vector<400x64xf32>
    %mul3A_431 = vector.broadcast %broadcast_in_dim3A : vector<400x1xf32> to vector<400x64xf32>
    %mul3A_432 = arith.mulf %add3A_430, %mul3A_431 : vector<400x64xf32>
    %swap3A_433 = arith.constant 7 : index
    %swap3A_434 = arith.constant 0 : index
    %swap3A_435 = arith.constant 0 : index
    %swap3A_436 = vector.load %arg7[%swap3A_433, %swap3A_434, %swap3A_435] : memref<12x400x64xf32, #tpu.memory_space<vmem>>, vector<1x400x64xf32>
    %swap3A_437 = vector.shape_cast %swap3A_436 : vector<1x400x64xf32> to vector<400x64xf32>
    %swap3A_438 = vector.shape_cast %mul3A_432 : vector<400x64xf32> to vector<1x400x64xf32>
    tpu.vector_store %arg7[%swap3A_433, %swap3A_434, %swap3A_435], %swap3A_438 {strides = array<i32>} : memref<12x400x64xf32, #tpu.memory_space<vmem>>, vector<1x400x64xf32>,
    %get3A_439 = arith.constant 8 : index
    %get3A_440 = arith.constant 0 : index
    %get3A_441 = arith.constant 0 : index
    %get3A_442 = vector.load %arg8[%get3A_439, %get3A_440, %get3A_441] : memref<12x400x192xf32, #tpu.memory_space<vmem>>, vector<1x400x192xf32>
    %get3A_443 = vector.shape_cast %get3A_442 : vector<1x400x192xf32> to vector<400x192xf32>
    %get3A_444 = arith.constant 0 : index
    %get3A_445 = arith.constant 0 : index
    %get3A_446 = vector.load %arg4[%get3A_444, %get3A_445] : memref<64x192xf32, #tpu.memory_space<vmem>>, vector<64x192xf32>
    %dot_general3A_447 = arith.constant dense<0.000000e+00> : vector<400x192xf32>
    %dot_general3A_448 = tpu.matmul %add3A_430, %get3A_446, %dot_general3A_447 {dimension_numbers = #tpu.dot_dimension_numbers<[1], [0], [0], [1], [0, 0, 1, 1], [], []>, transpose_lhs_hint = false} : vector<400x64xf32>, vector<64x192xf32>, vector<400x192xf32> -> vector<400x192xf32>
    %get3A_449 = arith.constant 0 : index
    %get3A_450 = arith.constant 0 : index
    %get3A_451 = vector.load %arg6[%get3A_449, %get3A_450] : memref<1x192xf32, #tpu.memory_space<vmem>>, vector<1x192xf32>
    %add3A_452 = vector.broadcast %get3A_451 : vector<1x192xf32> to vector<400x192xf32>
    %add3A_453 = arith.addf %dot_general3A_448, %add3A_452 : vector<400x192xf32>
    %slice3A_454 = vector.extract_strided_slice %get3A_443 {offsets = [0, 0], sizes = [400, 64], strides = [1, 1]} : vector<400x192xf32> to vector<400x64xf32>
    %slice3A_455 = vector.extract_strided_slice %add3A_453 {offsets = [0, 0], sizes = [400, 64], strides = [1, 1]} : vector<400x192xf32> to vector<400x64xf32>
    %add3A_456 = arith.addf %slice3A_454, %slice3A_455 : vector<400x64xf32>
    %logistic3A_457 = arith.negf %add3A_456 : vector<400x64xf32>
    %logistic3A_458 = math.exp %logistic3A_457 : vector<400x64xf32>
    %logistic3A_459 = arith.constant 1.000000e+00 : f32
    %logistic3A_460 = vector.broadcast %logistic3A_459 : f32 to vector<400x64xf32>
    %logistic3A_461 = arith.addf %logistic3A_460, %logistic3A_458 : vector<400x64xf32>
    %logistic3A_462 = arith.divf %logistic3A_460, %logistic3A_461 : vector<400x64xf32>
    %slice3A_463 = vector.extract_strided_slice %get3A_443 {offsets = [0, 64], sizes = [400, 64], strides = [1, 1]} : vector<400x192xf32> to vector<400x64xf32>
    %slice3A_464 = vector.extract_strided_slice %add3A_453 {offsets = [0, 64], sizes = [400, 64], strides = [1, 1]} : vector<400x192xf32> to vector<400x64xf32>
    %add3A_465 = arith.addf %slice3A_463, %slice3A_464 : vector<400x64xf32>
    %logistic3A_466 = arith.negf %add3A_465 : vector<400x64xf32>
    %logistic3A_467 = math.exp %logistic3A_466 : vector<400x64xf32>
    %logistic3A_468 = arith.constant 1.000000e+00 : f32
    %logistic3A_469 = vector.broadcast %logistic3A_468 : f32 to vector<400x64xf32>
    %logistic3A_470 = arith.addf %logistic3A_469, %logistic3A_467 : vector<400x64xf32>
    %logistic3A_471 = arith.divf %logistic3A_469, %logistic3A_470 : vector<400x64xf32>
    %slice3A_472 = vector.extract_strided_slice %get3A_443 {offsets = [0, 128], sizes = [400, 64], strides = [1, 1]} : vector<400x192xf32> to vector<400x64xf32>
    %slice3A_473 = vector.extract_strided_slice %add3A_453 {offsets = [0, 128], sizes = [400, 64], strides = [1, 1]} : vector<400x192xf32> to vector<400x64xf32>
    %mul3A_474 = arith.mulf %logistic3A_462, %slice3A_473 : vector<400x64xf32>
    %add3A_475 = arith.addf %slice3A_472, %mul3A_474 : vector<400x64xf32>
    %tanh3A_476 = math.tanh %add3A_475 : vector<400x64xf32>
    %sub3A_477 = arith.constant 1.000000e+00 : f32
    %sub3A_478 = vector.broadcast %sub3A_477 : f32 to vector<400x64xf32>
    %sub3A_479 = arith.subf %sub3A_478, %logistic3A_471 : vector<400x64xf32>
    %mul3A_480 = arith.mulf %sub3A_479, %tanh3A_476 : vector<400x64xf32>
    %mul3A_481 = arith.mulf %logistic3A_471, %add3A_430 : vector<400x64xf32>
    %add3A_482 = arith.addf %mul3A_480, %mul3A_481 : vector<400x64xf32>
    %mul3A_483 = vector.broadcast %broadcast_in_dim3A : vector<400x1xf32> to vector<400x64xf32>
    %mul3A_484 = arith.mulf %add3A_482, %mul3A_483 : vector<400x64xf32>
    %swap3A_485 = arith.constant 8 : index
    %swap3A_486 = arith.constant 0 : index
    %swap3A_487 = arith.constant 0 : index
    %swap3A_488 = vector.load %arg7[%swap3A_485, %swap3A_486, %swap3A_487] : memref<12x400x64xf32, #tpu.memory_space<vmem>>, vector<1x400x64xf32>
    %swap3A_489 = vector.shape_cast %swap3A_488 : vector<1x400x64xf32> to vector<400x64xf32>
    %swap3A_490 = vector.shape_cast %mul3A_484 : vector<400x64xf32> to vector<1x400x64xf32>
    tpu.vector_store %arg7[%swap3A_485, %swap3A_486, %swap3A_487], %swap3A_490 {strides = array<i32>} : memref<12x400x64xf32, #tpu.memory_space<vmem>>, vector<1x400x64xf32>,
    %get3A_491 = arith.constant 9 : index
    %get3A_492 = arith.constant 0 : index
    %get3A_493 = arith.constant 0 : index
    %get3A_494 = vector.load %arg8[%get3A_491, %get3A_492, %get3A_493] : memref<12x400x192xf32, #tpu.memory_space<vmem>>, vector<1x400x192xf32>
    %get3A_495 = vector.shape_cast %get3A_494 : vector<1x400x192xf32> to vector<400x192xf32>
    %get3A_496 = arith.constant 0 : index
    %get3A_497 = arith.constant 0 : index
    %get3A_498 = vector.load %arg4[%get3A_496, %get3A_497] : memref<64x192xf32, #tpu.memory_space<vmem>>, vector<64x192xf32>
    %dot_general3A_499 = arith.constant dense<0.000000e+00> : vector<400x192xf32>
    %dot_general3A_500 = tpu.matmul %add3A_482, %get3A_498, %dot_general3A_499 {dimension_numbers = #tpu.dot_dimension_numbers<[1], [0], [0], [1], [0, 0, 1, 1], [], []>, transpose_lhs_hint = false} : vector<400x64xf32>, vector<64x192xf32>, vector<400x192xf32> -> vector<400x192xf32>
    %get3A_501 = arith.constant 0 : index
    %get3A_502 = arith.constant 0 : index
    %get3A_503 = vector.load %arg6[%get3A_501, %get3A_502] : memref<1x192xf32, #tpu.memory_space<vmem>>, vector<1x192xf32>
    %add3A_504 = vector.broadcast %get3A_503 : vector<1x192xf32> to vector<400x192xf32>
    %add3A_505 = arith.addf %dot_general3A_500, %add3A_504 : vector<400x192xf32>
    %slice3A_506 = vector.extract_strided_slice %get3A_495 {offsets = [0, 0], sizes = [400, 64], strides = [1, 1]} : vector<400x192xf32> to vector<400x64xf32>
    %slice3A_507 = vector.extract_strided_slice %add3A_505 {offsets = [0, 0], sizes = [400, 64], strides = [1, 1]} : vector<400x192xf32> to vector<400x64xf32>
    %add3A_508 = arith.addf %slice3A_506, %slice3A_507 : vector<400x64xf32>
    %logistic3A_509 = arith.negf %add3A_508 : vector<400x64xf32>
    %logistic3A_510 = math.exp %logistic3A_509 : vector<400x64xf32>
    %logistic3A_511 = arith.constant 1.000000e+00 : f32
    %logistic3A_512 = vector.broadcast %logistic3A_511 : f32 to vector<400x64xf32>
    %logistic3A_513 = arith.addf %logistic3A_512, %logistic3A_510 : vector<400x64xf32>
    %logistic3A_514 = arith.divf %logistic3A_512, %logistic3A_513 : vector<400x64xf32>
    %slice3A_515 = vector.extract_strided_slice %get3A_495 {offsets = [0, 64], sizes = [400, 64], strides = [1, 1]} : vector<400x192xf32> to vector<400x64xf32>
    %slice3A_516 = vector.extract_strided_slice %add3A_505 {offsets = [0, 64], sizes = [400, 64], strides = [1, 1]} : vector<400x192xf32> to vector<400x64xf32>
    %add3A_517 = arith.addf %slice3A_515, %slice3A_516 : vector<400x64xf32>
    %logistic3A_518 = arith.negf %add3A_517 : vector<400x64xf32>
    %logistic3A_519 = math.exp %logistic3A_518 : vector<400x64xf32>
    %logistic3A_520 = arith.constant 1.000000e+00 : f32
    %logistic3A_521 = vector.broadcast %logistic3A_520 : f32 to vector<400x64xf32>
    %logistic3A_522 = arith.addf %logistic3A_521, %logistic3A_519 : vector<400x64xf32>
    %logistic3A_523 = arith.divf %logistic3A_521, %logistic3A_522 : vector<400x64xf32>
    %slice3A_524 = vector.extract_strided_slice %get3A_495 {offsets = [0, 128], sizes = [400, 64], strides = [1, 1]} : vector<400x192xf32> to vector<400x64xf32>
    %slice3A_525 = vector.extract_strided_slice %add3A_505 {offsets = [0, 128], sizes = [400, 64], strides = [1, 1]} : vector<400x192xf32> to vector<400x64xf32>
    %mul3A_526 = arith.mulf %logistic3A_514, %slice3A_525 : vector<400x64xf32>
    %add3A_527 = arith.addf %slice3A_524, %mul3A_526 : vector<400x64xf32>
    %tanh3A_528 = math.tanh %add3A_527 : vector<400x64xf32>
    %sub3A_529 = arith.constant 1.000000e+00 : f32
    %sub3A_530 = vector.broadcast %sub3A_529 : f32 to vector<400x64xf32>
    %sub3A_531 = arith.subf %sub3A_530, %logistic3A_523 : vector<400x64xf32>
    %mul3A_532 = arith.mulf %sub3A_531, %tanh3A_528 : vector<400x64xf32>
    %mul3A_533 = arith.mulf %logistic3A_523, %add3A_482 : vector<400x64xf32>
    %add3A_534 = arith.addf %mul3A_532, %mul3A_533 : vector<400x64xf32>
    %mul3A_535 = vector.broadcast %broadcast_in_dim3A : vector<400x1xf32> to vector<400x64xf32>
    %mul3A_536 = arith.mulf %add3A_534, %mul3A_535 : vector<400x64xf32>
    %swap3A_537 = arith.constant 9 : index
    %swap3A_538 = arith.constant 0 : index
    %swap3A_539 = arith.constant 0 : index
    %swap3A_540 = vector.load %arg7[%swap3A_537, %swap3A_538, %swap3A_539] : memref<12x400x64xf32, #tpu.memory_space<vmem>>, vector<1x400x64xf32>
    %swap3A_541 = vector.shape_cast %swap3A_540 : vector<1x400x64xf32> to vector<400x64xf32>
    %swap3A_542 = vector.shape_cast %mul3A_536 : vector<400x64xf32> to vector<1x400x64xf32>
    tpu.vector_store %arg7[%swap3A_537, %swap3A_538, %swap3A_539], %swap3A_542 {strides = array<i32>} : memref<12x400x64xf32, #tpu.memory_space<vmem>>, vector<1x400x64xf32>,
    %get3A_543 = arith.constant 10 : index
    %get3A_544 = arith.constant 0 : index
    %get3A_545 = arith.constant 0 : index
    %get3A_546 = vector.load %arg8[%get3A_543, %get3A_544, %get3A_545] : memref<12x400x192xf32, #tpu.memory_space<vmem>>, vector<1x400x192xf32>
    %get3A_547 = vector.shape_cast %get3A_546 : vector<1x400x192xf32> to vector<400x192xf32>
    %get3A_548 = arith.constant 0 : index
    %get3A_549 = arith.constant 0 : index
    %get3A_550 = vector.load %arg4[%get3A_548, %get3A_549] : memref<64x192xf32, #tpu.memory_space<vmem>>, vector<64x192xf32>
    %dot_general3A_551 = arith.constant dense<0.000000e+00> : vector<400x192xf32>
    %dot_general3A_552 = tpu.matmul %add3A_534, %get3A_550, %dot_general3A_551 {dimension_numbers = #tpu.dot_dimension_numbers<[1], [0], [0], [1], [0, 0, 1, 1], [], []>, transpose_lhs_hint = false} : vector<400x64xf32>, vector<64x192xf32>, vector<400x192xf32> -> vector<400x192xf32>
    %get3A_553 = arith.constant 0 : index
    %get3A_554 = arith.constant 0 : index
    %get3A_555 = vector.load %arg6[%get3A_553, %get3A_554] : memref<1x192xf32, #tpu.memory_space<vmem>>, vector<1x192xf32>
    %add3A_556 = vector.broadcast %get3A_555 : vector<1x192xf32> to vector<400x192xf32>
    %add3A_557 = arith.addf %dot_general3A_552, %add3A_556 : vector<400x192xf32>
    %slice3A_558 = vector.extract_strided_slice %get3A_547 {offsets = [0, 0], sizes = [400, 64], strides = [1, 1]} : vector<400x192xf32> to vector<400x64xf32>
    %slice3A_559 = vector.extract_strided_slice %add3A_557 {offsets = [0, 0], sizes = [400, 64], strides = [1, 1]} : vector<400x192xf32> to vector<400x64xf32>
    %add3A_560 = arith.addf %slice3A_558, %slice3A_559 : vector<400x64xf32>
    %logistic3A_561 = arith.negf %add3A_560 : vector<400x64xf32>
    %logistic3A_562 = math.exp %logistic3A_561 : vector<400x64xf32>
    %logistic3A_563 = arith.constant 1.000000e+00 : f32
    %logistic3A_564 = vector.broadcast %logistic3A_563 : f32 to vector<400x64xf32>
    %logistic3A_565 = arith.addf %logistic3A_564, %logistic3A_562 : vector<400x64xf32>
    %logistic3A_566 = arith.divf %logistic3A_564, %logistic3A_565 : vector<400x64xf32>
    %slice3A_567 = vector.extract_strided_slice %get3A_547 {offsets = [0, 64], sizes = [400, 64], strides = [1, 1]} : vector<400x192xf32> to vector<400x64xf32>
    %slice3A_568 = vector.extract_strided_slice %add3A_557 {offsets = [0, 64], sizes = [400, 64], strides = [1, 1]} : vector<400x192xf32> to vector<400x64xf32>
    %add3A_569 = arith.addf %slice3A_567, %slice3A_568 : vector<400x64xf32>
    %logistic3A_570 = arith.negf %add3A_569 : vector<400x64xf32>
    %logistic3A_571 = math.exp %logistic3A_570 : vector<400x64xf32>
    %logistic3A_572 = arith.constant 1.000000e+00 : f32
    %logistic3A_573 = vector.broadcast %logistic3A_572 : f32 to vector<400x64xf32>
    %logistic3A_574 = arith.addf %logistic3A_573, %logistic3A_571 : vector<400x64xf32>
    %logistic3A_575 = arith.divf %logistic3A_573, %logistic3A_574 : vector<400x64xf32>
    %slice3A_576 = vector.extract_strided_slice %get3A_547 {offsets = [0, 128], sizes = [400, 64], strides = [1, 1]} : vector<400x192xf32> to vector<400x64xf32>
    %slice3A_577 = vector.extract_strided_slice %add3A_557 {offsets = [0, 128], sizes = [400, 64], strides = [1, 1]} : vector<400x192xf32> to vector<400x64xf32>
    %mul3A_578 = arith.mulf %logistic3A_566, %slice3A_577 : vector<400x64xf32>
    %add3A_579 = arith.addf %slice3A_576, %mul3A_578 : vector<400x64xf32>
    %tanh3A_580 = math.tanh %add3A_579 : vector<400x64xf32>
    %sub3A_581 = arith.constant 1.000000e+00 : f32
    %sub3A_582 = vector.broadcast %sub3A_581 : f32 to vector<400x64xf32>
    %sub3A_583 = arith.subf %sub3A_582, %logistic3A_575 : vector<400x64xf32>
    %mul3A_584 = arith.mulf %sub3A_583, %tanh3A_580 : vector<400x64xf32>
    %mul3A_585 = arith.mulf %logistic3A_575, %add3A_534 : vector<400x64xf32>
    %add3A_586 = arith.addf %mul3A_584, %mul3A_585 : vector<400x64xf32>
    %mul3A_587 = vector.broadcast %broadcast_in_dim3A : vector<400x1xf32> to vector<400x64xf32>
    %mul3A_588 = arith.mulf %add3A_586, %mul3A_587 : vector<400x64xf32>
    %swap3A_589 = arith.constant 10 : index
    %swap3A_590 = arith.constant 0 : index
    %swap3A_591 = arith.constant 0 : index
    %swap3A_592 = vector.load %arg7[%swap3A_589, %swap3A_590, %swap3A_591] : memref<12x400x64xf32, #tpu.memory_space<vmem>>, vector<1x400x64xf32>
    %swap3A_593 = vector.shape_cast %swap3A_592 : vector<1x400x64xf32> to vector<400x64xf32>
    %swap3A_594 = vector.shape_cast %mul3A_588 : vector<400x64xf32> to vector<1x400x64xf32>
    tpu.vector_store %arg7[%swap3A_589, %swap3A_590, %swap3A_591], %swap3A_594 {strides = array<i32>} : memref<12x400x64xf32, #tpu.memory_space<vmem>>, vector<1x400x64xf32>,
    %get3A_595 = arith.constant 11 : index
    %get3A_596 = arith.constant 0 : index
    %get3A_597 = arith.constant 0 : index
    %get3A_598 = vector.load %arg8[%get3A_595, %get3A_596, %get3A_597] : memref<12x400x192xf32, #tpu.memory_space<vmem>>, vector<1x400x192xf32>
    %get3A_599 = vector.shape_cast %get3A_598 : vector<1x400x192xf32> to vector<400x192xf32>
    %get3A_600 = arith.constant 0 : index
    %get3A_601 = arith.constant 0 : index
    %get3A_602 = vector.load %arg4[%get3A_600, %get3A_601] : memref<64x192xf32, #tpu.memory_space<vmem>>, vector<64x192xf32>
    %dot_general3A_603 = arith.constant dense<0.000000e+00> : vector<400x192xf32>
    %dot_general3A_604 = tpu.matmul %add3A_586, %get3A_602, %dot_general3A_603 {dimension_numbers = #tpu.dot_dimension_numbers<[1], [0], [0], [1], [0, 0, 1, 1], [], []>, transpose_lhs_hint = false} : vector<400x64xf32>, vector<64x192xf32>, vector<400x192xf32> -> vector<400x192xf32>
    %get3A_605 = arith.constant 0 : index
    %get3A_606 = arith.constant 0 : index
    %get3A_607 = vector.load %arg6[%get3A_605, %get3A_606] : memref<1x192xf32, #tpu.memory_space<vmem>>, vector<1x192xf32>
    %add3A_608 = vector.broadcast %get3A_607 : vector<1x192xf32> to vector<400x192xf32>
    %add3A_609 = arith.addf %dot_general3A_604, %add3A_608 : vector<400x192xf32>
    %slice3A_610 = vector.extract_strided_slice %get3A_599 {offsets = [0, 0], sizes = [400, 64], strides = [1, 1]} : vector<400x192xf32> to vector<400x64xf32>
    %slice3A_611 = vector.extract_strided_slice %add3A_609 {offsets = [0, 0], sizes = [400, 64], strides = [1, 1]} : vector<400x192xf32> to vector<400x64xf32>
    %add3A_612 = arith.addf %slice3A_610, %slice3A_611 : vector<400x64xf32>
    %logistic3A_613 = arith.negf %add3A_612 : vector<400x64xf32>
    %logistic3A_614 = math.exp %logistic3A_613 : vector<400x64xf32>
    %logistic3A_615 = arith.constant 1.000000e+00 : f32
    %logistic3A_616 = vector.broadcast %logistic3A_615 : f32 to vector<400x64xf32>
    %logistic3A_617 = arith.addf %logistic3A_616, %logistic3A_614 : vector<400x64xf32>
    %logistic3A_618 = arith.divf %logistic3A_616, %logistic3A_617 : vector<400x64xf32>
    %slice3A_619 = vector.extract_strided_slice %get3A_599 {offsets = [0, 64], sizes = [400, 64], strides = [1, 1]} : vector<400x192xf32> to vector<400x64xf32>
    %slice3A_620 = vector.extract_strided_slice %add3A_609 {offsets = [0, 64], sizes = [400, 64], strides = [1, 1]} : vector<400x192xf32> to vector<400x64xf32>
    %add3A_621 = arith.addf %slice3A_619, %slice3A_620 : vector<400x64xf32>
    %logistic3A_622 = arith.negf %add3A_621 : vector<400x64xf32>
    %logistic3A_623 = math.exp %logistic3A_622 : vector<400x64xf32>
    %logistic3A_624 = arith.constant 1.000000e+00 : f32
    %logistic3A_625 = vector.broadcast %logistic3A_624 : f32 to vector<400x64xf32>
    %logistic3A_626 = arith.addf %logistic3A_625, %logistic3A_623 : vector<400x64xf32>
    %logistic3A_627 = arith.divf %logistic3A_625, %logistic3A_626 : vector<400x64xf32>
    %slice3A_628 = vector.extract_strided_slice %get3A_599 {offsets = [0, 128], sizes = [400, 64], strides = [1, 1]} : vector<400x192xf32> to vector<400x64xf32>
    %slice3A_629 = vector.extract_strided_slice %add3A_609 {offsets = [0, 128], sizes = [400, 64], strides = [1, 1]} : vector<400x192xf32> to vector<400x64xf32>
    %mul3A_630 = arith.mulf %logistic3A_618, %slice3A_629 : vector<400x64xf32>
    %add3A_631 = arith.addf %slice3A_628, %mul3A_630 : vector<400x64xf32>
    %tanh3A_632 = math.tanh %add3A_631 : vector<400x64xf32>
    %sub3A_633 = arith.constant 1.000000e+00 : f32
    %sub3A_634 = vector.broadcast %sub3A_633 : f32 to vector<400x64xf32>
    %sub3A_635 = arith.subf %sub3A_634, %logistic3A_627 : vector<400x64xf32>
    %mul3A_636 = arith.mulf %sub3A_635, %tanh3A_632 : vector<400x64xf32>
    %mul3A_637 = arith.mulf %logistic3A_627, %add3A_586 : vector<400x64xf32>
    %add3A_638 = arith.addf %mul3A_636, %mul3A_637 : vector<400x64xf32>
    %mul3A_639 = vector.broadcast %broadcast_in_dim3A : vector<400x1xf32> to vector<400x64xf32>
    %mul3A_640 = arith.mulf %add3A_638, %mul3A_639 : vector<400x64xf32>
    %swap3A_641 = arith.constant 11 : index
    %swap3A_642 = arith.constant 0 : index
    %swap3A_643 = arith.constant 0 : index
    %swap3A_644 = vector.load %arg7[%swap3A_641, %swap3A_642, %swap3A_643] : memref<12x400x64xf32, #tpu.memory_space<vmem>>, vector<1x400x64xf32>
    %swap3A_645 = vector.shape_cast %swap3A_644 : vector<1x400x64xf32> to vector<400x64xf32>
    %swap3A_646 = vector.shape_cast %mul3A_640 : vector<400x64xf32> to vector<1x400x64xf32>
    tpu.vector_store %arg7[%swap3A_641, %swap3A_642, %swap3A_643], %swap3A_646 {strides = array<i32>} : memref<12x400x64xf32, #tpu.memory_space<vmem>>, vector<1x400x64xf32>,
    return
  }
  func.func @transform_0(%arg0: i32) -> (i32, i32, i32) {
    %c0_i32 = arith.constant 0 : i32
    %c0_i32_0 = arith.constant 0 : i32
    %c0_i32_1 = arith.constant 0 : i32
    return %c0_i32, %arg0, %c0_i32_0 : i32, i32, i32
  }
  func.func @transform_1(%arg0: i32) -> (i32, i32, i32) {
    %c0_i32 = arith.constant 0 : i32
    %c0_i32_0 = arith.constant 0 : i32
    %c0_i32_1 = arith.constant 0 : i32
    return %c0_i32, %arg0, %c0_i32_0 : i32, i32, i32
  }
  func.func @transform_2(%arg0: i32) -> (i32, i32) {
    %c0_i32 = arith.constant 0 : i32
    %c0_i32_0 = arith.constant 0 : i32
    %c0_i32_1 = arith.constant 0 : i32
    return %c0_i32, %c0_i32_0 : i32, i32
  }
  func.func @transform_3(%arg0: i32) -> (i32, i32) {
    %c0_i32 = arith.constant 0 : i32
    %c0_i32_0 = arith.constant 0 : i32
    %c0_i32_1 = arith.constant 0 : i32
    return %c0_i32, %c0_i32_0 : i32, i32
  }
  func.func @transform_4(%arg0: i32) -> (i32, i32) {
    %c0_i32 = arith.constant 0 : i32
    %c0_i32_0 = arith.constant 0 : i32
    %c0_i32_1 = arith.constant 0 : i32
    return %c0_i32, %c0_i32_0 : i32, i32
  }
  func.func @transform_5(%arg0: i32) -> (i32, i32) {
    %c0_i32 = arith.constant 0 : i32
    %c0_i32_0 = arith.constant 0 : i32
    %c0_i32_1 = arith.constant 0 : i32
    return %c0_i32, %c0_i32_0 : i32, i32
  }
  func.func @transform_6(%arg0: i32) -> (i32, i32, i32) {
    %c0_i32 = arith.constant 0 : i32
    %c0_i32_0 = arith.constant 0 : i32
    %c0_i32_1 = arith.constant 0 : i32
    return %c0_i32, %arg0, %c0_i32_0 : i32, i32, i32
  }
}

module attributes {stable_mosaic.version = 14 : i64} {
  func.func @_gru2_body(%arg0: i32, %arg1: memref<12x400x64xf32, #tpu.memory_space<vmem>>, %arg2: memref<2x12x400x64xf32, #tpu.memory_space<vmem>>, %arg3: memref<2x400x16xf32, #tpu.memory_space<vmem>>, %arg4: memref<1x64xf32, #tpu.memory_space<vmem>>, %arg5: memref<64x96xf32, #tpu.memory_space<vmem>>, %arg6: memref<32x96xf32, #tpu.memory_space<vmem>>, %arg7: memref<1x96xf32, #tpu.memory_space<vmem>>, %arg8: memref<1x96xf32, #tpu.memory_space<vmem>>, %arg9: memref<400x32xf32, #tpu.memory_space<vmem>>) attributes {dimension_semantics = [#tpu.dimension_semantics<arbitrary>], iteration_bounds = array<i64: 25>, scalar_prefetch = 0 : i64, scratch_operands = 0 : i64, tpu.core_type = #tpu.core_type<tc>, window_params = [{transform_indices = @transform_0, window_bounds = array<i64: 12, 400, 64>}, {transform_indices = @transform_1, window_bounds = array<i64: 2, 12, 400, 64>}, {transform_indices = @transform_2, window_bounds = array<i64: 2, 400, 16>}, {pipeline_mode = #tpu.pipeline_mode<synchronous>, transform_indices = @transform_3, window_bounds = array<i64: 1, 64>}, {pipeline_mode = #tpu.pipeline_mode<synchronous>, transform_indices = @transform_4, window_bounds = array<i64: 64, 96>}, {pipeline_mode = #tpu.pipeline_mode<synchronous>, transform_indices = @transform_5, window_bounds = array<i64: 32, 96>}, {pipeline_mode = #tpu.pipeline_mode<synchronous>, transform_indices = @transform_6, window_bounds = array<i64: 1, 96>}, {pipeline_mode = #tpu.pipeline_mode<synchronous>, transform_indices = @transform_7, window_bounds = array<i64: 1, 96>}, {transform_indices = @transform_8, window_bounds = array<i64: 400, 32>}]} {
    %get3A = arith.constant 0 : index
    %get3A_0 = arith.constant 0 : index
    %get3A_1 = arith.constant 0 : index
    %get3A_2 = vector.load %arg3[%get3A, %get3A_0, %get3A_1] : memref<2x400x16xf32, #tpu.memory_space<vmem>>, vector<2x400x16xf32>
    %slice3A = vector.extract_strided_slice %get3A_2 {offsets = [0, 0, 0], sizes = [1, 400, 1], strides = [1, 1, 1]} : vector<2x400x16xf32> to vector<1x400x1xf32>
    %squeeze3A = vector.shape_cast %slice3A : vector<1x400x1xf32> to vector<400xf32>
    %slice3A_3 = vector.extract_strided_slice %get3A_2 {offsets = [1, 0, 0], sizes = [1, 400, 1], strides = [1, 1, 1]} : vector<2x400x16xf32> to vector<1x400x1xf32>
    %squeeze3A_4 = vector.shape_cast %slice3A_3 : vector<1x400x1xf32> to vector<400xf32>
    %add3A = arith.addf %squeeze3A, %squeeze3A_4 : vector<400xf32>
    %add3A_5 = arith.constant 1.000000e+00 : f32
    %add3A_6 = vector.broadcast %add3A_5 : f32 to vector<400xf32>
    %add3A_7 = arith.addf %add3A, %add3A_6 : vector<400xf32>
    %rsqrt3A = math.rsqrt %add3A_7 : vector<400xf32>
    %broadcast_in_dim3A = vector.shape_cast %rsqrt3A : vector<400xf32> to vector<400x1xf32>
    %broadcast_in_dim3A_8 = arith.constant 0.000000e+00 : f32
    %broadcast_in_dim3A_9 = vector.broadcast %broadcast_in_dim3A_8 : f32 to vector<400x32xf32>
    %get3A_10 = arith.constant 0 : index
    %get3A_11 = arith.constant 0 : index
    %get3A_12 = arith.constant 0 : index
    %get3A_13 = vector.load %arg1[%get3A_10, %get3A_11, %get3A_12] : memref<12x400x64xf32, #tpu.memory_space<vmem>>, vector<1x400x64xf32>
    %get3A_14 = vector.shape_cast %get3A_13 : vector<1x400x64xf32> to vector<400x64xf32>
    %get3A_15 = arith.constant 0 : index
    %get3A_16 = arith.constant 0 : index
    %get3A_17 = arith.constant 0 : index
    %get3A_18 = arith.constant 0 : index
    %get3A_19 = vector.load %arg2[%get3A_15, %get3A_16, %get3A_17, %get3A_18] : memref<2x12x400x64xf32, #tpu.memory_space<vmem>>, vector<1x1x400x64xf32>
    %get3A_20 = vector.shape_cast %get3A_19 : vector<1x1x400x64xf32> to vector<400x64xf32>
    %add3A_21 = arith.addf %get3A_14, %get3A_20 : vector<400x64xf32>
    %get3A_22 = arith.constant 1 : index
    %get3A_23 = arith.constant 0 : index
    %get3A_24 = arith.constant 0 : index
    %get3A_25 = arith.constant 0 : index
    %get3A_26 = vector.load %arg2[%get3A_22, %get3A_23, %get3A_24, %get3A_25] : memref<2x12x400x64xf32, #tpu.memory_space<vmem>>, vector<1x1x400x64xf32>
    %get3A_27 = vector.shape_cast %get3A_26 : vector<1x1x400x64xf32> to vector<400x64xf32>
    %add3A_28 = arith.addf %add3A_21, %get3A_27 : vector<400x64xf32>
    %mul3A = vector.broadcast %broadcast_in_dim3A : vector<400x1xf32> to vector<400x64xf32>
    %mul3A_29 = arith.mulf %add3A_28, %mul3A : vector<400x64xf32>
    %get3A_30 = arith.constant 0 : index
    %get3A_31 = arith.constant 0 : index
    %get3A_32 = vector.load %arg4[%get3A_30, %get3A_31] : memref<1x64xf32, #tpu.memory_space<vmem>>, vector<1x64xf32>
    %add3A_33 = vector.broadcast %get3A_32 : vector<1x64xf32> to vector<400x64xf32>
    %add3A_34 = arith.addf %mul3A_29, %add3A_33 : vector<400x64xf32>
    %max3A = arith.constant 0.000000e+00 : f32
    %max3A_35 = vector.broadcast %max3A : f32 to vector<400x64xf32>
    %max3A_36 = arith.maximumf %add3A_34, %max3A_35 : vector<400x64xf32>
    %get3A_37 = arith.constant 0 : index
    %get3A_38 = arith.constant 0 : index
    %get3A_39 = vector.load %arg5[%get3A_37, %get3A_38] : memref<64x96xf32, #tpu.memory_space<vmem>>, vector<64x96xf32>
    %dot_general3A = arith.constant dense<0.000000e+00> : vector<400x96xf32>
    %dot_general3A_40 = tpu.matmul %max3A_36, %get3A_39, %dot_general3A {dimension_numbers = #tpu.dot_dimension_numbers<[1], [0], [0], [1], [0, 0, 1, 1], [], []>, transpose_lhs_hint = false} : vector<400x64xf32>, vector<64x96xf32>, vector<400x96xf32> -> vector<400x96xf32>
    %get3A_41 = arith.constant 0 : index
    %get3A_42 = arith.constant 0 : index
    %get3A_43 = vector.load %arg7[%get3A_41, %get3A_42] : memref<1x96xf32, #tpu.memory_space<vmem>>, vector<1x96xf32>
    %add3A_44 = vector.broadcast %get3A_43 : vector<1x96xf32> to vector<400x96xf32>
    %add3A_45 = arith.addf %dot_general3A_40, %add3A_44 : vector<400x96xf32>
    %get3A_46 = arith.constant 0 : index
    %get3A_47 = arith.constant 0 : index
    %get3A_48 = vector.load %arg6[%get3A_46, %get3A_47] : memref<32x96xf32, #tpu.memory_space<vmem>>, vector<32x96xf32>
    %dot_general3A_49 = arith.constant dense<0.000000e+00> : vector<400x96xf32>
    %dot_general3A_50 = tpu.matmul %broadcast_in_dim3A_9, %get3A_48, %dot_general3A_49 {dimension_numbers = #tpu.dot_dimension_numbers<[1], [0], [0], [1], [0, 0, 1, 1], [], []>, transpose_lhs_hint = false} : vector<400x32xf32>, vector<32x96xf32>, vector<400x96xf32> -> vector<400x96xf32>
    %get3A_51 = arith.constant 0 : index
    %get3A_52 = arith.constant 0 : index
    %get3A_53 = vector.load %arg8[%get3A_51, %get3A_52] : memref<1x96xf32, #tpu.memory_space<vmem>>, vector<1x96xf32>
    %add3A_54 = vector.broadcast %get3A_53 : vector<1x96xf32> to vector<400x96xf32>
    %add3A_55 = arith.addf %dot_general3A_50, %add3A_54 : vector<400x96xf32>
    %slice3A_56 = vector.extract_strided_slice %add3A_45 {offsets = [0, 0], sizes = [400, 32], strides = [1, 1]} : vector<400x96xf32> to vector<400x32xf32>
    %slice3A_57 = vector.extract_strided_slice %add3A_55 {offsets = [0, 0], sizes = [400, 32], strides = [1, 1]} : vector<400x96xf32> to vector<400x32xf32>
    %add3A_58 = arith.addf %slice3A_56, %slice3A_57 : vector<400x32xf32>
    %logistic3A = arith.negf %add3A_58 : vector<400x32xf32>
    %logistic3A_59 = math.exp %logistic3A : vector<400x32xf32>
    %logistic3A_60 = arith.constant 1.000000e+00 : f32
    %logistic3A_61 = vector.broadcast %logistic3A_60 : f32 to vector<400x32xf32>
    %logistic3A_62 = arith.addf %logistic3A_61, %logistic3A_59 : vector<400x32xf32>
    %logistic3A_63 = arith.divf %logistic3A_61, %logistic3A_62 : vector<400x32xf32>
    %slice3A_64 = vector.extract_strided_slice %add3A_45 {offsets = [0, 32], sizes = [400, 32], strides = [1, 1]} : vector<400x96xf32> to vector<400x32xf32>
    %slice3A_65 = vector.extract_strided_slice %add3A_55 {offsets = [0, 32], sizes = [400, 32], strides = [1, 1]} : vector<400x96xf32> to vector<400x32xf32>
    %add3A_66 = arith.addf %slice3A_64, %slice3A_65 : vector<400x32xf32>
    %logistic3A_67 = arith.negf %add3A_66 : vector<400x32xf32>
    %logistic3A_68 = math.exp %logistic3A_67 : vector<400x32xf32>
    %logistic3A_69 = arith.constant 1.000000e+00 : f32
    %logistic3A_70 = vector.broadcast %logistic3A_69 : f32 to vector<400x32xf32>
    %logistic3A_71 = arith.addf %logistic3A_70, %logistic3A_68 : vector<400x32xf32>
    %logistic3A_72 = arith.divf %logistic3A_70, %logistic3A_71 : vector<400x32xf32>
    %slice3A_73 = vector.extract_strided_slice %add3A_45 {offsets = [0, 64], sizes = [400, 32], strides = [1, 1]} : vector<400x96xf32> to vector<400x32xf32>
    %slice3A_74 = vector.extract_strided_slice %add3A_55 {offsets = [0, 64], sizes = [400, 32], strides = [1, 1]} : vector<400x96xf32> to vector<400x32xf32>
    %mul3A_75 = arith.mulf %logistic3A_63, %slice3A_74 : vector<400x32xf32>
    %add3A_76 = arith.addf %slice3A_73, %mul3A_75 : vector<400x32xf32>
    %tanh3A = math.tanh %add3A_76 : vector<400x32xf32>
    %sub3A = arith.constant 1.000000e+00 : f32
    %sub3A_77 = vector.broadcast %sub3A : f32 to vector<400x32xf32>
    %sub3A_78 = arith.subf %sub3A_77, %logistic3A_72 : vector<400x32xf32>
    %mul3A_79 = arith.mulf %sub3A_78, %tanh3A : vector<400x32xf32>
    %mul3A_80 = arith.mulf %logistic3A_72, %broadcast_in_dim3A_9 : vector<400x32xf32>
    %add3A_81 = arith.addf %mul3A_79, %mul3A_80 : vector<400x32xf32>
    %get3A_82 = arith.constant 1 : index
    %get3A_83 = arith.constant 0 : index
    %get3A_84 = arith.constant 0 : index
    %get3A_85 = vector.load %arg1[%get3A_82, %get3A_83, %get3A_84] : memref<12x400x64xf32, #tpu.memory_space<vmem>>, vector<1x400x64xf32>
    %get3A_86 = vector.shape_cast %get3A_85 : vector<1x400x64xf32> to vector<400x64xf32>
    %get3A_87 = arith.constant 0 : index
    %get3A_88 = arith.constant 1 : index
    %get3A_89 = arith.constant 0 : index
    %get3A_90 = arith.constant 0 : index
    %get3A_91 = vector.load %arg2[%get3A_87, %get3A_88, %get3A_89, %get3A_90] : memref<2x12x400x64xf32, #tpu.memory_space<vmem>>, vector<1x1x400x64xf32>
    %get3A_92 = vector.shape_cast %get3A_91 : vector<1x1x400x64xf32> to vector<400x64xf32>
    %add3A_93 = arith.addf %get3A_86, %get3A_92 : vector<400x64xf32>
    %get3A_94 = arith.constant 1 : index
    %get3A_95 = arith.constant 1 : index
    %get3A_96 = arith.constant 0 : index
    %get3A_97 = arith.constant 0 : index
    %get3A_98 = vector.load %arg2[%get3A_94, %get3A_95, %get3A_96, %get3A_97] : memref<2x12x400x64xf32, #tpu.memory_space<vmem>>, vector<1x1x400x64xf32>
    %get3A_99 = vector.shape_cast %get3A_98 : vector<1x1x400x64xf32> to vector<400x64xf32>
    %add3A_100 = arith.addf %add3A_93, %get3A_99 : vector<400x64xf32>
    %mul3A_101 = vector.broadcast %broadcast_in_dim3A : vector<400x1xf32> to vector<400x64xf32>
    %mul3A_102 = arith.mulf %add3A_100, %mul3A_101 : vector<400x64xf32>
    %get3A_103 = arith.constant 0 : index
    %get3A_104 = arith.constant 0 : index
    %get3A_105 = vector.load %arg4[%get3A_103, %get3A_104] : memref<1x64xf32, #tpu.memory_space<vmem>>, vector<1x64xf32>
    %add3A_106 = vector.broadcast %get3A_105 : vector<1x64xf32> to vector<400x64xf32>
    %add3A_107 = arith.addf %mul3A_102, %add3A_106 : vector<400x64xf32>
    %max3A_108 = arith.constant 0.000000e+00 : f32
    %max3A_109 = vector.broadcast %max3A_108 : f32 to vector<400x64xf32>
    %max3A_110 = arith.maximumf %add3A_107, %max3A_109 : vector<400x64xf32>
    %get3A_111 = arith.constant 0 : index
    %get3A_112 = arith.constant 0 : index
    %get3A_113 = vector.load %arg5[%get3A_111, %get3A_112] : memref<64x96xf32, #tpu.memory_space<vmem>>, vector<64x96xf32>
    %dot_general3A_114 = arith.constant dense<0.000000e+00> : vector<400x96xf32>
    %dot_general3A_115 = tpu.matmul %max3A_110, %get3A_113, %dot_general3A_114 {dimension_numbers = #tpu.dot_dimension_numbers<[1], [0], [0], [1], [0, 0, 1, 1], [], []>, transpose_lhs_hint = false} : vector<400x64xf32>, vector<64x96xf32>, vector<400x96xf32> -> vector<400x96xf32>
    %get3A_116 = arith.constant 0 : index
    %get3A_117 = arith.constant 0 : index
    %get3A_118 = vector.load %arg7[%get3A_116, %get3A_117] : memref<1x96xf32, #tpu.memory_space<vmem>>, vector<1x96xf32>
    %add3A_119 = vector.broadcast %get3A_118 : vector<1x96xf32> to vector<400x96xf32>
    %add3A_120 = arith.addf %dot_general3A_115, %add3A_119 : vector<400x96xf32>
    %get3A_121 = arith.constant 0 : index
    %get3A_122 = arith.constant 0 : index
    %get3A_123 = vector.load %arg6[%get3A_121, %get3A_122] : memref<32x96xf32, #tpu.memory_space<vmem>>, vector<32x96xf32>
    %dot_general3A_124 = arith.constant dense<0.000000e+00> : vector<400x96xf32>
    %dot_general3A_125 = tpu.matmul %add3A_81, %get3A_123, %dot_general3A_124 {dimension_numbers = #tpu.dot_dimension_numbers<[1], [0], [0], [1], [0, 0, 1, 1], [], []>, transpose_lhs_hint = false} : vector<400x32xf32>, vector<32x96xf32>, vector<400x96xf32> -> vector<400x96xf32>
    %get3A_126 = arith.constant 0 : index
    %get3A_127 = arith.constant 0 : index
    %get3A_128 = vector.load %arg8[%get3A_126, %get3A_127] : memref<1x96xf32, #tpu.memory_space<vmem>>, vector<1x96xf32>
    %add3A_129 = vector.broadcast %get3A_128 : vector<1x96xf32> to vector<400x96xf32>
    %add3A_130 = arith.addf %dot_general3A_125, %add3A_129 : vector<400x96xf32>
    %slice3A_131 = vector.extract_strided_slice %add3A_120 {offsets = [0, 0], sizes = [400, 32], strides = [1, 1]} : vector<400x96xf32> to vector<400x32xf32>
    %slice3A_132 = vector.extract_strided_slice %add3A_130 {offsets = [0, 0], sizes = [400, 32], strides = [1, 1]} : vector<400x96xf32> to vector<400x32xf32>
    %add3A_133 = arith.addf %slice3A_131, %slice3A_132 : vector<400x32xf32>
    %logistic3A_134 = arith.negf %add3A_133 : vector<400x32xf32>
    %logistic3A_135 = math.exp %logistic3A_134 : vector<400x32xf32>
    %logistic3A_136 = arith.constant 1.000000e+00 : f32
    %logistic3A_137 = vector.broadcast %logistic3A_136 : f32 to vector<400x32xf32>
    %logistic3A_138 = arith.addf %logistic3A_137, %logistic3A_135 : vector<400x32xf32>
    %logistic3A_139 = arith.divf %logistic3A_137, %logistic3A_138 : vector<400x32xf32>
    %slice3A_140 = vector.extract_strided_slice %add3A_120 {offsets = [0, 32], sizes = [400, 32], strides = [1, 1]} : vector<400x96xf32> to vector<400x32xf32>
    %slice3A_141 = vector.extract_strided_slice %add3A_130 {offsets = [0, 32], sizes = [400, 32], strides = [1, 1]} : vector<400x96xf32> to vector<400x32xf32>
    %add3A_142 = arith.addf %slice3A_140, %slice3A_141 : vector<400x32xf32>
    %logistic3A_143 = arith.negf %add3A_142 : vector<400x32xf32>
    %logistic3A_144 = math.exp %logistic3A_143 : vector<400x32xf32>
    %logistic3A_145 = arith.constant 1.000000e+00 : f32
    %logistic3A_146 = vector.broadcast %logistic3A_145 : f32 to vector<400x32xf32>
    %logistic3A_147 = arith.addf %logistic3A_146, %logistic3A_144 : vector<400x32xf32>
    %logistic3A_148 = arith.divf %logistic3A_146, %logistic3A_147 : vector<400x32xf32>
    %slice3A_149 = vector.extract_strided_slice %add3A_120 {offsets = [0, 64], sizes = [400, 32], strides = [1, 1]} : vector<400x96xf32> to vector<400x32xf32>
    %slice3A_150 = vector.extract_strided_slice %add3A_130 {offsets = [0, 64], sizes = [400, 32], strides = [1, 1]} : vector<400x96xf32> to vector<400x32xf32>
    %mul3A_151 = arith.mulf %logistic3A_139, %slice3A_150 : vector<400x32xf32>
    %add3A_152 = arith.addf %slice3A_149, %mul3A_151 : vector<400x32xf32>
    %tanh3A_153 = math.tanh %add3A_152 : vector<400x32xf32>
    %sub3A_154 = arith.constant 1.000000e+00 : f32
    %sub3A_155 = vector.broadcast %sub3A_154 : f32 to vector<400x32xf32>
    %sub3A_156 = arith.subf %sub3A_155, %logistic3A_148 : vector<400x32xf32>
    %mul3A_157 = arith.mulf %sub3A_156, %tanh3A_153 : vector<400x32xf32>
    %mul3A_158 = arith.mulf %logistic3A_148, %add3A_81 : vector<400x32xf32>
    %add3A_159 = arith.addf %mul3A_157, %mul3A_158 : vector<400x32xf32>
    %get3A_160 = arith.constant 2 : index
    %get3A_161 = arith.constant 0 : index
    %get3A_162 = arith.constant 0 : index
    %get3A_163 = vector.load %arg1[%get3A_160, %get3A_161, %get3A_162] : memref<12x400x64xf32, #tpu.memory_space<vmem>>, vector<1x400x64xf32>
    %get3A_164 = vector.shape_cast %get3A_163 : vector<1x400x64xf32> to vector<400x64xf32>
    %get3A_165 = arith.constant 0 : index
    %get3A_166 = arith.constant 2 : index
    %get3A_167 = arith.constant 0 : index
    %get3A_168 = arith.constant 0 : index
    %get3A_169 = vector.load %arg2[%get3A_165, %get3A_166, %get3A_167, %get3A_168] : memref<2x12x400x64xf32, #tpu.memory_space<vmem>>, vector<1x1x400x64xf32>
    %get3A_170 = vector.shape_cast %get3A_169 : vector<1x1x400x64xf32> to vector<400x64xf32>
    %add3A_171 = arith.addf %get3A_164, %get3A_170 : vector<400x64xf32>
    %get3A_172 = arith.constant 1 : index
    %get3A_173 = arith.constant 2 : index
    %get3A_174 = arith.constant 0 : index
    %get3A_175 = arith.constant 0 : index
    %get3A_176 = vector.load %arg2[%get3A_172, %get3A_173, %get3A_174, %get3A_175] : memref<2x12x400x64xf32, #tpu.memory_space<vmem>>, vector<1x1x400x64xf32>
    %get3A_177 = vector.shape_cast %get3A_176 : vector<1x1x400x64xf32> to vector<400x64xf32>
    %add3A_178 = arith.addf %add3A_171, %get3A_177 : vector<400x64xf32>
    %mul3A_179 = vector.broadcast %broadcast_in_dim3A : vector<400x1xf32> to vector<400x64xf32>
    %mul3A_180 = arith.mulf %add3A_178, %mul3A_179 : vector<400x64xf32>
    %get3A_181 = arith.constant 0 : index
    %get3A_182 = arith.constant 0 : index
    %get3A_183 = vector.load %arg4[%get3A_181, %get3A_182] : memref<1x64xf32, #tpu.memory_space<vmem>>, vector<1x64xf32>
    %add3A_184 = vector.broadcast %get3A_183 : vector<1x64xf32> to vector<400x64xf32>
    %add3A_185 = arith.addf %mul3A_180, %add3A_184 : vector<400x64xf32>
    %max3A_186 = arith.constant 0.000000e+00 : f32
    %max3A_187 = vector.broadcast %max3A_186 : f32 to vector<400x64xf32>
    %max3A_188 = arith.maximumf %add3A_185, %max3A_187 : vector<400x64xf32>
    %get3A_189 = arith.constant 0 : index
    %get3A_190 = arith.constant 0 : index
    %get3A_191 = vector.load %arg5[%get3A_189, %get3A_190] : memref<64x96xf32, #tpu.memory_space<vmem>>, vector<64x96xf32>
    %dot_general3A_192 = arith.constant dense<0.000000e+00> : vector<400x96xf32>
    %dot_general3A_193 = tpu.matmul %max3A_188, %get3A_191, %dot_general3A_192 {dimension_numbers = #tpu.dot_dimension_numbers<[1], [0], [0], [1], [0, 0, 1, 1], [], []>, transpose_lhs_hint = false} : vector<400x64xf32>, vector<64x96xf32>, vector<400x96xf32> -> vector<400x96xf32>
    %get3A_194 = arith.constant 0 : index
    %get3A_195 = arith.constant 0 : index
    %get3A_196 = vector.load %arg7[%get3A_194, %get3A_195] : memref<1x96xf32, #tpu.memory_space<vmem>>, vector<1x96xf32>
    %add3A_197 = vector.broadcast %get3A_196 : vector<1x96xf32> to vector<400x96xf32>
    %add3A_198 = arith.addf %dot_general3A_193, %add3A_197 : vector<400x96xf32>
    %get3A_199 = arith.constant 0 : index
    %get3A_200 = arith.constant 0 : index
    %get3A_201 = vector.load %arg6[%get3A_199, %get3A_200] : memref<32x96xf32, #tpu.memory_space<vmem>>, vector<32x96xf32>
    %dot_general3A_202 = arith.constant dense<0.000000e+00> : vector<400x96xf32>
    %dot_general3A_203 = tpu.matmul %add3A_159, %get3A_201, %dot_general3A_202 {dimension_numbers = #tpu.dot_dimension_numbers<[1], [0], [0], [1], [0, 0, 1, 1], [], []>, transpose_lhs_hint = false} : vector<400x32xf32>, vector<32x96xf32>, vector<400x96xf32> -> vector<400x96xf32>
    %get3A_204 = arith.constant 0 : index
    %get3A_205 = arith.constant 0 : index
    %get3A_206 = vector.load %arg8[%get3A_204, %get3A_205] : memref<1x96xf32, #tpu.memory_space<vmem>>, vector<1x96xf32>
    %add3A_207 = vector.broadcast %get3A_206 : vector<1x96xf32> to vector<400x96xf32>
    %add3A_208 = arith.addf %dot_general3A_203, %add3A_207 : vector<400x96xf32>
    %slice3A_209 = vector.extract_strided_slice %add3A_198 {offsets = [0, 0], sizes = [400, 32], strides = [1, 1]} : vector<400x96xf32> to vector<400x32xf32>
    %slice3A_210 = vector.extract_strided_slice %add3A_208 {offsets = [0, 0], sizes = [400, 32], strides = [1, 1]} : vector<400x96xf32> to vector<400x32xf32>
    %add3A_211 = arith.addf %slice3A_209, %slice3A_210 : vector<400x32xf32>
    %logistic3A_212 = arith.negf %add3A_211 : vector<400x32xf32>
    %logistic3A_213 = math.exp %logistic3A_212 : vector<400x32xf32>
    %logistic3A_214 = arith.constant 1.000000e+00 : f32
    %logistic3A_215 = vector.broadcast %logistic3A_214 : f32 to vector<400x32xf32>
    %logistic3A_216 = arith.addf %logistic3A_215, %logistic3A_213 : vector<400x32xf32>
    %logistic3A_217 = arith.divf %logistic3A_215, %logistic3A_216 : vector<400x32xf32>
    %slice3A_218 = vector.extract_strided_slice %add3A_198 {offsets = [0, 32], sizes = [400, 32], strides = [1, 1]} : vector<400x96xf32> to vector<400x32xf32>
    %slice3A_219 = vector.extract_strided_slice %add3A_208 {offsets = [0, 32], sizes = [400, 32], strides = [1, 1]} : vector<400x96xf32> to vector<400x32xf32>
    %add3A_220 = arith.addf %slice3A_218, %slice3A_219 : vector<400x32xf32>
    %logistic3A_221 = arith.negf %add3A_220 : vector<400x32xf32>
    %logistic3A_222 = math.exp %logistic3A_221 : vector<400x32xf32>
    %logistic3A_223 = arith.constant 1.000000e+00 : f32
    %logistic3A_224 = vector.broadcast %logistic3A_223 : f32 to vector<400x32xf32>
    %logistic3A_225 = arith.addf %logistic3A_224, %logistic3A_222 : vector<400x32xf32>
    %logistic3A_226 = arith.divf %logistic3A_224, %logistic3A_225 : vector<400x32xf32>
    %slice3A_227 = vector.extract_strided_slice %add3A_198 {offsets = [0, 64], sizes = [400, 32], strides = [1, 1]} : vector<400x96xf32> to vector<400x32xf32>
    %slice3A_228 = vector.extract_strided_slice %add3A_208 {offsets = [0, 64], sizes = [400, 32], strides = [1, 1]} : vector<400x96xf32> to vector<400x32xf32>
    %mul3A_229 = arith.mulf %logistic3A_217, %slice3A_228 : vector<400x32xf32>
    %add3A_230 = arith.addf %slice3A_227, %mul3A_229 : vector<400x32xf32>
    %tanh3A_231 = math.tanh %add3A_230 : vector<400x32xf32>
    %sub3A_232 = arith.constant 1.000000e+00 : f32
    %sub3A_233 = vector.broadcast %sub3A_232 : f32 to vector<400x32xf32>
    %sub3A_234 = arith.subf %sub3A_233, %logistic3A_226 : vector<400x32xf32>
    %mul3A_235 = arith.mulf %sub3A_234, %tanh3A_231 : vector<400x32xf32>
    %mul3A_236 = arith.mulf %logistic3A_226, %add3A_159 : vector<400x32xf32>
    %add3A_237 = arith.addf %mul3A_235, %mul3A_236 : vector<400x32xf32>
    %get3A_238 = arith.constant 3 : index
    %get3A_239 = arith.constant 0 : index
    %get3A_240 = arith.constant 0 : index
    %get3A_241 = vector.load %arg1[%get3A_238, %get3A_239, %get3A_240] : memref<12x400x64xf32, #tpu.memory_space<vmem>>, vector<1x400x64xf32>
    %get3A_242 = vector.shape_cast %get3A_241 : vector<1x400x64xf32> to vector<400x64xf32>
    %get3A_243 = arith.constant 0 : index
    %get3A_244 = arith.constant 3 : index
    %get3A_245 = arith.constant 0 : index
    %get3A_246 = arith.constant 0 : index
    %get3A_247 = vector.load %arg2[%get3A_243, %get3A_244, %get3A_245, %get3A_246] : memref<2x12x400x64xf32, #tpu.memory_space<vmem>>, vector<1x1x400x64xf32>
    %get3A_248 = vector.shape_cast %get3A_247 : vector<1x1x400x64xf32> to vector<400x64xf32>
    %add3A_249 = arith.addf %get3A_242, %get3A_248 : vector<400x64xf32>
    %get3A_250 = arith.constant 1 : index
    %get3A_251 = arith.constant 3 : index
    %get3A_252 = arith.constant 0 : index
    %get3A_253 = arith.constant 0 : index
    %get3A_254 = vector.load %arg2[%get3A_250, %get3A_251, %get3A_252, %get3A_253] : memref<2x12x400x64xf32, #tpu.memory_space<vmem>>, vector<1x1x400x64xf32>
    %get3A_255 = vector.shape_cast %get3A_254 : vector<1x1x400x64xf32> to vector<400x64xf32>
    %add3A_256 = arith.addf %add3A_249, %get3A_255 : vector<400x64xf32>
    %mul3A_257 = vector.broadcast %broadcast_in_dim3A : vector<400x1xf32> to vector<400x64xf32>
    %mul3A_258 = arith.mulf %add3A_256, %mul3A_257 : vector<400x64xf32>
    %get3A_259 = arith.constant 0 : index
    %get3A_260 = arith.constant 0 : index
    %get3A_261 = vector.load %arg4[%get3A_259, %get3A_260] : memref<1x64xf32, #tpu.memory_space<vmem>>, vector<1x64xf32>
    %add3A_262 = vector.broadcast %get3A_261 : vector<1x64xf32> to vector<400x64xf32>
    %add3A_263 = arith.addf %mul3A_258, %add3A_262 : vector<400x64xf32>
    %max3A_264 = arith.constant 0.000000e+00 : f32
    %max3A_265 = vector.broadcast %max3A_264 : f32 to vector<400x64xf32>
    %max3A_266 = arith.maximumf %add3A_263, %max3A_265 : vector<400x64xf32>
    %get3A_267 = arith.constant 0 : index
    %get3A_268 = arith.constant 0 : index
    %get3A_269 = vector.load %arg5[%get3A_267, %get3A_268] : memref<64x96xf32, #tpu.memory_space<vmem>>, vector<64x96xf32>
    %dot_general3A_270 = arith.constant dense<0.000000e+00> : vector<400x96xf32>
    %dot_general3A_271 = tpu.matmul %max3A_266, %get3A_269, %dot_general3A_270 {dimension_numbers = #tpu.dot_dimension_numbers<[1], [0], [0], [1], [0, 0, 1, 1], [], []>, transpose_lhs_hint = false} : vector<400x64xf32>, vector<64x96xf32>, vector<400x96xf32> -> vector<400x96xf32>
    %get3A_272 = arith.constant 0 : index
    %get3A_273 = arith.constant 0 : index
    %get3A_274 = vector.load %arg7[%get3A_272, %get3A_273] : memref<1x96xf32, #tpu.memory_space<vmem>>, vector<1x96xf32>
    %add3A_275 = vector.broadcast %get3A_274 : vector<1x96xf32> to vector<400x96xf32>
    %add3A_276 = arith.addf %dot_general3A_271, %add3A_275 : vector<400x96xf32>
    %get3A_277 = arith.constant 0 : index
    %get3A_278 = arith.constant 0 : index
    %get3A_279 = vector.load %arg6[%get3A_277, %get3A_278] : memref<32x96xf32, #tpu.memory_space<vmem>>, vector<32x96xf32>
    %dot_general3A_280 = arith.constant dense<0.000000e+00> : vector<400x96xf32>
    %dot_general3A_281 = tpu.matmul %add3A_237, %get3A_279, %dot_general3A_280 {dimension_numbers = #tpu.dot_dimension_numbers<[1], [0], [0], [1], [0, 0, 1, 1], [], []>, transpose_lhs_hint = false} : vector<400x32xf32>, vector<32x96xf32>, vector<400x96xf32> -> vector<400x96xf32>
    %get3A_282 = arith.constant 0 : index
    %get3A_283 = arith.constant 0 : index
    %get3A_284 = vector.load %arg8[%get3A_282, %get3A_283] : memref<1x96xf32, #tpu.memory_space<vmem>>, vector<1x96xf32>
    %add3A_285 = vector.broadcast %get3A_284 : vector<1x96xf32> to vector<400x96xf32>
    %add3A_286 = arith.addf %dot_general3A_281, %add3A_285 : vector<400x96xf32>
    %slice3A_287 = vector.extract_strided_slice %add3A_276 {offsets = [0, 0], sizes = [400, 32], strides = [1, 1]} : vector<400x96xf32> to vector<400x32xf32>
    %slice3A_288 = vector.extract_strided_slice %add3A_286 {offsets = [0, 0], sizes = [400, 32], strides = [1, 1]} : vector<400x96xf32> to vector<400x32xf32>
    %add3A_289 = arith.addf %slice3A_287, %slice3A_288 : vector<400x32xf32>
    %logistic3A_290 = arith.negf %add3A_289 : vector<400x32xf32>
    %logistic3A_291 = math.exp %logistic3A_290 : vector<400x32xf32>
    %logistic3A_292 = arith.constant 1.000000e+00 : f32
    %logistic3A_293 = vector.broadcast %logistic3A_292 : f32 to vector<400x32xf32>
    %logistic3A_294 = arith.addf %logistic3A_293, %logistic3A_291 : vector<400x32xf32>
    %logistic3A_295 = arith.divf %logistic3A_293, %logistic3A_294 : vector<400x32xf32>
    %slice3A_296 = vector.extract_strided_slice %add3A_276 {offsets = [0, 32], sizes = [400, 32], strides = [1, 1]} : vector<400x96xf32> to vector<400x32xf32>
    %slice3A_297 = vector.extract_strided_slice %add3A_286 {offsets = [0, 32], sizes = [400, 32], strides = [1, 1]} : vector<400x96xf32> to vector<400x32xf32>
    %add3A_298 = arith.addf %slice3A_296, %slice3A_297 : vector<400x32xf32>
    %logistic3A_299 = arith.negf %add3A_298 : vector<400x32xf32>
    %logistic3A_300 = math.exp %logistic3A_299 : vector<400x32xf32>
    %logistic3A_301 = arith.constant 1.000000e+00 : f32
    %logistic3A_302 = vector.broadcast %logistic3A_301 : f32 to vector<400x32xf32>
    %logistic3A_303 = arith.addf %logistic3A_302, %logistic3A_300 : vector<400x32xf32>
    %logistic3A_304 = arith.divf %logistic3A_302, %logistic3A_303 : vector<400x32xf32>
    %slice3A_305 = vector.extract_strided_slice %add3A_276 {offsets = [0, 64], sizes = [400, 32], strides = [1, 1]} : vector<400x96xf32> to vector<400x32xf32>
    %slice3A_306 = vector.extract_strided_slice %add3A_286 {offsets = [0, 64], sizes = [400, 32], strides = [1, 1]} : vector<400x96xf32> to vector<400x32xf32>
    %mul3A_307 = arith.mulf %logistic3A_295, %slice3A_306 : vector<400x32xf32>
    %add3A_308 = arith.addf %slice3A_305, %mul3A_307 : vector<400x32xf32>
    %tanh3A_309 = math.tanh %add3A_308 : vector<400x32xf32>
    %sub3A_310 = arith.constant 1.000000e+00 : f32
    %sub3A_311 = vector.broadcast %sub3A_310 : f32 to vector<400x32xf32>
    %sub3A_312 = arith.subf %sub3A_311, %logistic3A_304 : vector<400x32xf32>
    %mul3A_313 = arith.mulf %sub3A_312, %tanh3A_309 : vector<400x32xf32>
    %mul3A_314 = arith.mulf %logistic3A_304, %add3A_237 : vector<400x32xf32>
    %add3A_315 = arith.addf %mul3A_313, %mul3A_314 : vector<400x32xf32>
    %get3A_316 = arith.constant 4 : index
    %get3A_317 = arith.constant 0 : index
    %get3A_318 = arith.constant 0 : index
    %get3A_319 = vector.load %arg1[%get3A_316, %get3A_317, %get3A_318] : memref<12x400x64xf32, #tpu.memory_space<vmem>>, vector<1x400x64xf32>
    %get3A_320 = vector.shape_cast %get3A_319 : vector<1x400x64xf32> to vector<400x64xf32>
    %get3A_321 = arith.constant 0 : index
    %get3A_322 = arith.constant 4 : index
    %get3A_323 = arith.constant 0 : index
    %get3A_324 = arith.constant 0 : index
    %get3A_325 = vector.load %arg2[%get3A_321, %get3A_322, %get3A_323, %get3A_324] : memref<2x12x400x64xf32, #tpu.memory_space<vmem>>, vector<1x1x400x64xf32>
    %get3A_326 = vector.shape_cast %get3A_325 : vector<1x1x400x64xf32> to vector<400x64xf32>
    %add3A_327 = arith.addf %get3A_320, %get3A_326 : vector<400x64xf32>
    %get3A_328 = arith.constant 1 : index
    %get3A_329 = arith.constant 4 : index
    %get3A_330 = arith.constant 0 : index
    %get3A_331 = arith.constant 0 : index
    %get3A_332 = vector.load %arg2[%get3A_328, %get3A_329, %get3A_330, %get3A_331] : memref<2x12x400x64xf32, #tpu.memory_space<vmem>>, vector<1x1x400x64xf32>
    %get3A_333 = vector.shape_cast %get3A_332 : vector<1x1x400x64xf32> to vector<400x64xf32>
    %add3A_334 = arith.addf %add3A_327, %get3A_333 : vector<400x64xf32>
    %mul3A_335 = vector.broadcast %broadcast_in_dim3A : vector<400x1xf32> to vector<400x64xf32>
    %mul3A_336 = arith.mulf %add3A_334, %mul3A_335 : vector<400x64xf32>
    %get3A_337 = arith.constant 0 : index
    %get3A_338 = arith.constant 0 : index
    %get3A_339 = vector.load %arg4[%get3A_337, %get3A_338] : memref<1x64xf32, #tpu.memory_space<vmem>>, vector<1x64xf32>
    %add3A_340 = vector.broadcast %get3A_339 : vector<1x64xf32> to vector<400x64xf32>
    %add3A_341 = arith.addf %mul3A_336, %add3A_340 : vector<400x64xf32>
    %max3A_342 = arith.constant 0.000000e+00 : f32
    %max3A_343 = vector.broadcast %max3A_342 : f32 to vector<400x64xf32>
    %max3A_344 = arith.maximumf %add3A_341, %max3A_343 : vector<400x64xf32>
    %get3A_345 = arith.constant 0 : index
    %get3A_346 = arith.constant 0 : index
    %get3A_347 = vector.load %arg5[%get3A_345, %get3A_346] : memref<64x96xf32, #tpu.memory_space<vmem>>, vector<64x96xf32>
    %dot_general3A_348 = arith.constant dense<0.000000e+00> : vector<400x96xf32>
    %dot_general3A_349 = tpu.matmul %max3A_344, %get3A_347, %dot_general3A_348 {dimension_numbers = #tpu.dot_dimension_numbers<[1], [0], [0], [1], [0, 0, 1, 1], [], []>, transpose_lhs_hint = false} : vector<400x64xf32>, vector<64x96xf32>, vector<400x96xf32> -> vector<400x96xf32>
    %get3A_350 = arith.constant 0 : index
    %get3A_351 = arith.constant 0 : index
    %get3A_352 = vector.load %arg7[%get3A_350, %get3A_351] : memref<1x96xf32, #tpu.memory_space<vmem>>, vector<1x96xf32>
    %add3A_353 = vector.broadcast %get3A_352 : vector<1x96xf32> to vector<400x96xf32>
    %add3A_354 = arith.addf %dot_general3A_349, %add3A_353 : vector<400x96xf32>
    %get3A_355 = arith.constant 0 : index
    %get3A_356 = arith.constant 0 : index
    %get3A_357 = vector.load %arg6[%get3A_355, %get3A_356] : memref<32x96xf32, #tpu.memory_space<vmem>>, vector<32x96xf32>
    %dot_general3A_358 = arith.constant dense<0.000000e+00> : vector<400x96xf32>
    %dot_general3A_359 = tpu.matmul %add3A_315, %get3A_357, %dot_general3A_358 {dimension_numbers = #tpu.dot_dimension_numbers<[1], [0], [0], [1], [0, 0, 1, 1], [], []>, transpose_lhs_hint = false} : vector<400x32xf32>, vector<32x96xf32>, vector<400x96xf32> -> vector<400x96xf32>
    %get3A_360 = arith.constant 0 : index
    %get3A_361 = arith.constant 0 : index
    %get3A_362 = vector.load %arg8[%get3A_360, %get3A_361] : memref<1x96xf32, #tpu.memory_space<vmem>>, vector<1x96xf32>
    %add3A_363 = vector.broadcast %get3A_362 : vector<1x96xf32> to vector<400x96xf32>
    %add3A_364 = arith.addf %dot_general3A_359, %add3A_363 : vector<400x96xf32>
    %slice3A_365 = vector.extract_strided_slice %add3A_354 {offsets = [0, 0], sizes = [400, 32], strides = [1, 1]} : vector<400x96xf32> to vector<400x32xf32>
    %slice3A_366 = vector.extract_strided_slice %add3A_364 {offsets = [0, 0], sizes = [400, 32], strides = [1, 1]} : vector<400x96xf32> to vector<400x32xf32>
    %add3A_367 = arith.addf %slice3A_365, %slice3A_366 : vector<400x32xf32>
    %logistic3A_368 = arith.negf %add3A_367 : vector<400x32xf32>
    %logistic3A_369 = math.exp %logistic3A_368 : vector<400x32xf32>
    %logistic3A_370 = arith.constant 1.000000e+00 : f32
    %logistic3A_371 = vector.broadcast %logistic3A_370 : f32 to vector<400x32xf32>
    %logistic3A_372 = arith.addf %logistic3A_371, %logistic3A_369 : vector<400x32xf32>
    %logistic3A_373 = arith.divf %logistic3A_371, %logistic3A_372 : vector<400x32xf32>
    %slice3A_374 = vector.extract_strided_slice %add3A_354 {offsets = [0, 32], sizes = [400, 32], strides = [1, 1]} : vector<400x96xf32> to vector<400x32xf32>
    %slice3A_375 = vector.extract_strided_slice %add3A_364 {offsets = [0, 32], sizes = [400, 32], strides = [1, 1]} : vector<400x96xf32> to vector<400x32xf32>
    %add3A_376 = arith.addf %slice3A_374, %slice3A_375 : vector<400x32xf32>
    %logistic3A_377 = arith.negf %add3A_376 : vector<400x32xf32>
    %logistic3A_378 = math.exp %logistic3A_377 : vector<400x32xf32>
    %logistic3A_379 = arith.constant 1.000000e+00 : f32
    %logistic3A_380 = vector.broadcast %logistic3A_379 : f32 to vector<400x32xf32>
    %logistic3A_381 = arith.addf %logistic3A_380, %logistic3A_378 : vector<400x32xf32>
    %logistic3A_382 = arith.divf %logistic3A_380, %logistic3A_381 : vector<400x32xf32>
    %slice3A_383 = vector.extract_strided_slice %add3A_354 {offsets = [0, 64], sizes = [400, 32], strides = [1, 1]} : vector<400x96xf32> to vector<400x32xf32>
    %slice3A_384 = vector.extract_strided_slice %add3A_364 {offsets = [0, 64], sizes = [400, 32], strides = [1, 1]} : vector<400x96xf32> to vector<400x32xf32>
    %mul3A_385 = arith.mulf %logistic3A_373, %slice3A_384 : vector<400x32xf32>
    %add3A_386 = arith.addf %slice3A_383, %mul3A_385 : vector<400x32xf32>
    %tanh3A_387 = math.tanh %add3A_386 : vector<400x32xf32>
    %sub3A_388 = arith.constant 1.000000e+00 : f32
    %sub3A_389 = vector.broadcast %sub3A_388 : f32 to vector<400x32xf32>
    %sub3A_390 = arith.subf %sub3A_389, %logistic3A_382 : vector<400x32xf32>
    %mul3A_391 = arith.mulf %sub3A_390, %tanh3A_387 : vector<400x32xf32>
    %mul3A_392 = arith.mulf %logistic3A_382, %add3A_315 : vector<400x32xf32>
    %add3A_393 = arith.addf %mul3A_391, %mul3A_392 : vector<400x32xf32>
    %get3A_394 = arith.constant 5 : index
    %get3A_395 = arith.constant 0 : index
    %get3A_396 = arith.constant 0 : index
    %get3A_397 = vector.load %arg1[%get3A_394, %get3A_395, %get3A_396] : memref<12x400x64xf32, #tpu.memory_space<vmem>>, vector<1x400x64xf32>
    %get3A_398 = vector.shape_cast %get3A_397 : vector<1x400x64xf32> to vector<400x64xf32>
    %get3A_399 = arith.constant 0 : index
    %get3A_400 = arith.constant 5 : index
    %get3A_401 = arith.constant 0 : index
    %get3A_402 = arith.constant 0 : index
    %get3A_403 = vector.load %arg2[%get3A_399, %get3A_400, %get3A_401, %get3A_402] : memref<2x12x400x64xf32, #tpu.memory_space<vmem>>, vector<1x1x400x64xf32>
    %get3A_404 = vector.shape_cast %get3A_403 : vector<1x1x400x64xf32> to vector<400x64xf32>
    %add3A_405 = arith.addf %get3A_398, %get3A_404 : vector<400x64xf32>
    %get3A_406 = arith.constant 1 : index
    %get3A_407 = arith.constant 5 : index
    %get3A_408 = arith.constant 0 : index
    %get3A_409 = arith.constant 0 : index
    %get3A_410 = vector.load %arg2[%get3A_406, %get3A_407, %get3A_408, %get3A_409] : memref<2x12x400x64xf32, #tpu.memory_space<vmem>>, vector<1x1x400x64xf32>
    %get3A_411 = vector.shape_cast %get3A_410 : vector<1x1x400x64xf32> to vector<400x64xf32>
    %add3A_412 = arith.addf %add3A_405, %get3A_411 : vector<400x64xf32>
    %mul3A_413 = vector.broadcast %broadcast_in_dim3A : vector<400x1xf32> to vector<400x64xf32>
    %mul3A_414 = arith.mulf %add3A_412, %mul3A_413 : vector<400x64xf32>
    %get3A_415 = arith.constant 0 : index
    %get3A_416 = arith.constant 0 : index
    %get3A_417 = vector.load %arg4[%get3A_415, %get3A_416] : memref<1x64xf32, #tpu.memory_space<vmem>>, vector<1x64xf32>
    %add3A_418 = vector.broadcast %get3A_417 : vector<1x64xf32> to vector<400x64xf32>
    %add3A_419 = arith.addf %mul3A_414, %add3A_418 : vector<400x64xf32>
    %max3A_420 = arith.constant 0.000000e+00 : f32
    %max3A_421 = vector.broadcast %max3A_420 : f32 to vector<400x64xf32>
    %max3A_422 = arith.maximumf %add3A_419, %max3A_421 : vector<400x64xf32>
    %get3A_423 = arith.constant 0 : index
    %get3A_424 = arith.constant 0 : index
    %get3A_425 = vector.load %arg5[%get3A_423, %get3A_424] : memref<64x96xf32, #tpu.memory_space<vmem>>, vector<64x96xf32>
    %dot_general3A_426 = arith.constant dense<0.000000e+00> : vector<400x96xf32>
    %dot_general3A_427 = tpu.matmul %max3A_422, %get3A_425, %dot_general3A_426 {dimension_numbers = #tpu.dot_dimension_numbers<[1], [0], [0], [1], [0, 0, 1, 1], [], []>, transpose_lhs_hint = false} : vector<400x64xf32>, vector<64x96xf32>, vector<400x96xf32> -> vector<400x96xf32>
    %get3A_428 = arith.constant 0 : index
    %get3A_429 = arith.constant 0 : index
    %get3A_430 = vector.load %arg7[%get3A_428, %get3A_429] : memref<1x96xf32, #tpu.memory_space<vmem>>, vector<1x96xf32>
    %add3A_431 = vector.broadcast %get3A_430 : vector<1x96xf32> to vector<400x96xf32>
    %add3A_432 = arith.addf %dot_general3A_427, %add3A_431 : vector<400x96xf32>
    %get3A_433 = arith.constant 0 : index
    %get3A_434 = arith.constant 0 : index
    %get3A_435 = vector.load %arg6[%get3A_433, %get3A_434] : memref<32x96xf32, #tpu.memory_space<vmem>>, vector<32x96xf32>
    %dot_general3A_436 = arith.constant dense<0.000000e+00> : vector<400x96xf32>
    %dot_general3A_437 = tpu.matmul %add3A_393, %get3A_435, %dot_general3A_436 {dimension_numbers = #tpu.dot_dimension_numbers<[1], [0], [0], [1], [0, 0, 1, 1], [], []>, transpose_lhs_hint = false} : vector<400x32xf32>, vector<32x96xf32>, vector<400x96xf32> -> vector<400x96xf32>
    %get3A_438 = arith.constant 0 : index
    %get3A_439 = arith.constant 0 : index
    %get3A_440 = vector.load %arg8[%get3A_438, %get3A_439] : memref<1x96xf32, #tpu.memory_space<vmem>>, vector<1x96xf32>
    %add3A_441 = vector.broadcast %get3A_440 : vector<1x96xf32> to vector<400x96xf32>
    %add3A_442 = arith.addf %dot_general3A_437, %add3A_441 : vector<400x96xf32>
    %slice3A_443 = vector.extract_strided_slice %add3A_432 {offsets = [0, 0], sizes = [400, 32], strides = [1, 1]} : vector<400x96xf32> to vector<400x32xf32>
    %slice3A_444 = vector.extract_strided_slice %add3A_442 {offsets = [0, 0], sizes = [400, 32], strides = [1, 1]} : vector<400x96xf32> to vector<400x32xf32>
    %add3A_445 = arith.addf %slice3A_443, %slice3A_444 : vector<400x32xf32>
    %logistic3A_446 = arith.negf %add3A_445 : vector<400x32xf32>
    %logistic3A_447 = math.exp %logistic3A_446 : vector<400x32xf32>
    %logistic3A_448 = arith.constant 1.000000e+00 : f32
    %logistic3A_449 = vector.broadcast %logistic3A_448 : f32 to vector<400x32xf32>
    %logistic3A_450 = arith.addf %logistic3A_449, %logistic3A_447 : vector<400x32xf32>
    %logistic3A_451 = arith.divf %logistic3A_449, %logistic3A_450 : vector<400x32xf32>
    %slice3A_452 = vector.extract_strided_slice %add3A_432 {offsets = [0, 32], sizes = [400, 32], strides = [1, 1]} : vector<400x96xf32> to vector<400x32xf32>
    %slice3A_453 = vector.extract_strided_slice %add3A_442 {offsets = [0, 32], sizes = [400, 32], strides = [1, 1]} : vector<400x96xf32> to vector<400x32xf32>
    %add3A_454 = arith.addf %slice3A_452, %slice3A_453 : vector<400x32xf32>
    %logistic3A_455 = arith.negf %add3A_454 : vector<400x32xf32>
    %logistic3A_456 = math.exp %logistic3A_455 : vector<400x32xf32>
    %logistic3A_457 = arith.constant 1.000000e+00 : f32
    %logistic3A_458 = vector.broadcast %logistic3A_457 : f32 to vector<400x32xf32>
    %logistic3A_459 = arith.addf %logistic3A_458, %logistic3A_456 : vector<400x32xf32>
    %logistic3A_460 = arith.divf %logistic3A_458, %logistic3A_459 : vector<400x32xf32>
    %slice3A_461 = vector.extract_strided_slice %add3A_432 {offsets = [0, 64], sizes = [400, 32], strides = [1, 1]} : vector<400x96xf32> to vector<400x32xf32>
    %slice3A_462 = vector.extract_strided_slice %add3A_442 {offsets = [0, 64], sizes = [400, 32], strides = [1, 1]} : vector<400x96xf32> to vector<400x32xf32>
    %mul3A_463 = arith.mulf %logistic3A_451, %slice3A_462 : vector<400x32xf32>
    %add3A_464 = arith.addf %slice3A_461, %mul3A_463 : vector<400x32xf32>
    %tanh3A_465 = math.tanh %add3A_464 : vector<400x32xf32>
    %sub3A_466 = arith.constant 1.000000e+00 : f32
    %sub3A_467 = vector.broadcast %sub3A_466 : f32 to vector<400x32xf32>
    %sub3A_468 = arith.subf %sub3A_467, %logistic3A_460 : vector<400x32xf32>
    %mul3A_469 = arith.mulf %sub3A_468, %tanh3A_465 : vector<400x32xf32>
    %mul3A_470 = arith.mulf %logistic3A_460, %add3A_393 : vector<400x32xf32>
    %add3A_471 = arith.addf %mul3A_469, %mul3A_470 : vector<400x32xf32>
    %get3A_472 = arith.constant 6 : index
    %get3A_473 = arith.constant 0 : index
    %get3A_474 = arith.constant 0 : index
    %get3A_475 = vector.load %arg1[%get3A_472, %get3A_473, %get3A_474] : memref<12x400x64xf32, #tpu.memory_space<vmem>>, vector<1x400x64xf32>
    %get3A_476 = vector.shape_cast %get3A_475 : vector<1x400x64xf32> to vector<400x64xf32>
    %get3A_477 = arith.constant 0 : index
    %get3A_478 = arith.constant 6 : index
    %get3A_479 = arith.constant 0 : index
    %get3A_480 = arith.constant 0 : index
    %get3A_481 = vector.load %arg2[%get3A_477, %get3A_478, %get3A_479, %get3A_480] : memref<2x12x400x64xf32, #tpu.memory_space<vmem>>, vector<1x1x400x64xf32>
    %get3A_482 = vector.shape_cast %get3A_481 : vector<1x1x400x64xf32> to vector<400x64xf32>
    %add3A_483 = arith.addf %get3A_476, %get3A_482 : vector<400x64xf32>
    %get3A_484 = arith.constant 1 : index
    %get3A_485 = arith.constant 6 : index
    %get3A_486 = arith.constant 0 : index
    %get3A_487 = arith.constant 0 : index
    %get3A_488 = vector.load %arg2[%get3A_484, %get3A_485, %get3A_486, %get3A_487] : memref<2x12x400x64xf32, #tpu.memory_space<vmem>>, vector<1x1x400x64xf32>
    %get3A_489 = vector.shape_cast %get3A_488 : vector<1x1x400x64xf32> to vector<400x64xf32>
    %add3A_490 = arith.addf %add3A_483, %get3A_489 : vector<400x64xf32>
    %mul3A_491 = vector.broadcast %broadcast_in_dim3A : vector<400x1xf32> to vector<400x64xf32>
    %mul3A_492 = arith.mulf %add3A_490, %mul3A_491 : vector<400x64xf32>
    %get3A_493 = arith.constant 0 : index
    %get3A_494 = arith.constant 0 : index
    %get3A_495 = vector.load %arg4[%get3A_493, %get3A_494] : memref<1x64xf32, #tpu.memory_space<vmem>>, vector<1x64xf32>
    %add3A_496 = vector.broadcast %get3A_495 : vector<1x64xf32> to vector<400x64xf32>
    %add3A_497 = arith.addf %mul3A_492, %add3A_496 : vector<400x64xf32>
    %max3A_498 = arith.constant 0.000000e+00 : f32
    %max3A_499 = vector.broadcast %max3A_498 : f32 to vector<400x64xf32>
    %max3A_500 = arith.maximumf %add3A_497, %max3A_499 : vector<400x64xf32>
    %get3A_501 = arith.constant 0 : index
    %get3A_502 = arith.constant 0 : index
    %get3A_503 = vector.load %arg5[%get3A_501, %get3A_502] : memref<64x96xf32, #tpu.memory_space<vmem>>, vector<64x96xf32>
    %dot_general3A_504 = arith.constant dense<0.000000e+00> : vector<400x96xf32>
    %dot_general3A_505 = tpu.matmul %max3A_500, %get3A_503, %dot_general3A_504 {dimension_numbers = #tpu.dot_dimension_numbers<[1], [0], [0], [1], [0, 0, 1, 1], [], []>, transpose_lhs_hint = false} : vector<400x64xf32>, vector<64x96xf32>, vector<400x96xf32> -> vector<400x96xf32>
    %get3A_506 = arith.constant 0 : index
    %get3A_507 = arith.constant 0 : index
    %get3A_508 = vector.load %arg7[%get3A_506, %get3A_507] : memref<1x96xf32, #tpu.memory_space<vmem>>, vector<1x96xf32>
    %add3A_509 = vector.broadcast %get3A_508 : vector<1x96xf32> to vector<400x96xf32>
    %add3A_510 = arith.addf %dot_general3A_505, %add3A_509 : vector<400x96xf32>
    %get3A_511 = arith.constant 0 : index
    %get3A_512 = arith.constant 0 : index
    %get3A_513 = vector.load %arg6[%get3A_511, %get3A_512] : memref<32x96xf32, #tpu.memory_space<vmem>>, vector<32x96xf32>
    %dot_general3A_514 = arith.constant dense<0.000000e+00> : vector<400x96xf32>
    %dot_general3A_515 = tpu.matmul %add3A_471, %get3A_513, %dot_general3A_514 {dimension_numbers = #tpu.dot_dimension_numbers<[1], [0], [0], [1], [0, 0, 1, 1], [], []>, transpose_lhs_hint = false} : vector<400x32xf32>, vector<32x96xf32>, vector<400x96xf32> -> vector<400x96xf32>
    %get3A_516 = arith.constant 0 : index
    %get3A_517 = arith.constant 0 : index
    %get3A_518 = vector.load %arg8[%get3A_516, %get3A_517] : memref<1x96xf32, #tpu.memory_space<vmem>>, vector<1x96xf32>
    %add3A_519 = vector.broadcast %get3A_518 : vector<1x96xf32> to vector<400x96xf32>
    %add3A_520 = arith.addf %dot_general3A_515, %add3A_519 : vector<400x96xf32>
    %slice3A_521 = vector.extract_strided_slice %add3A_510 {offsets = [0, 0], sizes = [400, 32], strides = [1, 1]} : vector<400x96xf32> to vector<400x32xf32>
    %slice3A_522 = vector.extract_strided_slice %add3A_520 {offsets = [0, 0], sizes = [400, 32], strides = [1, 1]} : vector<400x96xf32> to vector<400x32xf32>
    %add3A_523 = arith.addf %slice3A_521, %slice3A_522 : vector<400x32xf32>
    %logistic3A_524 = arith.negf %add3A_523 : vector<400x32xf32>
    %logistic3A_525 = math.exp %logistic3A_524 : vector<400x32xf32>
    %logistic3A_526 = arith.constant 1.000000e+00 : f32
    %logistic3A_527 = vector.broadcast %logistic3A_526 : f32 to vector<400x32xf32>
    %logistic3A_528 = arith.addf %logistic3A_527, %logistic3A_525 : vector<400x32xf32>
    %logistic3A_529 = arith.divf %logistic3A_527, %logistic3A_528 : vector<400x32xf32>
    %slice3A_530 = vector.extract_strided_slice %add3A_510 {offsets = [0, 32], sizes = [400, 32], strides = [1, 1]} : vector<400x96xf32> to vector<400x32xf32>
    %slice3A_531 = vector.extract_strided_slice %add3A_520 {offsets = [0, 32], sizes = [400, 32], strides = [1, 1]} : vector<400x96xf32> to vector<400x32xf32>
    %add3A_532 = arith.addf %slice3A_530, %slice3A_531 : vector<400x32xf32>
    %logistic3A_533 = arith.negf %add3A_532 : vector<400x32xf32>
    %logistic3A_534 = math.exp %logistic3A_533 : vector<400x32xf32>
    %logistic3A_535 = arith.constant 1.000000e+00 : f32
    %logistic3A_536 = vector.broadcast %logistic3A_535 : f32 to vector<400x32xf32>
    %logistic3A_537 = arith.addf %logistic3A_536, %logistic3A_534 : vector<400x32xf32>
    %logistic3A_538 = arith.divf %logistic3A_536, %logistic3A_537 : vector<400x32xf32>
    %slice3A_539 = vector.extract_strided_slice %add3A_510 {offsets = [0, 64], sizes = [400, 32], strides = [1, 1]} : vector<400x96xf32> to vector<400x32xf32>
    %slice3A_540 = vector.extract_strided_slice %add3A_520 {offsets = [0, 64], sizes = [400, 32], strides = [1, 1]} : vector<400x96xf32> to vector<400x32xf32>
    %mul3A_541 = arith.mulf %logistic3A_529, %slice3A_540 : vector<400x32xf32>
    %add3A_542 = arith.addf %slice3A_539, %mul3A_541 : vector<400x32xf32>
    %tanh3A_543 = math.tanh %add3A_542 : vector<400x32xf32>
    %sub3A_544 = arith.constant 1.000000e+00 : f32
    %sub3A_545 = vector.broadcast %sub3A_544 : f32 to vector<400x32xf32>
    %sub3A_546 = arith.subf %sub3A_545, %logistic3A_538 : vector<400x32xf32>
    %mul3A_547 = arith.mulf %sub3A_546, %tanh3A_543 : vector<400x32xf32>
    %mul3A_548 = arith.mulf %logistic3A_538, %add3A_471 : vector<400x32xf32>
    %add3A_549 = arith.addf %mul3A_547, %mul3A_548 : vector<400x32xf32>
    %get3A_550 = arith.constant 7 : index
    %get3A_551 = arith.constant 0 : index
    %get3A_552 = arith.constant 0 : index
    %get3A_553 = vector.load %arg1[%get3A_550, %get3A_551, %get3A_552] : memref<12x400x64xf32, #tpu.memory_space<vmem>>, vector<1x400x64xf32>
    %get3A_554 = vector.shape_cast %get3A_553 : vector<1x400x64xf32> to vector<400x64xf32>
    %get3A_555 = arith.constant 0 : index
    %get3A_556 = arith.constant 7 : index
    %get3A_557 = arith.constant 0 : index
    %get3A_558 = arith.constant 0 : index
    %get3A_559 = vector.load %arg2[%get3A_555, %get3A_556, %get3A_557, %get3A_558] : memref<2x12x400x64xf32, #tpu.memory_space<vmem>>, vector<1x1x400x64xf32>
    %get3A_560 = vector.shape_cast %get3A_559 : vector<1x1x400x64xf32> to vector<400x64xf32>
    %add3A_561 = arith.addf %get3A_554, %get3A_560 : vector<400x64xf32>
    %get3A_562 = arith.constant 1 : index
    %get3A_563 = arith.constant 7 : index
    %get3A_564 = arith.constant 0 : index
    %get3A_565 = arith.constant 0 : index
    %get3A_566 = vector.load %arg2[%get3A_562, %get3A_563, %get3A_564, %get3A_565] : memref<2x12x400x64xf32, #tpu.memory_space<vmem>>, vector<1x1x400x64xf32>
    %get3A_567 = vector.shape_cast %get3A_566 : vector<1x1x400x64xf32> to vector<400x64xf32>
    %add3A_568 = arith.addf %add3A_561, %get3A_567 : vector<400x64xf32>
    %mul3A_569 = vector.broadcast %broadcast_in_dim3A : vector<400x1xf32> to vector<400x64xf32>
    %mul3A_570 = arith.mulf %add3A_568, %mul3A_569 : vector<400x64xf32>
    %get3A_571 = arith.constant 0 : index
    %get3A_572 = arith.constant 0 : index
    %get3A_573 = vector.load %arg4[%get3A_571, %get3A_572] : memref<1x64xf32, #tpu.memory_space<vmem>>, vector<1x64xf32>
    %add3A_574 = vector.broadcast %get3A_573 : vector<1x64xf32> to vector<400x64xf32>
    %add3A_575 = arith.addf %mul3A_570, %add3A_574 : vector<400x64xf32>
    %max3A_576 = arith.constant 0.000000e+00 : f32
    %max3A_577 = vector.broadcast %max3A_576 : f32 to vector<400x64xf32>
    %max3A_578 = arith.maximumf %add3A_575, %max3A_577 : vector<400x64xf32>
    %get3A_579 = arith.constant 0 : index
    %get3A_580 = arith.constant 0 : index
    %get3A_581 = vector.load %arg5[%get3A_579, %get3A_580] : memref<64x96xf32, #tpu.memory_space<vmem>>, vector<64x96xf32>
    %dot_general3A_582 = arith.constant dense<0.000000e+00> : vector<400x96xf32>
    %dot_general3A_583 = tpu.matmul %max3A_578, %get3A_581, %dot_general3A_582 {dimension_numbers = #tpu.dot_dimension_numbers<[1], [0], [0], [1], [0, 0, 1, 1], [], []>, transpose_lhs_hint = false} : vector<400x64xf32>, vector<64x96xf32>, vector<400x96xf32> -> vector<400x96xf32>
    %get3A_584 = arith.constant 0 : index
    %get3A_585 = arith.constant 0 : index
    %get3A_586 = vector.load %arg7[%get3A_584, %get3A_585] : memref<1x96xf32, #tpu.memory_space<vmem>>, vector<1x96xf32>
    %add3A_587 = vector.broadcast %get3A_586 : vector<1x96xf32> to vector<400x96xf32>
    %add3A_588 = arith.addf %dot_general3A_583, %add3A_587 : vector<400x96xf32>
    %get3A_589 = arith.constant 0 : index
    %get3A_590 = arith.constant 0 : index
    %get3A_591 = vector.load %arg6[%get3A_589, %get3A_590] : memref<32x96xf32, #tpu.memory_space<vmem>>, vector<32x96xf32>
    %dot_general3A_592 = arith.constant dense<0.000000e+00> : vector<400x96xf32>
    %dot_general3A_593 = tpu.matmul %add3A_549, %get3A_591, %dot_general3A_592 {dimension_numbers = #tpu.dot_dimension_numbers<[1], [0], [0], [1], [0, 0, 1, 1], [], []>, transpose_lhs_hint = false} : vector<400x32xf32>, vector<32x96xf32>, vector<400x96xf32> -> vector<400x96xf32>
    %get3A_594 = arith.constant 0 : index
    %get3A_595 = arith.constant 0 : index
    %get3A_596 = vector.load %arg8[%get3A_594, %get3A_595] : memref<1x96xf32, #tpu.memory_space<vmem>>, vector<1x96xf32>
    %add3A_597 = vector.broadcast %get3A_596 : vector<1x96xf32> to vector<400x96xf32>
    %add3A_598 = arith.addf %dot_general3A_593, %add3A_597 : vector<400x96xf32>
    %slice3A_599 = vector.extract_strided_slice %add3A_588 {offsets = [0, 0], sizes = [400, 32], strides = [1, 1]} : vector<400x96xf32> to vector<400x32xf32>
    %slice3A_600 = vector.extract_strided_slice %add3A_598 {offsets = [0, 0], sizes = [400, 32], strides = [1, 1]} : vector<400x96xf32> to vector<400x32xf32>
    %add3A_601 = arith.addf %slice3A_599, %slice3A_600 : vector<400x32xf32>
    %logistic3A_602 = arith.negf %add3A_601 : vector<400x32xf32>
    %logistic3A_603 = math.exp %logistic3A_602 : vector<400x32xf32>
    %logistic3A_604 = arith.constant 1.000000e+00 : f32
    %logistic3A_605 = vector.broadcast %logistic3A_604 : f32 to vector<400x32xf32>
    %logistic3A_606 = arith.addf %logistic3A_605, %logistic3A_603 : vector<400x32xf32>
    %logistic3A_607 = arith.divf %logistic3A_605, %logistic3A_606 : vector<400x32xf32>
    %slice3A_608 = vector.extract_strided_slice %add3A_588 {offsets = [0, 32], sizes = [400, 32], strides = [1, 1]} : vector<400x96xf32> to vector<400x32xf32>
    %slice3A_609 = vector.extract_strided_slice %add3A_598 {offsets = [0, 32], sizes = [400, 32], strides = [1, 1]} : vector<400x96xf32> to vector<400x32xf32>
    %add3A_610 = arith.addf %slice3A_608, %slice3A_609 : vector<400x32xf32>
    %logistic3A_611 = arith.negf %add3A_610 : vector<400x32xf32>
    %logistic3A_612 = math.exp %logistic3A_611 : vector<400x32xf32>
    %logistic3A_613 = arith.constant 1.000000e+00 : f32
    %logistic3A_614 = vector.broadcast %logistic3A_613 : f32 to vector<400x32xf32>
    %logistic3A_615 = arith.addf %logistic3A_614, %logistic3A_612 : vector<400x32xf32>
    %logistic3A_616 = arith.divf %logistic3A_614, %logistic3A_615 : vector<400x32xf32>
    %slice3A_617 = vector.extract_strided_slice %add3A_588 {offsets = [0, 64], sizes = [400, 32], strides = [1, 1]} : vector<400x96xf32> to vector<400x32xf32>
    %slice3A_618 = vector.extract_strided_slice %add3A_598 {offsets = [0, 64], sizes = [400, 32], strides = [1, 1]} : vector<400x96xf32> to vector<400x32xf32>
    %mul3A_619 = arith.mulf %logistic3A_607, %slice3A_618 : vector<400x32xf32>
    %add3A_620 = arith.addf %slice3A_617, %mul3A_619 : vector<400x32xf32>
    %tanh3A_621 = math.tanh %add3A_620 : vector<400x32xf32>
    %sub3A_622 = arith.constant 1.000000e+00 : f32
    %sub3A_623 = vector.broadcast %sub3A_622 : f32 to vector<400x32xf32>
    %sub3A_624 = arith.subf %sub3A_623, %logistic3A_616 : vector<400x32xf32>
    %mul3A_625 = arith.mulf %sub3A_624, %tanh3A_621 : vector<400x32xf32>
    %mul3A_626 = arith.mulf %logistic3A_616, %add3A_549 : vector<400x32xf32>
    %add3A_627 = arith.addf %mul3A_625, %mul3A_626 : vector<400x32xf32>
    %get3A_628 = arith.constant 8 : index
    %get3A_629 = arith.constant 0 : index
    %get3A_630 = arith.constant 0 : index
    %get3A_631 = vector.load %arg1[%get3A_628, %get3A_629, %get3A_630] : memref<12x400x64xf32, #tpu.memory_space<vmem>>, vector<1x400x64xf32>
    %get3A_632 = vector.shape_cast %get3A_631 : vector<1x400x64xf32> to vector<400x64xf32>
    %get3A_633 = arith.constant 0 : index
    %get3A_634 = arith.constant 8 : index
    %get3A_635 = arith.constant 0 : index
    %get3A_636 = arith.constant 0 : index
    %get3A_637 = vector.load %arg2[%get3A_633, %get3A_634, %get3A_635, %get3A_636] : memref<2x12x400x64xf32, #tpu.memory_space<vmem>>, vector<1x1x400x64xf32>
    %get3A_638 = vector.shape_cast %get3A_637 : vector<1x1x400x64xf32> to vector<400x64xf32>
    %add3A_639 = arith.addf %get3A_632, %get3A_638 : vector<400x64xf32>
    %get3A_640 = arith.constant 1 : index
    %get3A_641 = arith.constant 8 : index
    %get3A_642 = arith.constant 0 : index
    %get3A_643 = arith.constant 0 : index
    %get3A_644 = vector.load %arg2[%get3A_640, %get3A_641, %get3A_642, %get3A_643] : memref<2x12x400x64xf32, #tpu.memory_space<vmem>>, vector<1x1x400x64xf32>
    %get3A_645 = vector.shape_cast %get3A_644 : vector<1x1x400x64xf32> to vector<400x64xf32>
    %add3A_646 = arith.addf %add3A_639, %get3A_645 : vector<400x64xf32>
    %mul3A_647 = vector.broadcast %broadcast_in_dim3A : vector<400x1xf32> to vector<400x64xf32>
    %mul3A_648 = arith.mulf %add3A_646, %mul3A_647 : vector<400x64xf32>
    %get3A_649 = arith.constant 0 : index
    %get3A_650 = arith.constant 0 : index
    %get3A_651 = vector.load %arg4[%get3A_649, %get3A_650] : memref<1x64xf32, #tpu.memory_space<vmem>>, vector<1x64xf32>
    %add3A_652 = vector.broadcast %get3A_651 : vector<1x64xf32> to vector<400x64xf32>
    %add3A_653 = arith.addf %mul3A_648, %add3A_652 : vector<400x64xf32>
    %max3A_654 = arith.constant 0.000000e+00 : f32
    %max3A_655 = vector.broadcast %max3A_654 : f32 to vector<400x64xf32>
    %max3A_656 = arith.maximumf %add3A_653, %max3A_655 : vector<400x64xf32>
    %get3A_657 = arith.constant 0 : index
    %get3A_658 = arith.constant 0 : index
    %get3A_659 = vector.load %arg5[%get3A_657, %get3A_658] : memref<64x96xf32, #tpu.memory_space<vmem>>, vector<64x96xf32>
    %dot_general3A_660 = arith.constant dense<0.000000e+00> : vector<400x96xf32>
    %dot_general3A_661 = tpu.matmul %max3A_656, %get3A_659, %dot_general3A_660 {dimension_numbers = #tpu.dot_dimension_numbers<[1], [0], [0], [1], [0, 0, 1, 1], [], []>, transpose_lhs_hint = false} : vector<400x64xf32>, vector<64x96xf32>, vector<400x96xf32> -> vector<400x96xf32>
    %get3A_662 = arith.constant 0 : index
    %get3A_663 = arith.constant 0 : index
    %get3A_664 = vector.load %arg7[%get3A_662, %get3A_663] : memref<1x96xf32, #tpu.memory_space<vmem>>, vector<1x96xf32>
    %add3A_665 = vector.broadcast %get3A_664 : vector<1x96xf32> to vector<400x96xf32>
    %add3A_666 = arith.addf %dot_general3A_661, %add3A_665 : vector<400x96xf32>
    %get3A_667 = arith.constant 0 : index
    %get3A_668 = arith.constant 0 : index
    %get3A_669 = vector.load %arg6[%get3A_667, %get3A_668] : memref<32x96xf32, #tpu.memory_space<vmem>>, vector<32x96xf32>
    %dot_general3A_670 = arith.constant dense<0.000000e+00> : vector<400x96xf32>
    %dot_general3A_671 = tpu.matmul %add3A_627, %get3A_669, %dot_general3A_670 {dimension_numbers = #tpu.dot_dimension_numbers<[1], [0], [0], [1], [0, 0, 1, 1], [], []>, transpose_lhs_hint = false} : vector<400x32xf32>, vector<32x96xf32>, vector<400x96xf32> -> vector<400x96xf32>
    %get3A_672 = arith.constant 0 : index
    %get3A_673 = arith.constant 0 : index
    %get3A_674 = vector.load %arg8[%get3A_672, %get3A_673] : memref<1x96xf32, #tpu.memory_space<vmem>>, vector<1x96xf32>
    %add3A_675 = vector.broadcast %get3A_674 : vector<1x96xf32> to vector<400x96xf32>
    %add3A_676 = arith.addf %dot_general3A_671, %add3A_675 : vector<400x96xf32>
    %slice3A_677 = vector.extract_strided_slice %add3A_666 {offsets = [0, 0], sizes = [400, 32], strides = [1, 1]} : vector<400x96xf32> to vector<400x32xf32>
    %slice3A_678 = vector.extract_strided_slice %add3A_676 {offsets = [0, 0], sizes = [400, 32], strides = [1, 1]} : vector<400x96xf32> to vector<400x32xf32>
    %add3A_679 = arith.addf %slice3A_677, %slice3A_678 : vector<400x32xf32>
    %logistic3A_680 = arith.negf %add3A_679 : vector<400x32xf32>
    %logistic3A_681 = math.exp %logistic3A_680 : vector<400x32xf32>
    %logistic3A_682 = arith.constant 1.000000e+00 : f32
    %logistic3A_683 = vector.broadcast %logistic3A_682 : f32 to vector<400x32xf32>
    %logistic3A_684 = arith.addf %logistic3A_683, %logistic3A_681 : vector<400x32xf32>
    %logistic3A_685 = arith.divf %logistic3A_683, %logistic3A_684 : vector<400x32xf32>
    %slice3A_686 = vector.extract_strided_slice %add3A_666 {offsets = [0, 32], sizes = [400, 32], strides = [1, 1]} : vector<400x96xf32> to vector<400x32xf32>
    %slice3A_687 = vector.extract_strided_slice %add3A_676 {offsets = [0, 32], sizes = [400, 32], strides = [1, 1]} : vector<400x96xf32> to vector<400x32xf32>
    %add3A_688 = arith.addf %slice3A_686, %slice3A_687 : vector<400x32xf32>
    %logistic3A_689 = arith.negf %add3A_688 : vector<400x32xf32>
    %logistic3A_690 = math.exp %logistic3A_689 : vector<400x32xf32>
    %logistic3A_691 = arith.constant 1.000000e+00 : f32
    %logistic3A_692 = vector.broadcast %logistic3A_691 : f32 to vector<400x32xf32>
    %logistic3A_693 = arith.addf %logistic3A_692, %logistic3A_690 : vector<400x32xf32>
    %logistic3A_694 = arith.divf %logistic3A_692, %logistic3A_693 : vector<400x32xf32>
    %slice3A_695 = vector.extract_strided_slice %add3A_666 {offsets = [0, 64], sizes = [400, 32], strides = [1, 1]} : vector<400x96xf32> to vector<400x32xf32>
    %slice3A_696 = vector.extract_strided_slice %add3A_676 {offsets = [0, 64], sizes = [400, 32], strides = [1, 1]} : vector<400x96xf32> to vector<400x32xf32>
    %mul3A_697 = arith.mulf %logistic3A_685, %slice3A_696 : vector<400x32xf32>
    %add3A_698 = arith.addf %slice3A_695, %mul3A_697 : vector<400x32xf32>
    %tanh3A_699 = math.tanh %add3A_698 : vector<400x32xf32>
    %sub3A_700 = arith.constant 1.000000e+00 : f32
    %sub3A_701 = vector.broadcast %sub3A_700 : f32 to vector<400x32xf32>
    %sub3A_702 = arith.subf %sub3A_701, %logistic3A_694 : vector<400x32xf32>
    %mul3A_703 = arith.mulf %sub3A_702, %tanh3A_699 : vector<400x32xf32>
    %mul3A_704 = arith.mulf %logistic3A_694, %add3A_627 : vector<400x32xf32>
    %add3A_705 = arith.addf %mul3A_703, %mul3A_704 : vector<400x32xf32>
    %get3A_706 = arith.constant 9 : index
    %get3A_707 = arith.constant 0 : index
    %get3A_708 = arith.constant 0 : index
    %get3A_709 = vector.load %arg1[%get3A_706, %get3A_707, %get3A_708] : memref<12x400x64xf32, #tpu.memory_space<vmem>>, vector<1x400x64xf32>
    %get3A_710 = vector.shape_cast %get3A_709 : vector<1x400x64xf32> to vector<400x64xf32>
    %get3A_711 = arith.constant 0 : index
    %get3A_712 = arith.constant 9 : index
    %get3A_713 = arith.constant 0 : index
    %get3A_714 = arith.constant 0 : index
    %get3A_715 = vector.load %arg2[%get3A_711, %get3A_712, %get3A_713, %get3A_714] : memref<2x12x400x64xf32, #tpu.memory_space<vmem>>, vector<1x1x400x64xf32>
    %get3A_716 = vector.shape_cast %get3A_715 : vector<1x1x400x64xf32> to vector<400x64xf32>
    %add3A_717 = arith.addf %get3A_710, %get3A_716 : vector<400x64xf32>
    %get3A_718 = arith.constant 1 : index
    %get3A_719 = arith.constant 9 : index
    %get3A_720 = arith.constant 0 : index
    %get3A_721 = arith.constant 0 : index
    %get3A_722 = vector.load %arg2[%get3A_718, %get3A_719, %get3A_720, %get3A_721] : memref<2x12x400x64xf32, #tpu.memory_space<vmem>>, vector<1x1x400x64xf32>
    %get3A_723 = vector.shape_cast %get3A_722 : vector<1x1x400x64xf32> to vector<400x64xf32>
    %add3A_724 = arith.addf %add3A_717, %get3A_723 : vector<400x64xf32>
    %mul3A_725 = vector.broadcast %broadcast_in_dim3A : vector<400x1xf32> to vector<400x64xf32>
    %mul3A_726 = arith.mulf %add3A_724, %mul3A_725 : vector<400x64xf32>
    %get3A_727 = arith.constant 0 : index
    %get3A_728 = arith.constant 0 : index
    %get3A_729 = vector.load %arg4[%get3A_727, %get3A_728] : memref<1x64xf32, #tpu.memory_space<vmem>>, vector<1x64xf32>
    %add3A_730 = vector.broadcast %get3A_729 : vector<1x64xf32> to vector<400x64xf32>
    %add3A_731 = arith.addf %mul3A_726, %add3A_730 : vector<400x64xf32>
    %max3A_732 = arith.constant 0.000000e+00 : f32
    %max3A_733 = vector.broadcast %max3A_732 : f32 to vector<400x64xf32>
    %max3A_734 = arith.maximumf %add3A_731, %max3A_733 : vector<400x64xf32>
    %get3A_735 = arith.constant 0 : index
    %get3A_736 = arith.constant 0 : index
    %get3A_737 = vector.load %arg5[%get3A_735, %get3A_736] : memref<64x96xf32, #tpu.memory_space<vmem>>, vector<64x96xf32>
    %dot_general3A_738 = arith.constant dense<0.000000e+00> : vector<400x96xf32>
    %dot_general3A_739 = tpu.matmul %max3A_734, %get3A_737, %dot_general3A_738 {dimension_numbers = #tpu.dot_dimension_numbers<[1], [0], [0], [1], [0, 0, 1, 1], [], []>, transpose_lhs_hint = false} : vector<400x64xf32>, vector<64x96xf32>, vector<400x96xf32> -> vector<400x96xf32>
    %get3A_740 = arith.constant 0 : index
    %get3A_741 = arith.constant 0 : index
    %get3A_742 = vector.load %arg7[%get3A_740, %get3A_741] : memref<1x96xf32, #tpu.memory_space<vmem>>, vector<1x96xf32>
    %add3A_743 = vector.broadcast %get3A_742 : vector<1x96xf32> to vector<400x96xf32>
    %add3A_744 = arith.addf %dot_general3A_739, %add3A_743 : vector<400x96xf32>
    %get3A_745 = arith.constant 0 : index
    %get3A_746 = arith.constant 0 : index
    %get3A_747 = vector.load %arg6[%get3A_745, %get3A_746] : memref<32x96xf32, #tpu.memory_space<vmem>>, vector<32x96xf32>
    %dot_general3A_748 = arith.constant dense<0.000000e+00> : vector<400x96xf32>
    %dot_general3A_749 = tpu.matmul %add3A_705, %get3A_747, %dot_general3A_748 {dimension_numbers = #tpu.dot_dimension_numbers<[1], [0], [0], [1], [0, 0, 1, 1], [], []>, transpose_lhs_hint = false} : vector<400x32xf32>, vector<32x96xf32>, vector<400x96xf32> -> vector<400x96xf32>
    %get3A_750 = arith.constant 0 : index
    %get3A_751 = arith.constant 0 : index
    %get3A_752 = vector.load %arg8[%get3A_750, %get3A_751] : memref<1x96xf32, #tpu.memory_space<vmem>>, vector<1x96xf32>
    %add3A_753 = vector.broadcast %get3A_752 : vector<1x96xf32> to vector<400x96xf32>
    %add3A_754 = arith.addf %dot_general3A_749, %add3A_753 : vector<400x96xf32>
    %slice3A_755 = vector.extract_strided_slice %add3A_744 {offsets = [0, 0], sizes = [400, 32], strides = [1, 1]} : vector<400x96xf32> to vector<400x32xf32>
    %slice3A_756 = vector.extract_strided_slice %add3A_754 {offsets = [0, 0], sizes = [400, 32], strides = [1, 1]} : vector<400x96xf32> to vector<400x32xf32>
    %add3A_757 = arith.addf %slice3A_755, %slice3A_756 : vector<400x32xf32>
    %logistic3A_758 = arith.negf %add3A_757 : vector<400x32xf32>
    %logistic3A_759 = math.exp %logistic3A_758 : vector<400x32xf32>
    %logistic3A_760 = arith.constant 1.000000e+00 : f32
    %logistic3A_761 = vector.broadcast %logistic3A_760 : f32 to vector<400x32xf32>
    %logistic3A_762 = arith.addf %logistic3A_761, %logistic3A_759 : vector<400x32xf32>
    %logistic3A_763 = arith.divf %logistic3A_761, %logistic3A_762 : vector<400x32xf32>
    %slice3A_764 = vector.extract_strided_slice %add3A_744 {offsets = [0, 32], sizes = [400, 32], strides = [1, 1]} : vector<400x96xf32> to vector<400x32xf32>
    %slice3A_765 = vector.extract_strided_slice %add3A_754 {offsets = [0, 32], sizes = [400, 32], strides = [1, 1]} : vector<400x96xf32> to vector<400x32xf32>
    %add3A_766 = arith.addf %slice3A_764, %slice3A_765 : vector<400x32xf32>
    %logistic3A_767 = arith.negf %add3A_766 : vector<400x32xf32>
    %logistic3A_768 = math.exp %logistic3A_767 : vector<400x32xf32>
    %logistic3A_769 = arith.constant 1.000000e+00 : f32
    %logistic3A_770 = vector.broadcast %logistic3A_769 : f32 to vector<400x32xf32>
    %logistic3A_771 = arith.addf %logistic3A_770, %logistic3A_768 : vector<400x32xf32>
    %logistic3A_772 = arith.divf %logistic3A_770, %logistic3A_771 : vector<400x32xf32>
    %slice3A_773 = vector.extract_strided_slice %add3A_744 {offsets = [0, 64], sizes = [400, 32], strides = [1, 1]} : vector<400x96xf32> to vector<400x32xf32>
    %slice3A_774 = vector.extract_strided_slice %add3A_754 {offsets = [0, 64], sizes = [400, 32], strides = [1, 1]} : vector<400x96xf32> to vector<400x32xf32>
    %mul3A_775 = arith.mulf %logistic3A_763, %slice3A_774 : vector<400x32xf32>
    %add3A_776 = arith.addf %slice3A_773, %mul3A_775 : vector<400x32xf32>
    %tanh3A_777 = math.tanh %add3A_776 : vector<400x32xf32>
    %sub3A_778 = arith.constant 1.000000e+00 : f32
    %sub3A_779 = vector.broadcast %sub3A_778 : f32 to vector<400x32xf32>
    %sub3A_780 = arith.subf %sub3A_779, %logistic3A_772 : vector<400x32xf32>
    %mul3A_781 = arith.mulf %sub3A_780, %tanh3A_777 : vector<400x32xf32>
    %mul3A_782 = arith.mulf %logistic3A_772, %add3A_705 : vector<400x32xf32>
    %add3A_783 = arith.addf %mul3A_781, %mul3A_782 : vector<400x32xf32>
    %get3A_784 = arith.constant 10 : index
    %get3A_785 = arith.constant 0 : index
    %get3A_786 = arith.constant 0 : index
    %get3A_787 = vector.load %arg1[%get3A_784, %get3A_785, %get3A_786] : memref<12x400x64xf32, #tpu.memory_space<vmem>>, vector<1x400x64xf32>
    %get3A_788 = vector.shape_cast %get3A_787 : vector<1x400x64xf32> to vector<400x64xf32>
    %get3A_789 = arith.constant 0 : index
    %get3A_790 = arith.constant 10 : index
    %get3A_791 = arith.constant 0 : index
    %get3A_792 = arith.constant 0 : index
    %get3A_793 = vector.load %arg2[%get3A_789, %get3A_790, %get3A_791, %get3A_792] : memref<2x12x400x64xf32, #tpu.memory_space<vmem>>, vector<1x1x400x64xf32>
    %get3A_794 = vector.shape_cast %get3A_793 : vector<1x1x400x64xf32> to vector<400x64xf32>
    %add3A_795 = arith.addf %get3A_788, %get3A_794 : vector<400x64xf32>
    %get3A_796 = arith.constant 1 : index
    %get3A_797 = arith.constant 10 : index
    %get3A_798 = arith.constant 0 : index
    %get3A_799 = arith.constant 0 : index
    %get3A_800 = vector.load %arg2[%get3A_796, %get3A_797, %get3A_798, %get3A_799] : memref<2x12x400x64xf32, #tpu.memory_space<vmem>>, vector<1x1x400x64xf32>
    %get3A_801 = vector.shape_cast %get3A_800 : vector<1x1x400x64xf32> to vector<400x64xf32>
    %add3A_802 = arith.addf %add3A_795, %get3A_801 : vector<400x64xf32>
    %mul3A_803 = vector.broadcast %broadcast_in_dim3A : vector<400x1xf32> to vector<400x64xf32>
    %mul3A_804 = arith.mulf %add3A_802, %mul3A_803 : vector<400x64xf32>
    %get3A_805 = arith.constant 0 : index
    %get3A_806 = arith.constant 0 : index
    %get3A_807 = vector.load %arg4[%get3A_805, %get3A_806] : memref<1x64xf32, #tpu.memory_space<vmem>>, vector<1x64xf32>
    %add3A_808 = vector.broadcast %get3A_807 : vector<1x64xf32> to vector<400x64xf32>
    %add3A_809 = arith.addf %mul3A_804, %add3A_808 : vector<400x64xf32>
    %max3A_810 = arith.constant 0.000000e+00 : f32
    %max3A_811 = vector.broadcast %max3A_810 : f32 to vector<400x64xf32>
    %max3A_812 = arith.maximumf %add3A_809, %max3A_811 : vector<400x64xf32>
    %get3A_813 = arith.constant 0 : index
    %get3A_814 = arith.constant 0 : index
    %get3A_815 = vector.load %arg5[%get3A_813, %get3A_814] : memref<64x96xf32, #tpu.memory_space<vmem>>, vector<64x96xf32>
    %dot_general3A_816 = arith.constant dense<0.000000e+00> : vector<400x96xf32>
    %dot_general3A_817 = tpu.matmul %max3A_812, %get3A_815, %dot_general3A_816 {dimension_numbers = #tpu.dot_dimension_numbers<[1], [0], [0], [1], [0, 0, 1, 1], [], []>, transpose_lhs_hint = false} : vector<400x64xf32>, vector<64x96xf32>, vector<400x96xf32> -> vector<400x96xf32>
    %get3A_818 = arith.constant 0 : index
    %get3A_819 = arith.constant 0 : index
    %get3A_820 = vector.load %arg7[%get3A_818, %get3A_819] : memref<1x96xf32, #tpu.memory_space<vmem>>, vector<1x96xf32>
    %add3A_821 = vector.broadcast %get3A_820 : vector<1x96xf32> to vector<400x96xf32>
    %add3A_822 = arith.addf %dot_general3A_817, %add3A_821 : vector<400x96xf32>
    %get3A_823 = arith.constant 0 : index
    %get3A_824 = arith.constant 0 : index
    %get3A_825 = vector.load %arg6[%get3A_823, %get3A_824] : memref<32x96xf32, #tpu.memory_space<vmem>>, vector<32x96xf32>
    %dot_general3A_826 = arith.constant dense<0.000000e+00> : vector<400x96xf32>
    %dot_general3A_827 = tpu.matmul %add3A_783, %get3A_825, %dot_general3A_826 {dimension_numbers = #tpu.dot_dimension_numbers<[1], [0], [0], [1], [0, 0, 1, 1], [], []>, transpose_lhs_hint = false} : vector<400x32xf32>, vector<32x96xf32>, vector<400x96xf32> -> vector<400x96xf32>
    %get3A_828 = arith.constant 0 : index
    %get3A_829 = arith.constant 0 : index
    %get3A_830 = vector.load %arg8[%get3A_828, %get3A_829] : memref<1x96xf32, #tpu.memory_space<vmem>>, vector<1x96xf32>
    %add3A_831 = vector.broadcast %get3A_830 : vector<1x96xf32> to vector<400x96xf32>
    %add3A_832 = arith.addf %dot_general3A_827, %add3A_831 : vector<400x96xf32>
    %slice3A_833 = vector.extract_strided_slice %add3A_822 {offsets = [0, 0], sizes = [400, 32], strides = [1, 1]} : vector<400x96xf32> to vector<400x32xf32>
    %slice3A_834 = vector.extract_strided_slice %add3A_832 {offsets = [0, 0], sizes = [400, 32], strides = [1, 1]} : vector<400x96xf32> to vector<400x32xf32>
    %add3A_835 = arith.addf %slice3A_833, %slice3A_834 : vector<400x32xf32>
    %logistic3A_836 = arith.negf %add3A_835 : vector<400x32xf32>
    %logistic3A_837 = math.exp %logistic3A_836 : vector<400x32xf32>
    %logistic3A_838 = arith.constant 1.000000e+00 : f32
    %logistic3A_839 = vector.broadcast %logistic3A_838 : f32 to vector<400x32xf32>
    %logistic3A_840 = arith.addf %logistic3A_839, %logistic3A_837 : vector<400x32xf32>
    %logistic3A_841 = arith.divf %logistic3A_839, %logistic3A_840 : vector<400x32xf32>
    %slice3A_842 = vector.extract_strided_slice %add3A_822 {offsets = [0, 32], sizes = [400, 32], strides = [1, 1]} : vector<400x96xf32> to vector<400x32xf32>
    %slice3A_843 = vector.extract_strided_slice %add3A_832 {offsets = [0, 32], sizes = [400, 32], strides = [1, 1]} : vector<400x96xf32> to vector<400x32xf32>
    %add3A_844 = arith.addf %slice3A_842, %slice3A_843 : vector<400x32xf32>
    %logistic3A_845 = arith.negf %add3A_844 : vector<400x32xf32>
    %logistic3A_846 = math.exp %logistic3A_845 : vector<400x32xf32>
    %logistic3A_847 = arith.constant 1.000000e+00 : f32
    %logistic3A_848 = vector.broadcast %logistic3A_847 : f32 to vector<400x32xf32>
    %logistic3A_849 = arith.addf %logistic3A_848, %logistic3A_846 : vector<400x32xf32>
    %logistic3A_850 = arith.divf %logistic3A_848, %logistic3A_849 : vector<400x32xf32>
    %slice3A_851 = vector.extract_strided_slice %add3A_822 {offsets = [0, 64], sizes = [400, 32], strides = [1, 1]} : vector<400x96xf32> to vector<400x32xf32>
    %slice3A_852 = vector.extract_strided_slice %add3A_832 {offsets = [0, 64], sizes = [400, 32], strides = [1, 1]} : vector<400x96xf32> to vector<400x32xf32>
    %mul3A_853 = arith.mulf %logistic3A_841, %slice3A_852 : vector<400x32xf32>
    %add3A_854 = arith.addf %slice3A_851, %mul3A_853 : vector<400x32xf32>
    %tanh3A_855 = math.tanh %add3A_854 : vector<400x32xf32>
    %sub3A_856 = arith.constant 1.000000e+00 : f32
    %sub3A_857 = vector.broadcast %sub3A_856 : f32 to vector<400x32xf32>
    %sub3A_858 = arith.subf %sub3A_857, %logistic3A_850 : vector<400x32xf32>
    %mul3A_859 = arith.mulf %sub3A_858, %tanh3A_855 : vector<400x32xf32>
    %mul3A_860 = arith.mulf %logistic3A_850, %add3A_783 : vector<400x32xf32>
    %add3A_861 = arith.addf %mul3A_859, %mul3A_860 : vector<400x32xf32>
    %get3A_862 = arith.constant 11 : index
    %get3A_863 = arith.constant 0 : index
    %get3A_864 = arith.constant 0 : index
    %get3A_865 = vector.load %arg1[%get3A_862, %get3A_863, %get3A_864] : memref<12x400x64xf32, #tpu.memory_space<vmem>>, vector<1x400x64xf32>
    %get3A_866 = vector.shape_cast %get3A_865 : vector<1x400x64xf32> to vector<400x64xf32>
    %get3A_867 = arith.constant 0 : index
    %get3A_868 = arith.constant 11 : index
    %get3A_869 = arith.constant 0 : index
    %get3A_870 = arith.constant 0 : index
    %get3A_871 = vector.load %arg2[%get3A_867, %get3A_868, %get3A_869, %get3A_870] : memref<2x12x400x64xf32, #tpu.memory_space<vmem>>, vector<1x1x400x64xf32>
    %get3A_872 = vector.shape_cast %get3A_871 : vector<1x1x400x64xf32> to vector<400x64xf32>
    %add3A_873 = arith.addf %get3A_866, %get3A_872 : vector<400x64xf32>
    %get3A_874 = arith.constant 1 : index
    %get3A_875 = arith.constant 11 : index
    %get3A_876 = arith.constant 0 : index
    %get3A_877 = arith.constant 0 : index
    %get3A_878 = vector.load %arg2[%get3A_874, %get3A_875, %get3A_876, %get3A_877] : memref<2x12x400x64xf32, #tpu.memory_space<vmem>>, vector<1x1x400x64xf32>
    %get3A_879 = vector.shape_cast %get3A_878 : vector<1x1x400x64xf32> to vector<400x64xf32>
    %add3A_880 = arith.addf %add3A_873, %get3A_879 : vector<400x64xf32>
    %mul3A_881 = vector.broadcast %broadcast_in_dim3A : vector<400x1xf32> to vector<400x64xf32>
    %mul3A_882 = arith.mulf %add3A_880, %mul3A_881 : vector<400x64xf32>
    %get3A_883 = arith.constant 0 : index
    %get3A_884 = arith.constant 0 : index
    %get3A_885 = vector.load %arg4[%get3A_883, %get3A_884] : memref<1x64xf32, #tpu.memory_space<vmem>>, vector<1x64xf32>
    %add3A_886 = vector.broadcast %get3A_885 : vector<1x64xf32> to vector<400x64xf32>
    %add3A_887 = arith.addf %mul3A_882, %add3A_886 : vector<400x64xf32>
    %max3A_888 = arith.constant 0.000000e+00 : f32
    %max3A_889 = vector.broadcast %max3A_888 : f32 to vector<400x64xf32>
    %max3A_890 = arith.maximumf %add3A_887, %max3A_889 : vector<400x64xf32>
    %get3A_891 = arith.constant 0 : index
    %get3A_892 = arith.constant 0 : index
    %get3A_893 = vector.load %arg5[%get3A_891, %get3A_892] : memref<64x96xf32, #tpu.memory_space<vmem>>, vector<64x96xf32>
    %dot_general3A_894 = arith.constant dense<0.000000e+00> : vector<400x96xf32>
    %dot_general3A_895 = tpu.matmul %max3A_890, %get3A_893, %dot_general3A_894 {dimension_numbers = #tpu.dot_dimension_numbers<[1], [0], [0], [1], [0, 0, 1, 1], [], []>, transpose_lhs_hint = false} : vector<400x64xf32>, vector<64x96xf32>, vector<400x96xf32> -> vector<400x96xf32>
    %get3A_896 = arith.constant 0 : index
    %get3A_897 = arith.constant 0 : index
    %get3A_898 = vector.load %arg7[%get3A_896, %get3A_897] : memref<1x96xf32, #tpu.memory_space<vmem>>, vector<1x96xf32>
    %add3A_899 = vector.broadcast %get3A_898 : vector<1x96xf32> to vector<400x96xf32>
    %add3A_900 = arith.addf %dot_general3A_895, %add3A_899 : vector<400x96xf32>
    %get3A_901 = arith.constant 0 : index
    %get3A_902 = arith.constant 0 : index
    %get3A_903 = vector.load %arg6[%get3A_901, %get3A_902] : memref<32x96xf32, #tpu.memory_space<vmem>>, vector<32x96xf32>
    %dot_general3A_904 = arith.constant dense<0.000000e+00> : vector<400x96xf32>
    %dot_general3A_905 = tpu.matmul %add3A_861, %get3A_903, %dot_general3A_904 {dimension_numbers = #tpu.dot_dimension_numbers<[1], [0], [0], [1], [0, 0, 1, 1], [], []>, transpose_lhs_hint = false} : vector<400x32xf32>, vector<32x96xf32>, vector<400x96xf32> -> vector<400x96xf32>
    %get3A_906 = arith.constant 0 : index
    %get3A_907 = arith.constant 0 : index
    %get3A_908 = vector.load %arg8[%get3A_906, %get3A_907] : memref<1x96xf32, #tpu.memory_space<vmem>>, vector<1x96xf32>
    %add3A_909 = vector.broadcast %get3A_908 : vector<1x96xf32> to vector<400x96xf32>
    %add3A_910 = arith.addf %dot_general3A_905, %add3A_909 : vector<400x96xf32>
    %slice3A_911 = vector.extract_strided_slice %add3A_900 {offsets = [0, 0], sizes = [400, 32], strides = [1, 1]} : vector<400x96xf32> to vector<400x32xf32>
    %slice3A_912 = vector.extract_strided_slice %add3A_910 {offsets = [0, 0], sizes = [400, 32], strides = [1, 1]} : vector<400x96xf32> to vector<400x32xf32>
    %add3A_913 = arith.addf %slice3A_911, %slice3A_912 : vector<400x32xf32>
    %logistic3A_914 = arith.negf %add3A_913 : vector<400x32xf32>
    %logistic3A_915 = math.exp %logistic3A_914 : vector<400x32xf32>
    %logistic3A_916 = arith.constant 1.000000e+00 : f32
    %logistic3A_917 = vector.broadcast %logistic3A_916 : f32 to vector<400x32xf32>
    %logistic3A_918 = arith.addf %logistic3A_917, %logistic3A_915 : vector<400x32xf32>
    %logistic3A_919 = arith.divf %logistic3A_917, %logistic3A_918 : vector<400x32xf32>
    %slice3A_920 = vector.extract_strided_slice %add3A_900 {offsets = [0, 32], sizes = [400, 32], strides = [1, 1]} : vector<400x96xf32> to vector<400x32xf32>
    %slice3A_921 = vector.extract_strided_slice %add3A_910 {offsets = [0, 32], sizes = [400, 32], strides = [1, 1]} : vector<400x96xf32> to vector<400x32xf32>
    %add3A_922 = arith.addf %slice3A_920, %slice3A_921 : vector<400x32xf32>
    %logistic3A_923 = arith.negf %add3A_922 : vector<400x32xf32>
    %logistic3A_924 = math.exp %logistic3A_923 : vector<400x32xf32>
    %logistic3A_925 = arith.constant 1.000000e+00 : f32
    %logistic3A_926 = vector.broadcast %logistic3A_925 : f32 to vector<400x32xf32>
    %logistic3A_927 = arith.addf %logistic3A_926, %logistic3A_924 : vector<400x32xf32>
    %logistic3A_928 = arith.divf %logistic3A_926, %logistic3A_927 : vector<400x32xf32>
    %slice3A_929 = vector.extract_strided_slice %add3A_900 {offsets = [0, 64], sizes = [400, 32], strides = [1, 1]} : vector<400x96xf32> to vector<400x32xf32>
    %slice3A_930 = vector.extract_strided_slice %add3A_910 {offsets = [0, 64], sizes = [400, 32], strides = [1, 1]} : vector<400x96xf32> to vector<400x32xf32>
    %mul3A_931 = arith.mulf %logistic3A_919, %slice3A_930 : vector<400x32xf32>
    %add3A_932 = arith.addf %slice3A_929, %mul3A_931 : vector<400x32xf32>
    %tanh3A_933 = math.tanh %add3A_932 : vector<400x32xf32>
    %sub3A_934 = arith.constant 1.000000e+00 : f32
    %sub3A_935 = vector.broadcast %sub3A_934 : f32 to vector<400x32xf32>
    %sub3A_936 = arith.subf %sub3A_935, %logistic3A_928 : vector<400x32xf32>
    %mul3A_937 = arith.mulf %sub3A_936, %tanh3A_933 : vector<400x32xf32>
    %mul3A_938 = arith.mulf %logistic3A_928, %add3A_861 : vector<400x32xf32>
    %add3A_939 = arith.addf %mul3A_937, %mul3A_938 : vector<400x32xf32>
    %mul3A_940 = vector.broadcast %broadcast_in_dim3A : vector<400x1xf32> to vector<400x32xf32>
    %mul3A_941 = arith.mulf %add3A_939, %mul3A_940 : vector<400x32xf32>
    %swap3A = arith.constant 0 : index
    %swap3A_942 = arith.constant 0 : index
    %swap3A_943 = vector.load %arg9[%swap3A, %swap3A_942] : memref<400x32xf32, #tpu.memory_space<vmem>>, vector<400x32xf32>
    tpu.vector_store %arg9[%swap3A, %swap3A_942], %mul3A_941 {strides = array<i32>} : memref<400x32xf32, #tpu.memory_space<vmem>>, vector<400x32xf32>,
    return
  }
  func.func @transform_0(%arg0: i32) -> (i32, i32, i32) {
    %c0_i32 = arith.constant 0 : i32
    %c0_i32_0 = arith.constant 0 : i32
    %c0_i32_1 = arith.constant 0 : i32
    return %c0_i32, %arg0, %c0_i32_0 : i32, i32, i32
  }
  func.func @transform_1(%arg0: i32) -> (i32, i32, i32, i32) {
    %c0_i32 = arith.constant 0 : i32
    %c0_i32_0 = arith.constant 0 : i32
    %c0_i32_1 = arith.constant 0 : i32
    %c0_i32_2 = arith.constant 0 : i32
    return %c0_i32, %c0_i32_0, %arg0, %c0_i32_1 : i32, i32, i32, i32
  }
  func.func @transform_2(%arg0: i32) -> (i32, i32, i32) {
    %c0_i32 = arith.constant 0 : i32
    %c0_i32_0 = arith.constant 0 : i32
    %c0_i32_1 = arith.constant 0 : i32
    return %c0_i32, %arg0, %c0_i32_0 : i32, i32, i32
  }
  func.func @transform_3(%arg0: i32) -> (i32, i32) {
    %c0_i32 = arith.constant 0 : i32
    %c0_i32_0 = arith.constant 0 : i32
    %c0_i32_1 = arith.constant 0 : i32
    return %c0_i32, %c0_i32_0 : i32, i32
  }
  func.func @transform_4(%arg0: i32) -> (i32, i32) {
    %c0_i32 = arith.constant 0 : i32
    %c0_i32_0 = arith.constant 0 : i32
    %c0_i32_1 = arith.constant 0 : i32
    return %c0_i32, %c0_i32_0 : i32, i32
  }
  func.func @transform_5(%arg0: i32) -> (i32, i32) {
    %c0_i32 = arith.constant 0 : i32
    %c0_i32_0 = arith.constant 0 : i32
    %c0_i32_1 = arith.constant 0 : i32
    return %c0_i32, %c0_i32_0 : i32, i32
  }
  func.func @transform_6(%arg0: i32) -> (i32, i32) {
    %c0_i32 = arith.constant 0 : i32
    %c0_i32_0 = arith.constant 0 : i32
    %c0_i32_1 = arith.constant 0 : i32
    return %c0_i32, %c0_i32_0 : i32, i32
  }
  func.func @transform_7(%arg0: i32) -> (i32, i32) {
    %c0_i32 = arith.constant 0 : i32
    %c0_i32_0 = arith.constant 0 : i32
    %c0_i32_1 = arith.constant 0 : i32
    return %c0_i32, %c0_i32_0 : i32, i32
  }
  func.func @transform_8(%arg0: i32) -> (i32, i32) {
    %c0_i32 = arith.constant 0 : i32
    %c0_i32_0 = arith.constant 0 : i32
    return %arg0, %c0_i32 : i32, i32
  }
}

module attributes {stable_mosaic.version = 14 : i64} {
  func.func @_final_body(%arg0: i32, %arg1: memref<400x32xf32, #tpu.memory_space<vmem>>, %arg2: memref<2x400x32xf32, #tpu.memory_space<vmem>>, %arg3: memref<2x400x16xf32, #tpu.memory_space<vmem>>, %arg4: memref<1x32xf32, #tpu.memory_space<vmem>>, %arg5: memref<12x400x32xf32, #tpu.memory_space<vmem>>, %arg6: memref<1x12xf32, #tpu.memory_space<vmem>>, %arg7: memref<1x12xf32, #tpu.memory_space<vmem>>, %arg8: memref<8x128xf32, #tpu.memory_space<vmem>>) attributes {dimension_semantics = [#tpu.dimension_semantics<arbitrary>], iteration_bounds = array<i64: 25>, scalar_prefetch = 0 : i64, scratch_operands = 1 : i64, tpu.core_type = #tpu.core_type<tc>, window_params = [{transform_indices = @transform_0, window_bounds = array<i64: 400, 32>}, {transform_indices = @transform_1, window_bounds = array<i64: 2, 400, 32>}, {transform_indices = @transform_2, window_bounds = array<i64: 2, 400, 16>}, {pipeline_mode = #tpu.pipeline_mode<synchronous>, transform_indices = @transform_3, window_bounds = array<i64: 1, 32>}, {transform_indices = @transform_4, window_bounds = array<i64: 12, 400, 32>}, {pipeline_mode = #tpu.pipeline_mode<synchronous>, transform_indices = @transform_5, window_bounds = array<i64: 1, 12>}, {pipeline_mode = #tpu.pipeline_mode<synchronous>, transform_indices = @transform_6, window_bounds = array<i64: 1, 12>}]} {
    %get3A = arith.constant 0 : index
    %get3A_0 = arith.constant 0 : index
    %get3A_1 = arith.constant 0 : index
    %get3A_2 = vector.load %arg3[%get3A, %get3A_0, %get3A_1] : memref<2x400x16xf32, #tpu.memory_space<vmem>>, vector<2x400x16xf32>
    %slice3A = vector.extract_strided_slice %get3A_2 {offsets = [0, 0, 0], sizes = [1, 400, 1], strides = [1, 1, 1]} : vector<2x400x16xf32> to vector<1x400x1xf32>
    %squeeze3A = vector.shape_cast %slice3A : vector<1x400x1xf32> to vector<400xf32>
    %slice3A_3 = vector.extract_strided_slice %get3A_2 {offsets = [1, 0, 0], sizes = [1, 400, 1], strides = [1, 1, 1]} : vector<2x400x16xf32> to vector<1x400x1xf32>
    %squeeze3A_4 = vector.shape_cast %slice3A_3 : vector<1x400x1xf32> to vector<400xf32>
    %add3A = arith.addf %squeeze3A, %squeeze3A_4 : vector<400xf32>
    %add3A_5 = arith.constant 1.000000e+00 : f32
    %add3A_6 = vector.broadcast %add3A_5 : f32 to vector<400xf32>
    %add3A_7 = arith.addf %add3A, %add3A_6 : vector<400xf32>
    %rsqrt3A = math.rsqrt %add3A_7 : vector<400xf32>
    %broadcast_in_dim3A = vector.shape_cast %rsqrt3A : vector<400xf32> to vector<400x1xf32>
    %get3A_8 = arith.constant 0 : index
    %get3A_9 = arith.constant 0 : index
    %get3A_10 = vector.load %arg1[%get3A_8, %get3A_9] : memref<400x32xf32, #tpu.memory_space<vmem>>, vector<400x32xf32>
    %get3A_11 = arith.constant 0 : index
    %get3A_12 = arith.constant 0 : index
    %get3A_13 = arith.constant 0 : index
    %get3A_14 = vector.load %arg2[%get3A_11, %get3A_12, %get3A_13] : memref<2x400x32xf32, #tpu.memory_space<vmem>>, vector<1x400x32xf32>
    %get3A_15 = vector.shape_cast %get3A_14 : vector<1x400x32xf32> to vector<400x32xf32>
    %add3A_16 = arith.addf %get3A_10, %get3A_15 : vector<400x32xf32>
    %get3A_17 = arith.constant 1 : index
    %get3A_18 = arith.constant 0 : index
    %get3A_19 = arith.constant 0 : index
    %get3A_20 = vector.load %arg2[%get3A_17, %get3A_18, %get3A_19] : memref<2x400x32xf32, #tpu.memory_space<vmem>>, vector<1x400x32xf32>
    %get3A_21 = vector.shape_cast %get3A_20 : vector<1x400x32xf32> to vector<400x32xf32>
    %add3A_22 = arith.addf %add3A_16, %get3A_21 : vector<400x32xf32>
    %mul3A = vector.broadcast %broadcast_in_dim3A : vector<400x1xf32> to vector<400x32xf32>
    %mul3A_23 = arith.mulf %add3A_22, %mul3A : vector<400x32xf32>
    %get3A_24 = arith.constant 0 : index
    %get3A_25 = arith.constant 0 : index
    %get3A_26 = vector.load %arg4[%get3A_24, %get3A_25] : memref<1x32xf32, #tpu.memory_space<vmem>>, vector<1x32xf32>
    %add3A_27 = vector.broadcast %get3A_26 : vector<1x32xf32> to vector<400x32xf32>
    %add3A_28 = arith.addf %mul3A_23, %add3A_27 : vector<400x32xf32>
    %get3A_29 = arith.constant 0 : index
    %get3A_30 = arith.constant 0 : index
    %get3A_31 = arith.constant 0 : index
    %get3A_32 = vector.load %arg5[%get3A_29, %get3A_30, %get3A_31] : memref<12x400x32xf32, #tpu.memory_space<vmem>>, vector<12x400x32xf32>
    %broadcast_in_dim3A_33 = vector.shape_cast %add3A_28 : vector<400x32xf32> to vector<1x400x32xf32>
    %mul3A_34 = vector.broadcast %broadcast_in_dim3A_33 : vector<1x400x32xf32> to vector<12x400x32xf32>
    %mul3A_35 = arith.mulf %get3A_32, %mul3A_34 : vector<12x400x32xf32>
    %reduce_sum3A = arith.constant dense<0.000000e+00> : vector<12xf32>
    %reduce_sum3A_36 = vector.multi_reduction <add>, %mul3A_35, %reduce_sum3A [1, 2] : vector<12x400x32xf32> to vector<12xf32>
    %eq3A = arith.constant 0 : i32
    %eq3A_37 = arith.cmpi eq, %arg0, %eq3A : i32
    %convert_element_type3A = arith.extui %eq3A_37 : i1 to i32
    %cond3A = arith.constant 0 : i32
    %cond3A_38 = arith.cmpi ne, %convert_element_type3A, %cond3A : i32
    scf.if %cond3A_38 {
      %broadcast_in_dim3A_53 = arith.constant 0.000000e+00 : f32
      %broadcast_in_dim3A_54 = vector.broadcast %broadcast_in_dim3A_53 : f32 to vector<128xf32>
      %swap3A_55 = arith.constant 0 : index
      %swap3A_56 = arith.constant 0 : index
      %swap3A_57 = vector.load %arg8[%swap3A_55, %swap3A_56] : memref<8x128xf32, #tpu.memory_space<vmem>>, vector<1x128xf32>
      %swap3A_58 = vector.shape_cast %swap3A_57 : vector<1x128xf32> to vector<128xf32>
      %swap3A_59 = vector.shape_cast %broadcast_in_dim3A_54 : vector<128xf32> to vector<1x128xf32>
      tpu.vector_store %arg8[%swap3A_55, %swap3A_56], %swap3A_59 {strides = array<i32>} : memref<8x128xf32, #tpu.memory_space<vmem>>, vector<1x128xf32>,
    } else {
    }
    %get3A_39 = arith.constant 0 : index
    %get3A_40 = arith.constant 0 : index
    %get3A_41 = vector.load %arg8[%get3A_39, %get3A_40] : memref<8x128xf32, #tpu.memory_space<vmem>>, vector<1x12xf32>
    %get3A_42 = vector.shape_cast %get3A_41 : vector<1x12xf32> to vector<12xf32>
    %add3A_43 = arith.addf %get3A_42, %reduce_sum3A_36 : vector<12xf32>
    %swap3A = arith.constant 0 : index
    %swap3A_44 = arith.constant 0 : index
    %swap3A_45 = vector.load %arg8[%swap3A, %swap3A_44] : memref<8x128xf32, #tpu.memory_space<vmem>>, vector<1x12xf32>
    %swap3A_46 = vector.shape_cast %swap3A_45 : vector<1x12xf32> to vector<12xf32>
    %swap3A_47 = vector.shape_cast %add3A_43 : vector<12xf32> to vector<1x12xf32>
    tpu.vector_store %arg8[%swap3A, %swap3A_44], %swap3A_47 {strides = array<i32>} : memref<8x128xf32, #tpu.memory_space<vmem>>, vector<1x12xf32>,
    %eq3A_48 = arith.constant 24 : i32
    %eq3A_49 = arith.cmpi eq, %arg0, %eq3A_48 : i32
    %convert_element_type3A_50 = arith.extui %eq3A_49 : i1 to i32
    %cond3A_51 = arith.constant 0 : i32
    %cond3A_52 = arith.cmpi ne, %convert_element_type3A_50, %cond3A_51 : i32
    scf.if %cond3A_52 {
      %get3A_53 = arith.constant 0 : index
      %get3A_54 = arith.constant 0 : index
      %get3A_55 = vector.load %arg8[%get3A_53, %get3A_54] : memref<8x128xf32, #tpu.memory_space<vmem>>, vector<1x12xf32>
      %get3A_56 = vector.shape_cast %get3A_55 : vector<1x12xf32> to vector<12xf32>
      %get3A_57 = arith.constant 0 : index
      %get3A_58 = arith.constant 0 : index
      %get3A_59 = vector.load %arg6[%get3A_57, %get3A_58] : memref<1x12xf32, #tpu.memory_space<vmem>>, vector<1x12xf32>
      %get3A_60 = vector.shape_cast %get3A_59 : vector<1x12xf32> to vector<12xf32>
      %add3A_61 = arith.addf %get3A_56, %get3A_60 : vector<12xf32>
      %reduce_max3A = vector.shape_cast %add3A_61 : vector<12xf32> to vector<1x12xf32>
      %reduce_max3A_62 = arith.constant dense<0xFF800000> : vector<1xf32>
      %reduce_max3A_63 = vector.multi_reduction <maximumf>, %reduce_max3A, %reduce_max3A_62 [1] : vector<1x12xf32> to vector<1xf32>
      %reduce_max3A_64 = vector.shape_cast %reduce_max3A_63 : vector<1xf32> to vector<1x1xf32>
      %reduce_max3A_65 = vector.extract %reduce_max3A_64[0, 0] : f32 from vector<1x1xf32>
      %sub3A = vector.broadcast %reduce_max3A_65 : f32 to vector<12xf32>
      %sub3A_66 = arith.subf %add3A_61, %sub3A : vector<12xf32>
      %exp3A = math.exp %sub3A_66 : vector<12xf32>
      %reduce_sum3A_67 = vector.shape_cast %exp3A : vector<12xf32> to vector<1x12xf32>
      %reduce_sum3A_68 = arith.constant dense<0.000000e+00> : vector<1xf32>
      %reduce_sum3A_69 = vector.multi_reduction <add>, %reduce_sum3A_67, %reduce_sum3A_68 [1] : vector<1x12xf32> to vector<1xf32>
      %reduce_sum3A_70 = vector.shape_cast %reduce_sum3A_69 : vector<1xf32> to vector<1x1xf32>
      %reduce_sum3A_71 = vector.extract %reduce_sum3A_70[0, 0] : f32 from vector<1x1xf32>
      %div3A = vector.broadcast %reduce_sum3A_71 : f32 to vector<12xf32>
      %div3A_72 = arith.divf %exp3A, %div3A : vector<12xf32>
      %swap3A_73 = arith.constant 0 : index
      %swap3A_74 = arith.constant 0 : index
      %swap3A_75 = vector.load %arg7[%swap3A_73, %swap3A_74] : memref<1x12xf32, #tpu.memory_space<vmem>>, vector<1x12xf32>
      %swap3A_76 = vector.shape_cast %swap3A_75 : vector<1x12xf32> to vector<12xf32>
      %swap3A_77 = vector.shape_cast %div3A_72 : vector<12xf32> to vector<1x12xf32>
      tpu.vector_store %arg7[%swap3A_73, %swap3A_74], %swap3A_77 {strides = array<i32>} : memref<1x12xf32, #tpu.memory_space<vmem>>, vector<1x12xf32>,
    } else {
    }
    return
  }
  func.func @transform_0(%arg0: i32) -> (i32, i32) {
    %c0_i32 = arith.constant 0 : i32
    %c0_i32_0 = arith.constant 0 : i32
    return %arg0, %c0_i32 : i32, i32
  }
  func.func @transform_1(%arg0: i32) -> (i32, i32, i32) {
    %c0_i32 = arith.constant 0 : i32
    %c0_i32_0 = arith.constant 0 : i32
    %c0_i32_1 = arith.constant 0 : i32
    return %c0_i32, %arg0, %c0_i32_0 : i32, i32, i32
  }
  func.func @transform_2(%arg0: i32) -> (i32, i32, i32) {
    %c0_i32 = arith.constant 0 : i32
    %c0_i32_0 = arith.constant 0 : i32
    %c0_i32_1 = arith.constant 0 : i32
    return %c0_i32, %arg0, %c0_i32_0 : i32, i32, i32
  }
  func.func @transform_3(%arg0: i32) -> (i32, i32) {
    %c0_i32 = arith.constant 0 : i32
    %c0_i32_0 = arith.constant 0 : i32
    %c0_i32_1 = arith.constant 0 : i32
    return %c0_i32, %c0_i32_0 : i32, i32
  }
  func.func @transform_4(%arg0: i32) -> (i32, i32, i32) {
    %c0_i32 = arith.constant 0 : i32
    %c0_i32_0 = arith.constant 0 : i32
    %c0_i32_1 = arith.constant 0 : i32
    return %c0_i32, %arg0, %c0_i32_0 : i32, i32, i32
  }
  func.func @transform_5(%arg0: i32) -> (i32, i32) {
    %c0_i32 = arith.constant 0 : i32
    %c0_i32_0 = arith.constant 0 : i32
    %c0_i32_1 = arith.constant 0 : i32
    return %c0_i32, %c0_i32_0 : i32, i32
  }
  func.func @transform_6(%arg0: i32) -> (i32, i32) {
    %c0_i32 = arith.constant 0 : i32
    %c0_i32_0 = arith.constant 0 : i32
    %c0_i32_1 = arith.constant 0 : i32
    return %c0_i32, %c0_i32_0 : i32, i32
  }
}

</mosaic_0001>

<sc_bundles>
// kernel: kernel.11.cloned.1.call-start
scs
__scs_entry_jumppad:
0x0: {  	(pc) =	sbr.rel $0x88, $3  }
0x1: {  	(tag) =	ssettag $0x0;
	lr =	simm.s32 $0x1  }
0x2: {  	[smem:$0x3F93] =	sst lr;
	_ =	strace $0xD0000000  }
0x3: {  	_ = 	snop  }
0x4: {  	_ = 	snop  }
0x5: {  	_ = 	snop  }
0x6: {  	_ = 	snop  }
0x7: {  	_ = 	snop  }
__scs_overlays_trampoline_lowered:
0x8: {  	[smem:$0x3FA2] =	sst s0  }
0x9: {  	[smem:$0x3FA3] =	sst s1  }
0xa: {  	[smem:$0x3FA4] =	sst s2  }
0xb: {  	[smem:$0x3FA5] =	sst s3  }
0xc: {  	[smem:$0x3FA6] =	sst s4  }
0xd: {  	[smem:$0x3FA7] =	sst s5  }
0xe: {  	[smem:$0x3FA8] =	sst s6  }
0xf: {  	[smem:$0x3FA9] =	sst s7  }
0x10: {  	[smem:$0x3FAA] =	sst s8  }
0x11: {  	[smem:$0x3FAB] =	sst s9;
	s0 =	simm.s32 @!p0 $0x0  }
0x12: {  	s1 =	sld [smem:$0x3F91];
	s0 =	simm.s32 @p0 $0x1  }
0x13: {  	[smem:$0x3FAC] =	sst s0;
	s0 =	simm.s32 @!p1 $0x0  }
0x14: {  	s2 =	sld [smem:$0x3F90];
	s0 =	simm.s32 @p1 $0x1  }
0x15: {  	[smem:$0x3FAD] =	sst s0;
	s0 =	simm.s32 @!p2 $0x0  }
0x16: {  	s3 =	sld [smem:$0x3FDB];
	s0 =	simm.s32 @p2 $0x1  }
0x17: {  	s4 =	simm.s32 $0x1BF5;
	[smem:$0x3FAF] =	sst s0  }
0x18: {  	s0 =	sld [smem:$0x3F92];
	_ =	swait.ge [sflag:s4], $0x0  }
0x19: {  	s7 =	sld [smem:$0x3F93]  }
0x1a: {  	s8 =	sadd.s32 $0xFFFFE003, lr  }
0x1b: {  	s9 =	sadd.s32 $0xFFFFFEF7, lr;
	s5 =	simm.s32 $0xFFFFFFFF;
	p2 =	slt.u32 s8, $0xFFFFF086  }
0x1c: {  	p1 =	slt.u32 s9, $0xF7A;
	s5 =	simm.s32 @!p2 $0x0  }
0x1d: {  	s5 =	simm.s32 @p1 $0x1;
	p0 =	seq.s32 s7, s2  }
0x1e: {  	s7 =	smul.u32 @!p0 $0xF7A, s2;
	p2 =	seq.s32 @!p0 s5, $0x0  }
0x1f: {  	s9 =	smul.u32 $0xF7A, s1;
	s8 =	simm.s32 @!p0 $0x1BF5;
	p2 =	por !p2, p0  }
0x20: {  	[sflag:s8] =	ssyncset.s32 @!p0 $0xFFFFF086;
	s6 =	sadd.s32 @!p0 s3, s7;
	s7 =	simm.s32 @!p0 $0x108  }
0x21: {  	s3 =	sadd.s32 s3, s9;
	s6 =	sadd.s32 @!p0 $0x88, s6;
	s7 =	simm.s32 @p2 $0x1082  }
0x22: {  	[simem:s7], [sflag:s8] =	dma.local @!p0 [hbm:s6], $0xF7A  }
0x23: {  	s9 =	sor.u32 $0xD0000000, s2;
	s6 =	simm.s32 $0x108;
	_ =	swait.ge @!p0 [sflag:s8], $0x0  }
0x24: {  	s3 =	sadd.s32 $0x88, s3;
	s6 =	simm.s32 @!p1 $0x1082;
	[sflag:s4] =	ssyncset.s32 $0xFFFFF086  }
0x25: {  	[simem:s6], [sflag:s4] =	dma.local [hbm:s3], $0xF7A  }
0x26: {  	[smem:$0x3F93] =	sst s1;
	(tag) =	ssettag s2;
	_ =	strace s9  }
0x27: {  	s1 =	sld [smem:$0x3FA3]  }
0x28: {  	s2 =	sld [smem:$0x3FA4]  }
0x29: {  	s4 =	sld [smem:$0x3FA6]  }
0x2a: {  	p0 =	seq.s32 s5, $0x0;
	s5 =	sld [smem:$0x3FA7]  }
0x2b: {  	s6 =	sld [smem:$0x3FA8]  }
0x2c: {  	s7 =	sld [smem:$0x3FA9]  }
0x2d: {  	s3 =	simm.s32 $0x108;
	s8 =	sld [smem:$0x3FAA]  }
0x2e: {  	s3 =	simm.s32 @!p0 $0x1082;
	s9 =	sld [smem:$0x3FAB]  }
0x2f: {  	lr =	sadd.s32 s0, s3;
	s0 =	sld [smem:$0x3FA2]  }
0x30: {  	s3 =	sld [smem:$0x3FA5]  }
0x31: {  	[smem:$0x3FAE] =	sst s10  }
0x32: {  	s10 =	sld [smem:$0x3FAC];
	_ =	sdelay $0x3  }
0x33: {  	p0 =	seq.s32 s10, $0x1;
	s10 =	sld [smem:$0x3FAE];
	_ =	sdelay $0x3  }
0x34: {  	[smem:$0x3FAE] =	sst s10  }
0x35: {  	s10 =	sld [smem:$0x3FAD];
	_ =	sdelay $0x3  }
0x36: {  	p1 =	seq.s32 s10, $0x1;
	s10 =	sld [smem:$0x3FAE];
	_ =	sdelay $0x3  }
0x37: {  	[smem:$0x3FAE] =	sst s10  }
0x38: {  	s10 =	sld [smem:$0x3FAF]  }
0x39: {  	_ = 	snop;
	(pc) =	sbr.ind lr, $3  }
0x3a: {  	_ = 	snop  }
0x3b: {  	_ = 	snop  }
0x3c: {  	p2 =	seq.s32 s10, $0x1;
	s10 =	sld [smem:$0x3FAE]  }
0x3d: {  	_ =	shalt  }
0x3e: {  	_ =	shalt  }
0x3f: {  	_ =	shalt  }
0x40: {  	_ =	shalt  }
0x41: {  	_ =	shalt  }
0x42: {  	_ =	shalt  }
0x43: {  	_ =	shalt  }
0x44: {  	_ =	shalt  }
0x45: {  	_ =	shalt  }
0x46: {  	_ =	shalt  }
0x47: {  	_ =	shalt  }
0x48: {  	_ =	shalt  }
0x49: {  	_ =	shalt  }
0x4a: {  	_ =	shalt  }
0x4b: {  	_ =	shalt  }
0x4c: {  	_ =	shalt  }
0x4d: {  	_ =	shalt  }
0x4e: {  	_ =	shalt  }
0x4f: {  	_ =	shalt  }
0x50: {  	_ =	shalt  }
0x51: {  	_ =	shalt  }
0x52: {  	_ =	shalt  }
0x53: {  	_ =	shalt  }
0x54: {  	_ =	shalt  }
0x55: {  	_ =	shalt  }
0x56: {  	_ =	shalt  }
0x57: {  	_ =	shalt  }
0x58: {  	_ =	shalt  }
0x59: {  	_ =	shalt  }
0x5a: {  	_ =	shalt  }
0x5b: {  	_ =	shalt  }
0x5c: {  	_ =	shalt  }
0x5d: {  	_ =	shalt  }
0x5e: {  	_ =	shalt  }
0x5f: {  	_ =	shalt  }
0x60: {  	_ =	shalt  }
0x61: {  	_ =	shalt  }
0x62: {  	_ =	shalt  }
0x63: {  	_ =	shalt  }
0x64: {  	_ =	shalt  }
0x65: {  	_ =	shalt  }
0x66: {  	_ =	shalt  }
0x67: {  	_ =	shalt  }
0x68: {  	_ =	shalt  }
0x69: {  	_ =	shalt  }
0x6a: {  	_ =	shalt  }
0x6b: {  	_ =	shalt  }
0x6c: {  	_ =	shalt  }
0x6d: {  	_ =	shalt  }
0x6e: {  	_ =	shalt  }
0x6f: {  	_ =	shalt  }
0x70: {  	_ =	shalt  }
0x71: {  	_ =	shalt  }
0x72: {  	_ =	shalt  }
0x73: {  	_ =	shalt  }
0x74: {  	_ =	shalt  }
0x75: {  	_ =	shalt  }
0x76: {  	_ =	shalt  }
0x77: {  	_ =	shalt  }
0x78: {  	_ =	shalt  }
0x79: {  	_ =	shalt  }
0x7a: {  	_ =	shalt  }
0x7b: {  	_ =	shalt  }
0x7c: {  	_ =	shalt  }
0x7d: {  	_ =	shalt  }
0x7e: {  	_ =	shalt  }
0x7f: {  	_ =	shalt  }
0x80: {  	_ =	shalt  }
0x81: {  	_ =	shalt  }
0x82: {  	_ =	shalt  }
0x83: {  	_ =	shalt  }
0x84: {  	_ =	shalt  }
0x85: {  	_ =	shalt  }
0x86: {  	_ =	shalt  }
0x87: {  	_ =	shalt  }
.Lfunc_end0:
.L_simem_size_0:
called_computation.1_lowered:
.L_overlay_start_0:
0x88: {  	s2 =	sld [smem:$0x3FD9]  }
0x89: {  	s3 =	sld [smem:$0x3FFE];
	_ =	sdelay $0x1  }
0x8a: {  	s1 =	srdreg.scid  }
0x8b: {  	s0 =	sand.u32 $0x1, s1  }
0x8c: {  	s16 =	sshll.u32 s0, $0xA;
	s2 =	sadd.s32 s3, s2  }
0x8d: {  	s2 =	sadd.s32 s2, s16  }
0x8e: {  	[smem:$0x3FBA] =	sst s2  }
0x8f: {  	_ = 	snop  }
0x90: {  	(tm) =	ssettm $0x1  }
0x91: {  	s17 =	sld [smem:$0x3FFB];
	_ =	sdelay $0x3  }
0x92: {  	_ =	strace s17  }
0x93: {  	s2 =	sld [smem:$0x3FFC];
	_ =	sdelay $0x3  }
0x94: {  	_ =	strace s2  }
0x95: {  	s2 =	sld [smem:$0x3FFD];
	_ =	sdelay $0x3  }
0x96: {  	_ =	strace s2  }
0x97: {  	_ =	strace $0x8FFFFFFF  }
0x98: {  	s18 =	sld [smem:$0x3FDB];
	_ =	sdelay $0x1  }
0x99: {  	s19 =	simm.s32 $_scs_section_size  }
0x9a: {  	s4 =	simm.s32 $_size__tile_overlayer_lowered;
	s5 =	simm.s32 $_tile_overlayer_lowered  }
0x9b: {  	s22 =	simm.s32 $0x1BFF;
	s21 =	sshll.u32 s5, $0x1;
	s2 =	sadd.s32 s19, s18  }
0x9c: {  	s6 =	simm.s32 $0x0;
	s20 =	sshll.u32 s4, $0x1;
	s4 =	sadd.s32 s21, s2  }
0x9d: {  	[timem:s6], [sflag:s22] =	dma.local [hbm:s4], s20  }
0x9e: {  	_ =	swait.ge [sflag:s22], s20  }
0x9f: {  	s3 =	ssub.s32 $0x0, s20;
	[sflag:s22] =	ssyncset.done $0x0  }
0xa0: {  	[sflag:s22] =	ssyncadd.s32 s3;
	_ =	sdelay $0x1  }
0xa1: {  	s23 =	simm.s32 $0x1B8B  }
0xa2: {  	_ =	swait.ge [sflag:s23], $0x1  }
0xa3: {  	[sflag:s23] =	ssyncset.done $0x0  }
0xa4: {  	s25 =	simm.s32 $0x1B8E;
	s24 =	sld [smem:$0x3FFE];
	[sflag:s23] =	ssyncadd.s32 $0xFFFFFFFF  }
0xa5: {  	s26 =	simm.s32 $execute0_lowered;
	[smem:$0x3FD2] =	sst s25  }
0xa6: {  	s4 =	sshll.u32 s26, $0x1;
	_ =	strace $0x80000049;
	[dreg:$0x1] =	wrdreg $0xFFFFFFFF  }
0xa7: {  	s28 =	simm.s32 $_size_execute0_lowered;
	s2 =	sadd.s32 s2, s4;
	[dreg:$0x0] =	wrdreg $0x0  }
0xa8: {  	s4 =	sshll.u32 s28, $0x1;
	[dreg:$0x2] =	wrdreg s2  }
0xa9: {  	[dreg:$0x3] =	wrdreg s4  }
0xaa: {  	[dreg:$0x4] =	wrdreg $0xC0  }
0xab: {  	_ =	task [dreg:s6], $0x5FFFF  }
0xac: {  	[dreg:$0x1] =	wrdreg $0xFFFFFFFF  }
0xad: {  	[dreg:$0x0] =	wrdreg $0x60  }
0xae: {  	[dreg:$0x2] =	wrdreg s24  }
0xaf: {  	[dreg:$0x3] =	wrdreg $0x121400  }
0xb0: {  	[dreg:$0x4] =	wrdreg $0x9  }
0xb1: {  	_ =	task.clear_ibuf [dreg:s6], $0x5FFFF;
	_ =	strace $0x90000049  }
0xb2: {  	s29 =	simm.s32 $0x9;
	_ =	strace $0x8000004B  }
0xb3: {  	_ =	swait.ge [sflag:s29], $0x1  }
0xb4: {  	[sflag:s29] =	ssyncadd.s32 $0xFFFFFFFF  }
0xb5: {  	_ =	strace $0x9000004B  }
0xb6: {  	_ =	sfence  }
0xb7: {  	s30 =	sld [smem:$0x0];
	_ =	sdelay $0x2  }
0xb8: {  	s31 =	sshll.u32 s1, $0xD;
	s1 =	sshrl.u32 s1, $0x2  }
0xb9: {  	s3 =	sand.u32 $0x4000, s31;
	s1 =	sadd.s32 s1, s30  }
0xba: {  	s0 =	sor.u32 s3, s0;
	s1 =	sshll.u32 s1, $0x11  }
0xbb: {  	s0 =	sor.u32 s1, s0  }
0xbc: {  	s0 =	sadd.s32 $0x8F2B, s0  }
0xbd: {  	[sflag:s0] =	ssyncadd.remote.s32 $0x1  }
0xbe: {  	_ =	sfence.sel $0xFFFF  }
0xbf: {  	[dreg:$0x0] =	wrdreg $0xFFFFFFFF;
	(pc) =	sbr.abs _section_cstart, $3  }
0xc0: {  	[dreg:$0x1] =	wrdreg $0xFFFFFFFF  }
0xc1: {  	_ =	task.clear_ibuf [dreg:s6], $0x2FFFF;
	_ =	strace $0x9FFFFFFF  }
0xc2: {  	(tm) =	ssettm $0x7FFFFFFF  }
0xc3: {  	_ =	shalt  }
tec
execute0_lowered:
.L_overlay_start_1:
0x0: {  	(tag) =	ssettag $0x1  }
0x1: {  	s7 =	rddreg [dreg:$0x0]  }
0x2: {  	s1 =	rddreg [dreg:$0x1];
	s2 =	srdreg.scid  }
0x3: {  	s0 =	rddreg [dreg:$0x2];
	s3 =	simm.s32 $0x0;
	s14 =	simm.s32 $0x28A0  }
0x4: {  	s15 =	simm.s32 $0x64;
	s16 =	simm.s32 $0x5140;
	s17 =	simm.s32 $0x6A40  }
0x5: {  	s18 =	simm.s32 $0x1;
	s19 =	simm.s32 $0x2;
	s20 =	simm.s32 $0x50D8  }
0x6: {  	s21 =	simm.s32 $0x27D0;
	s22 =	simm.s32 $0x2838;
	s8 =	sand.u32 $0x1, s2  }
0x7: {  	s2 =	stileid.u32;
	[smem:$0x7FF] =	sst s3;
	s5 =	sadd.s32 $0x310A00, s7  }
0x8: {  	s6 =	sadd.s32 $0xC2000, s7;
	s4 =	sshll.u32 s8, $0x4;
	s9 =	smul.u32 $0x27800, s2  }
0x9: {  	s11 =	ssub.s32 $0x2, s8;
	s12 =	smul.u32 $0x768000, s8;
	s4 =	sor.u32 s2, s4  }
0xa: {  	_ =	strace $0x8000004A;
	s31 =	sshrl.u32 s11, $0x1;
	s4 =	smul.u32 $0x28A0, s4  }
0xb: {  	s13 =	smul.u32 $0x9E00, s2;
	s11 =	ssub.s32 s11, s31;
	s9 =	sshrl.u32 s9, $0x2  }
0xc: {  	s9 =	sadd.s32 s9, s1;
	s11 =	smax.u32 s11, $0x1;
	s10 =	sshrl.u32 s4, $0x3  }
0xd: {  	s30 =	sadd.s32 s10, s7;
	s7 =	sadd.s32 $0x3FB000, s7;
	s10 =	sadd.s32 s12, s13  }
0xe: {  	v0 =	vimm.f32 $0.0e+00;
	s12 =	simm.s32 $0x3;
	s13 =	simm.s32 $0x8340;
	s8 =	sadd.s32 $0xCE00, s30  }
.LBB2_1:
0xf: {  	s24 =	simm.s32 $0x100;
	s23 =	simm.s32 $0x0  }
.LBB2_2:
0x10: {  	p0 =	sne.s32 s24, $0x27700;
	[tilespmem:s23+$0x8370] =	vst v0;
	s25 =	smov.u32 s24;
	s24 =	sadd.s32 $0x100, s24  }
.Ltmp0:
0x11: {  	[tilespmem:s23+$0x8360] =	vst v0;
	(pc) =	sbr.rel @p0 .LBB2_2-.Ltmp0, $3  }
0x12: {  	[tilespmem:s23+$0x8340] =	vst v0  }
0x13: {  	[tilespmem:s23+$0x8350] =	vst v0;
	_ =	sdelay $0x1  }
0x14: {  	s23 =	sshra.s32 s25, $0x2  }
0x15: {  	[tilespmem:s23+$0x8370] =	vst v0  }
0x16: {  	[tilespmem:s23+$0x8360] =	vst v0  }
0x17: {  	[tilespmem:s23+$0x8340] =	vst v0  }
0x18: {  	[tilespmem:s23+$0x8350] =	vst v0;
	s23 =	simm.s32 $0x0  }
0x19: {  	[tilespmem:s23], [sflag:$0x3] =	stream.linear.gather [hbm4b:s8+s23], $0x28A0, $0x38;
	[tilespmem:$0x1BF40] =	vst v63  }
0x1a: {  	_ =	swait.ge [sflag:s12], $0x28A0  }
0x1b: {  	[sflag:s12] =	ssyncset.done $0x0  }
0x1c: {  	[sflag:s12] =	ssyncadd.s32 $0xFFFFD760  }
0x1d: {  	[spmem:s9] =	stream.linear.scatter [tilespmem:s13], [sflag:$0x3], $0x9E00, $0x38;
	[tilespmem:$0x1BF40] =	vst v63  }
0x1e: {  	_ =	swait.ge [sflag:s12], $0x9E00  }
0x1f: {  	[sflag:s12] =	ssyncset.done $0x0  }
0x20: {  	[sflag:s12] =	ssyncadd.s32 $0xFFFF6200  }
0x21: {  	s24 =	simm.s32 $0x0;
	[bflag:$0x0] =	sbarrier.arrive $0xFFFF  }
.LBB2_4:
0x22: {  	s25 =	smul.u32 $0x51400, s24;
	_ =	sdelay $0x1  }
0x23: {  	s25 =	sadd.s32 s4, s25  }
0x24: {  	s25 =	sshrl.u32 s25, $0x3  }
0x25: {  	s25 =	sadd.s32 s6, s25  }
0x26: {  	[tilespmem:s14], [sflag:$0x3] =	stream.linear.gather [hbm4b:s25+s23], $0x28A0, $0x38;
	[tilespmem:$0x1BF40] =	vst v63  }
0x27: {  	_ =	swait.ge [sflag:s12], $0x28A0  }
0x28: {  	[sflag:s12] =	ssyncset.done $0x0  }
0x29: {  	[sflag:s12] =	ssyncadd.s32 $0xFFFFD760  }
0x2a: {  	[tilespmem:s16], [sflag:$0x1] =	stream.indirect.gather [hbm4b:s5+s15], $0x40, s14, s15, $0xb8;
	[tilespmem:$0x1BF40] =	vst v63  }
0x2b: {  	s28 =	simm.s32 $0x2908  }
0x2c: {  	[tilespmem:s17], [sflag:$0x2] =	stream.indirect.gather [hbm4b:s5+s15], $0x40, s28, s15, $0xb8;
	[tilespmem:$0x1BF40] =	vst v63  }
0x2d: {  	_ =	swait.ge [sflag:s18], $0x1900  }
0x2e: {  	[sflag:s18] =	ssyncset.done $0x0  }
0x2f: {  	s29 =	simm.s32 $0x0;
	[sflag:s18] =	ssyncadd.s32 $0xFFFFE700  }
0x30: {  	[spmem:s1] =	stream.indirect.scatter.add.f32 [tilespmem:s16], [sflag:$0x3], $0x40, s29, s15, $0xb8;
	[tilespmem:$0x1BF40] =	vst v63  }
0x31: {  	_ =	swait.ge [sflag:s12], $0x1900  }
0x32: {  	[sflag:s12] =	ssyncset.done $0x0  }
0x33: {  	s30 =	simm.s32 $0x2970;
	[sflag:s12] =	ssyncadd.s32 $0xFFFFE700  }
0x34: {  	[tilespmem:s16], [sflag:$0x1] =	stream.indirect.gather [hbm4b:s5+s15], $0x40, s30, s15, $0xb8;
	[tilespmem:$0x1BF40] =	vst v63  }
0x35: {  	_ =	swait.ge [sflag:s19], $0x1900  }
0x36: {  	[sflag:s19] =	ssyncset.done $0x0  }
0x37: {  	s31 =	simm.s32 $0x68;
	[sflag:s19] =	ssyncadd.s32 $0xFFFFE700  }
0x38: {  	[spmem:s1] =	stream.indirect.scatter.add.f32 [tilespmem:s17], [sflag:$0x3], $0x40, s31, s15, $0xb8;
	[tilespmem:$0x1BF40] =	vst v63  }
0x39: {  	_ =	swait.ge [sflag:s12], $0x1900  }
0x3a: {  	s26 =	simm.s32 $0x680;
	s25 =	simm.s32 $0xD0;
	[sflag:s12] =	ssyncset.done $0x0  }
.LBB2_5:
0x3b: {  	s28 =	sadd.s32 $0x2908, s25  }
0x3c: {  	[sflag:s12] =	ssyncadd.s32 $0xFFFFE700;
	s29 =	smov.u32 s26;
	s30 =	sadd.s32 $0x340, s26  }
0x3d: {  	[tilespmem:s17], [sflag:$0x2] =	stream.indirect.gather [hbm4b:s5+s15], $0x40, s28, s15, $0xb8;
	[tilespmem:$0x1BF40] =	vst v63  }
0x3e: {  	p0 =	sne.s32 s26, $0x9C00;
	_ =	swait.ge [sflag:s18], $0x1900  }
0x3f: {  	[sflag:s18] =	ssyncset.done $0x0  }
0x40: {  	[sflag:s18] =	ssyncadd.s32 $0xFFFFE700  }
0x41: {  	[spmem:s1] =	stream.indirect.scatter.add.f32 [tilespmem:s16], [sflag:$0x3], $0x40, s25, s15, $0xb8;
	[tilespmem:$0x1BF40] =	vst v63  }
0x42: {  	_ =	swait.ge [sflag:s12], $0x1900  }
0x43: {  	[sflag:s12] =	ssyncset.done $0x0  }
0x44: {  	s26 =	sadd.s32 $0x2970, s25;
	[sflag:s12] =	ssyncadd.s32 $0xFFFFE700  }
0x45: {  	[tilespmem:s16], [sflag:$0x1] =	stream.indirect.gather [hbm4b:s5+s15], $0x40, s26, s15, $0xb8;
	[tilespmem:$0x1BF40] =	vst v63  }
0x46: {  	_ =	swait.ge [sflag:s19], $0x1900  }
.Ltmp1:
0x47: {  	[sflag:s19] =	ssyncset.done $0x0;
	(pc) =	sbr.rel @p0 .LBB2_5-.Ltmp1, $4  }
0x48: {  	s25 =	sadd.s32 $0x68, s25;
	[sflag:s19] =	ssyncadd.s32 $0xFFFFE700  }
0x49: {  	[spmem:s1] =	stream.indirect.scatter.add.f32 [tilespmem:s17], [sflag:$0x3], $0x40, s25, s15, $0xb8;
	[tilespmem:$0x1BF40] =	vst v63  }
0x4a: {  	_ =	swait.ge [sflag:s12], $0x1900  }
0x4b: {  	s26 =	smov.u32 s30;
	s25 =	sshra.s32 s29, $0x2;
	[sflag:s12] =	ssyncset.done $0x0  }
0x4c: {  	s26 =	sadd.s32 $0x2908, s25;
	[sflag:s12] =	ssyncadd.s32 $0xFFFFE700  }
0x4d: {  	[tilespmem:s17], [sflag:$0x2] =	stream.indirect.gather [hbm4b:s5+s15], $0x40, s26, s15, $0xb8;
	[tilespmem:$0x1BF40] =	vst v63  }
0x4e: {  	_ =	swait.ge [sflag:s18], $0x1900  }
0x4f: {  	[sflag:s18] =	ssyncset.done $0x0  }
0x50: {  	[sflag:s18] =	ssyncadd.s32 $0xFFFFE700  }
0x51: {  	[spmem:s1] =	stream.indirect.scatter.add.f32 [tilespmem:s16], [sflag:$0x3], $0x40, s25, s15, $0xb8;
	[tilespmem:$0x1BF40] =	vst v63  }
0x52: {  	_ =	swait.ge [sflag:s12], $0x1900  }
0x53: {  	[sflag:s12] =	ssyncset.done $0x0  }
0x54: {  	s28 =	sadd.s32 $0x2970, s25;
	[sflag:s12] =	ssyncadd.s32 $0xFFFFE700  }
0x55: {  	[tilespmem:s16], [sflag:$0x1] =	stream.indirect.gather [hbm4b:s5+s15], $0x40, s28, s15, $0xb8;
	[tilespmem:$0x1BF40] =	vst v63  }
0x56: {  	_ =	swait.ge [sflag:s19], $0x1900  }
0x57: {  	[sflag:s19] =	ssyncset.done $0x0  }
0x58: {  	s29 =	sadd.s32 $0x68, s25;
	[sflag:s19] =	ssyncadd.s32 $0xFFFFE700  }
0x59: {  	[spmem:s1] =	stream.indirect.scatter.add.f32 [tilespmem:s17], [sflag:$0x3], $0x40, s29, s15, $0xb8;
	[tilespmem:$0x1BF40] =	vst v63  }
0x5a: {  	_ =	swait.ge [sflag:s12], $0x1900  }
0x5b: {  	[sflag:s12] =	ssyncset.done $0x0  }
0x5c: {  	[sflag:s12] =	ssyncadd.s32 $0xFFFFE700  }
0x5d: {  	[tilespmem:s17], [sflag:$0x2] =	stream.indirect.gather [hbm4b:s5+s15], $0x40, s20, s15, $0xb8;
	[tilespmem:$0x1BF40] =	vst v63  }
0x5e: {  	_ =	swait.ge [sflag:s18], $0x1900  }
0x5f: {  	[sflag:s18] =	ssyncset.done $0x0  }
0x60: {  	[sflag:s18] =	ssyncadd.s32 $0xFFFFE700  }
0x61: {  	[spmem:s1] =	stream.indirect.scatter.add.f32 [tilespmem:s16], [sflag:$0x3], $0x40, s21, s15, $0xb8;
	[tilespmem:$0x1BF40] =	vst v63  }
0x62: {  	_ =	swait.ge [sflag:s12], $0x1900  }
0x63: {  	[sflag:s12] =	ssyncset.done $0x0  }
0x64: {  	[sflag:s12] =	ssyncadd.s32 $0xFFFFE700  }
0x65: {  	_ =	swait.ge [sflag:s19], $0x1900  }
0x66: {  	[sflag:s19] =	ssyncset.done $0x0  }
0x67: {  	s30 =	smul.u32 $0x9E000, s24;
	[sflag:s19] =	ssyncadd.s32 $0xFFFFE700  }
0x68: {  	[spmem:s1] =	stream.indirect.scatter.add.f32 [tilespmem:s17], [sflag:$0x3], $0x40, s22, s15, $0xb8;
	[tilespmem:$0x1BF40] =	vst v63  }
0x69: {  	_ =	swait.ge [sflag:s12], $0x1900  }
0x6a: {  	s31 =	sshll.u32 s2, $0x6;
	s25 =	sadd.s32 s30, s10;
	[sflag:s12] =	ssyncset.done $0x0  }
0x6b: {  	s26 =	sor.u32 $0x1C03, s31;
	s25 =	sshrl.u32 s25, $0x3;
	[sflag:s12] =	ssyncadd.s32 $0xFFFFE700  }
0x6c: {  	s25 =	sadd.s32 s7, s25;
	s28 =	sshrl.u32 s9, $0x3;
	[bflag:$0x0] =	sbarrier.arrive $0xFFFF  }
0x6d: {  	[hbm:s25], [sflag:s26] =	dma.local [spmem:s28], $0x13C0  }
0x6e: {  	_ =	swait.ge [sflag:s12], $0x13C0  }
0x6f: {  	s24 =	sadd.s32 $0x1, s24;
	[sflag:s12] =	ssyncset.done $0x0  }
0x70: {  	p0 =	sne.s32 s24, $0xC;
	[sflag:s12] =	ssyncadd.s32 $0xFFFFEC40  }
0x71: {  	[spmem:s9] =	stream.linear.scatter [tilespmem:s13], [sflag:$0x3], $0x9E00, $0x38;
	[tilespmem:$0x1BF40] =	vst v63  }
.Ltmp2:
0x72: {  	_ =	swait.ge [sflag:s12], $0x9E00;
	(pc) =	sbr.rel @p0 .LBB2_4-.Ltmp2, $3  }
0x73: {  	[sflag:s12] =	ssyncset.done $0x0  }
0x74: {  	[sflag:s12] =	ssyncadd.s32 $0xFFFF6200  }
0x75: {  	[bflag:$0x0] =	sbarrier.arrive $0xFFFF;
	_ =	sdelay $0x1  }
0x76: {  	s3 =	sadd.s32 $0x1, s3  }
0x77: {  	p0 =	sne.s32 s3, s11  }
.Ltmp3:
0x78: {  	_ = 	snop;
	(pc) =	sbr.rel @p0 .LBB2_1-.Ltmp3, $1  }
0x79: {  	_ =	sdelay $0x3  }
0x7a: {  	_ =	sfence.sel $0x180000  }
0x7b: {  	[bflag:$0x0] =	sbarrier.arrive $0xFFFF  }
0x7c: {  	p0 =	sne.s32 s2, $0x0;
	_ =	strace $0x9000004A  }
0x7d: {  	s0 =	sadd.s32 @!p0 $0x100000, s0;
	[bflag:$0x2] =	sbarrier.arrive $0xFFFF  }
0x7e: {  	[sflag:s0] =	ssyncadd.tile.s32 @!p0 $0x1;
	_ =	shalt  }
.Lfunc_end2:
_tile_overlayer_lowered:
.L_overlay_start_2:
0x7f: {  	(tag) =	ssettag $0x2  }
0x80: {  	s0 =	rddreg [dreg:$0x0];
	s2 =	stileid.u32  }
0x81: {  	s1 =	rddreg [dreg:$0x1];
	p0 =	sne.s32 s2, $0x0  }
0x82: {  	s3 =	rddreg [dreg:$0x2];
	[bflag:$0x3] =	sbarrier.arrive $0xFFFF;
	s2 =	simm.s32 @!p0 $0x1C03  }
0x83: {  	[timem:s3], [sflag:s2] =	dma.local @!p0 [hbm:s0], s1  }
0x84: {  	s0 =	simm.s32 @!p0 $0x3  }
0x85: {  	_ =	swait.ge @!p0 [sflag:s0], s1  }
0x86: {  	s1 =	ssub.s32 @!p0 $0x0, s1;
	[sflag:s0] =	ssyncset.done @!p0 $0x0  }
0x87: {  	[sflag:s0] =	ssyncadd.s32 @!p0 s1  }
0x88: {  	[bflag:$0x3] =	sbarrier.arrive $0xFFFF  }
0x89: {  	_ =	shalt  }

// kernel: kernel.14.cloned.1.call-start
scs
__scs_entry_jumppad:
0x0: {  	(pc) =	sbr.rel $0x88, $3  }
0x1: {  	(tag) =	ssettag $0x0;
	lr =	simm.s32 $0x1  }
0x2: {  	[smem:$0x3F93] =	sst lr;
	_ =	strace $0xD0000000  }
0x3: {  	_ = 	snop  }
0x4: {  	_ = 	snop  }
0x5: {  	_ = 	snop  }
0x6: {  	_ = 	snop  }
0x7: {  	_ = 	snop  }
__scs_overlays_trampoline_lowered:
0x8: {  	[smem:$0x3FA2] =	sst s0  }
0x9: {  	[smem:$0x3FA3] =	sst s1  }
0xa: {  	[smem:$0x3FA4] =	sst s2  }
0xb: {  	[smem:$0x3FA5] =	sst s3  }
0xc: {  	[smem:$0x3FA6] =	sst s4  }
0xd: {  	[smem:$0x3FA7] =	sst s5  }
0xe: {  	[smem:$0x3FA8] =	sst s6  }
0xf: {  	[smem:$0x3FA9] =	sst s7  }
0x10: {  	[smem:$0x3FAA] =	sst s8  }
0x11: {  	[smem:$0x3FAB] =	sst s9;
	s0 =	simm.s32 @!p0 $0x0  }
0x12: {  	s1 =	sld [smem:$0x3F91];
	s0 =	simm.s32 @p0 $0x1  }
0x13: {  	[smem:$0x3FAC] =	sst s0;
	s0 =	simm.s32 @!p1 $0x0  }
0x14: {  	s2 =	sld [smem:$0x3F90];
	s0 =	simm.s32 @p1 $0x1  }
0x15: {  	[smem:$0x3FAD] =	sst s0;
	s0 =	simm.s32 @!p2 $0x0  }
0x16: {  	s3 =	sld [smem:$0x3FDB];
	s0 =	simm.s32 @p2 $0x1  }
0x17: {  	s4 =	simm.s32 $0x1BF5;
	[smem:$0x3FAF] =	sst s0  }
0x18: {  	s0 =	sld [smem:$0x3F92];
	_ =	swait.ge [sflag:s4], $0x0  }
0x19: {  	s7 =	sld [smem:$0x3F93]  }
0x1a: {  	s8 =	sadd.s32 $0xFFFFE003, lr  }
0x1b: {  	s9 =	sadd.s32 $0xFFFFFEF7, lr;
	s5 =	simm.s32 $0xFFFFFFFF;
	p2 =	slt.u32 s8, $0xFFFFF086  }
0x1c: {  	p1 =	slt.u32 s9, $0xF7A;
	s5 =	simm.s32 @!p2 $0x0  }
0x1d: {  	s5 =	simm.s32 @p1 $0x1;
	p0 =	seq.s32 s7, s2  }
0x1e: {  	s7 =	smul.u32 @!p0 $0xF7A, s2;
	p2 =	seq.s32 @!p0 s5, $0x0  }
0x1f: {  	s9 =	smul.u32 $0xF7A, s1;
	s8 =	simm.s32 @!p0 $0x1BF5;
	p2 =	por !p2, p0  }
0x20: {  	[sflag:s8] =	ssyncset.s32 @!p0 $0xFFFFF086;
	s6 =	sadd.s32 @!p0 s3, s7;
	s7 =	simm.s32 @!p0 $0x108  }
0x21: {  	s3 =	sadd.s32 s3, s9;
	s6 =	sadd.s32 @!p0 $0x88, s6;
	s7 =	simm.s32 @p2 $0x1082  }
0x22: {  	[simem:s7], [sflag:s8] =	dma.local @!p0 [hbm:s6], $0xF7A  }
0x23: {  	s9 =	sor.u32 $0xD0000000, s2;
	s6 =	simm.s32 $0x108;
	_ =	swait.ge @!p0 [sflag:s8], $0x0  }
0x24: {  	s3 =	sadd.s32 $0x88, s3;
	s6 =	simm.s32 @!p1 $0x1082;
	[sflag:s4] =	ssyncset.s32 $0xFFFFF086  }
0x25: {  	[simem:s6], [sflag:s4] =	dma.local [hbm:s3], $0xF7A  }
0x26: {  	[smem:$0x3F93] =	sst s1;
	(tag) =	ssettag s2;
	_ =	strace s9  }
0x27: {  	s1 =	sld [smem:$0x3FA3]  }
0x28: {  	s2 =	sld [smem:$0x3FA4]  }
0x29: {  	s4 =	sld [smem:$0x3FA6]  }
0x2a: {  	p0 =	seq.s32 s5, $0x0;
	s5 =	sld [smem:$0x3FA7]  }
0x2b: {  	s6 =	sld [smem:$0x3FA8]  }
0x2c: {  	s7 =	sld [smem:$0x3FA9]  }
0x2d: {  	s3 =	simm.s32 $0x108;
	s8 =	sld [smem:$0x3FAA]  }
0x2e: {  	s3 =	simm.s32 @!p0 $0x1082;
	s9 =	sld [smem:$0x3FAB]  }
0x2f: {  	lr =	sadd.s32 s0, s3;
	s0 =	sld [smem:$0x3FA2]  }
0x30: {  	s3 =	sld [smem:$0x3FA5]  }
0x31: {  	[smem:$0x3FAE] =	sst s10  }
0x32: {  	s10 =	sld [smem:$0x3FAC];
	_ =	sdelay $0x3  }
0x33: {  	p0 =	seq.s32 s10, $0x1;
	s10 =	sld [smem:$0x3FAE];
	_ =	sdelay $0x3  }
0x34: {  	[smem:$0x3FAE] =	sst s10  }
0x35: {  	s10 =	sld [smem:$0x3FAD];
	_ =	sdelay $0x3  }
0x36: {  	p1 =	seq.s32 s10, $0x1;
	s10 =	sld [smem:$0x3FAE];
	_ =	sdelay $0x3  }
0x37: {  	[smem:$0x3FAE] =	sst s10  }
0x38: {  	s10 =	sld [smem:$0x3FAF]  }
0x39: {  	_ = 	snop;
	(pc) =	sbr.ind lr, $3  }
0x3a: {  	_ = 	snop  }
0x3b: {  	_ = 	snop  }
0x3c: {  	p2 =	seq.s32 s10, $0x1;
	s10 =	sld [smem:$0x3FAE]  }
0x3d: {  	_ =	shalt  }
0x3e: {  	_ =	shalt  }
0x3f: {  	_ =	shalt  }
0x40: {  	_ =	shalt  }
0x41: {  	_ =	shalt  }
0x42: {  	_ =	shalt  }
0x43: {  	_ =	shalt  }
0x44: {  	_ =	shalt  }
0x45: {  	_ =	shalt  }
0x46: {  	_ =	shalt  }
0x47: {  	_ =	shalt  }
0x48: {  	_ =	shalt  }
0x49: {  	_ =	shalt  }
0x4a: {  	_ =	shalt  }
0x4b: {  	_ =	shalt  }
0x4c: {  	_ =	shalt  }
0x4d: {  	_ =	shalt  }
0x4e: {  	_ =	shalt  }
0x4f: {  	_ =	shalt  }
0x50: {  	_ =	shalt  }
0x51: {  	_ =	shalt  }
0x52: {  	_ =	shalt  }
0x53: {  	_ =	shalt  }
0x54: {  	_ =	shalt  }
0x55: {  	_ =	shalt  }
0x56: {  	_ =	shalt  }
0x57: {  	_ =	shalt  }
0x58: {  	_ =	shalt  }
0x59: {  	_ =	shalt  }
0x5a: {  	_ =	shalt  }
0x5b: {  	_ =	shalt  }
0x5c: {  	_ =	shalt  }
0x5d: {  	_ =	shalt  }
0x5e: {  	_ =	shalt  }
0x5f: {  	_ =	shalt  }
0x60: {  	_ =	shalt  }
0x61: {  	_ =	shalt  }
0x62: {  	_ =	shalt  }
0x63: {  	_ =	shalt  }
0x64: {  	_ =	shalt  }
0x65: {  	_ =	shalt  }
0x66: {  	_ =	shalt  }
0x67: {  	_ =	shalt  }
0x68: {  	_ =	shalt  }
0x69: {  	_ =	shalt  }
0x6a: {  	_ =	shalt  }
0x6b: {  	_ =	shalt  }
0x6c: {  	_ =	shalt  }
0x6d: {  	_ =	shalt  }
0x6e: {  	_ =	shalt  }
0x6f: {  	_ =	shalt  }
0x70: {  	_ =	shalt  }
0x71: {  	_ =	shalt  }
0x72: {  	_ =	shalt  }
0x73: {  	_ =	shalt  }
0x74: {  	_ =	shalt  }
0x75: {  	_ =	shalt  }
0x76: {  	_ =	shalt  }
0x77: {  	_ =	shalt  }
0x78: {  	_ =	shalt  }
0x79: {  	_ =	shalt  }
0x7a: {  	_ =	shalt  }
0x7b: {  	_ =	shalt  }
0x7c: {  	_ =	shalt  }
0x7d: {  	_ =	shalt  }
0x7e: {  	_ =	shalt  }
0x7f: {  	_ =	shalt  }
0x80: {  	_ =	shalt  }
0x81: {  	_ =	shalt  }
0x82: {  	_ =	shalt  }
0x83: {  	_ =	shalt  }
0x84: {  	_ =	shalt  }
0x85: {  	_ =	shalt  }
0x86: {  	_ =	shalt  }
0x87: {  	_ =	shalt  }
.Lfunc_end0:
.L_simem_size_0:
called_computation.2_lowered:
.L_overlay_start_0:
0x88: {  	s2 =	sld [smem:$0x3FD9]  }
0x89: {  	s3 =	sld [smem:$0x3FFE];
	_ =	sdelay $0x1  }
0x8a: {  	s1 =	srdreg.scid  }
0x8b: {  	s0 =	sand.u32 $0x1, s1  }
0x8c: {  	s16 =	sshll.u32 s0, $0xA;
	s2 =	sadd.s32 s3, s2  }
0x8d: {  	s2 =	sadd.s32 s2, s16  }
0x8e: {  	[smem:$0x3FBA] =	sst s2  }
0x8f: {  	_ = 	snop  }
0x90: {  	(tm) =	ssettm $0x1  }
0x91: {  	s17 =	sld [smem:$0x3FFB];
	_ =	sdelay $0x3  }
0x92: {  	_ =	strace s17  }
0x93: {  	s2 =	sld [smem:$0x3FFC];
	_ =	sdelay $0x3  }
0x94: {  	_ =	strace s2  }
0x95: {  	s2 =	sld [smem:$0x3FFD];
	_ =	sdelay $0x3  }
0x96: {  	_ =	strace s2  }
0x97: {  	_ =	strace $0x8FFFFFFF  }
0x98: {  	s18 =	sld [smem:$0x3FDB];
	_ =	sdelay $0x1  }
0x99: {  	s19 =	simm.s32 $_scs_section_size  }
0x9a: {  	s4 =	simm.s32 $_size__tile_overlayer_lowered;
	s5 =	simm.s32 $_tile_overlayer_lowered  }
0x9b: {  	s22 =	simm.s32 $0x1BFF;
	s21 =	sshll.u32 s5, $0x1;
	s2 =	sadd.s32 s19, s18  }
0x9c: {  	s6 =	simm.s32 $0x0;
	s20 =	sshll.u32 s4, $0x1;
	s4 =	sadd.s32 s21, s2  }
0x9d: {  	[timem:s6], [sflag:s22] =	dma.local [hbm:s4], s20  }
0x9e: {  	_ =	swait.ge [sflag:s22], s20  }
0x9f: {  	s3 =	ssub.s32 $0x0, s20;
	[sflag:s22] =	ssyncset.done $0x0  }
0xa0: {  	[sflag:s22] =	ssyncadd.s32 s3;
	_ =	sdelay $0x1  }
0xa1: {  	s23 =	simm.s32 $0x1B8B  }
0xa2: {  	_ =	swait.ge [sflag:s23], $0x1  }
0xa3: {  	[sflag:s23] =	ssyncset.done $0x0  }
0xa4: {  	s25 =	simm.s32 $0x1B8E;
	s24 =	sld [smem:$0x3FFE];
	[sflag:s23] =	ssyncadd.s32 $0xFFFFFFFF  }
0xa5: {  	s26 =	simm.s32 $execute0_lowered;
	[smem:$0x3FD2] =	sst s25  }
0xa6: {  	s4 =	sshll.u32 s26, $0x1;
	_ =	strace $0x8000004C;
	[dreg:$0x1] =	wrdreg $0xFFFFFFFF  }
0xa7: {  	s28 =	simm.s32 $_size_execute0_lowered;
	s2 =	sadd.s32 s2, s4;
	[dreg:$0x0] =	wrdreg $0x0  }
0xa8: {  	s4 =	sshll.u32 s28, $0x1;
	[dreg:$0x2] =	wrdreg s2  }
0xa9: {  	[dreg:$0x3] =	wrdreg s4  }
0xaa: {  	[dreg:$0x4] =	wrdreg $0xC0  }
0xab: {  	_ =	task [dreg:s6], $0x5FFFF  }
0xac: {  	[dreg:$0x1] =	wrdreg $0xFFFFFFFF  }
0xad: {  	[dreg:$0x0] =	wrdreg $0x60  }
0xae: {  	[dreg:$0x2] =	wrdreg s24  }
0xaf: {  	[dreg:$0x3] =	wrdreg $0xB9400  }
0xb0: {  	[dreg:$0x4] =	wrdreg $0x9  }
0xb1: {  	_ =	task.clear_ibuf [dreg:s6], $0x5FFFF;
	_ =	strace $0x9000004C  }
0xb2: {  	s29 =	simm.s32 $0x9;
	_ =	strace $0x8000004E  }
0xb3: {  	_ =	swait.ge [sflag:s29], $0x1  }
0xb4: {  	[sflag:s29] =	ssyncadd.s32 $0xFFFFFFFF  }
0xb5: {  	_ =	strace $0x9000004E  }
0xb6: {  	_ =	sfence  }
0xb7: {  	s30 =	sld [smem:$0x0];
	_ =	sdelay $0x2  }
0xb8: {  	s31 =	sshll.u32 s1, $0xD;
	s1 =	sshrl.u32 s1, $0x2  }
0xb9: {  	s3 =	sand.u32 $0x4000, s31;
	s1 =	sadd.s32 s1, s30  }
0xba: {  	s0 =	sor.u32 s3, s0;
	s1 =	sshll.u32 s1, $0x11  }
0xbb: {  	s0 =	sor.u32 s1, s0  }
0xbc: {  	s0 =	sadd.s32 $0x8F2B, s0  }
0xbd: {  	[sflag:s0] =	ssyncadd.remote.s32 $0x1  }
0xbe: {  	_ =	sfence.sel $0xFFFF  }
0xbf: {  	[dreg:$0x0] =	wrdreg $0xFFFFFFFF;
	(pc) =	sbr.abs _section_cstart, $3  }
0xc0: {  	[dreg:$0x1] =	wrdreg $0xFFFFFFFF  }
0xc1: {  	_ =	task.clear_ibuf [dreg:s6], $0x2FFFF;
	_ =	strace $0x9FFFFFFF  }
0xc2: {  	(tm) =	ssettm $0x7FFFFFFF  }
0xc3: {  	_ =	shalt  }
tec
execute0_lowered:
.L_overlay_start_1:
0x0: {  	(tag) =	ssettag $0x1  }
0x1: {  	s5 =	rddreg [dreg:$0x0]  }
0x2: {  	s1 =	rddreg [dreg:$0x1];
	s2 =	srdreg.scid  }
0x3: {  	s0 =	rddreg [dreg:$0x2];
	s3 =	simm.s32 $0x0;
	s12 =	simm.s32 $0x28A0  }
0x4: {  	s13 =	simm.s32 $0x64;
	s14 =	simm.s32 $0x5140;
	s15 =	simm.s32 $0x5DC0  }
0x5: {  	s16 =	simm.s32 $0x1;
	s17 =	simm.s32 $0x2;
	s18 =	simm.s32 $0x50D8  }
0x6: {  	s19 =	simm.s32 $0x27D0;
	s6 =	sand.u32 $0x1, s2;
	s2 =	stileid.u32  }
0x7: {  	s20 =	simm.s32 $0x2838;
	[smem:$0x7FF] =	sst s3;
	s7 =	smul.u32 $0x4F000, s6  }
0x8: {  	s4 =	sshll.u32 s6, $0x4;
	s9 =	smul.u32 $0x4F00, s2;
	_ =	strace $0x8000004D  }
0x9: {  	s6 =	ssub.s32 $0x2, s6;
	s30 =	smul.u32 $0x13C00, s2;
	s21 =	sshll.u32 s2, $0x6  }
0xa: {  	s8 =	sor.u32 s2, s4;
	s4 =	sadd.s32 $0x66200, s5;
	s10 =	sshrl.u32 s6, $0x1  }
0xb: {  	s21 =	sor.u32 $0x1C03, s21;
	s8 =	smul.u32 $0x514, s8;
	s7 =	sadd.s32 s9, s7  }
0xc: {  	s10 =	ssub.s32 s6, s10;
	s31 =	sshrl.u32 s30, $0x2;
	s7 =	sshrl.u32 s7, $0x3  }
0xd: {  	s6 =	sadd.s32 s31, s1;
	s9 =	smax.u32 s10, $0x1;
	s8 =	sadd.s32 s8, s5  }
0xe: {  	s10 =	simm.s32 $0x3;
	s11 =	sadd.s32 s7, s5;
	s5 =	sadd.s32 $0xCE00, s8  }
0xf: {  	v0 =	vimm.f32 $0.0e+00;
	s7 =	sadd.s32 $0x2A00, s8;
	s8 =	sadd.s32 $0x70000, s11;
	s11 =	simm.s32 $0x6A40  }
.LBB2_1:
0x10: {  	s22 =	simm.s32 $0x80;
	s23 =	simm.s32 $0x0  }
.LBB2_2:
0x11: {  	p0 =	sne.s32 s22, $0x13B80;
	[tilespmem:s23+$0x6A40] =	vst v0;
	s24 =	smov.u32 s22;
	s22 =	sadd.s32 $0x80, s22  }
.Ltmp0:
0x12: {  	[tilespmem:s23+$0x6A50] =	vst v0;
	(pc) =	sbr.rel @p0 .LBB2_2-.Ltmp0, $2  }
0x13: {  	_ =	sdelay $0x2  }
0x14: {  	s23 =	sshra.s32 s24, $0x2  }
0x15: {  	[tilespmem:s23+$0x6A40] =	vst v0  }
0x16: {  	[tilespmem:s23+$0x6A50] =	vst v0;
	s22 =	simm.s32 $0x0  }
0x17: {  	[tilespmem:s22], [sflag:$0x3] =	stream.linear.gather [hbm4b:s5+s22], $0x28A0, $0x38;
	[tilespmem:$0x10840] =	vst v63  }
0x18: {  	_ =	swait.ge [sflag:s10], $0x28A0  }
0x19: {  	[sflag:s10] =	ssyncset.done $0x0  }
0x1a: {  	[sflag:s10] =	ssyncadd.s32 $0xFFFFD760  }
0x1b: {  	[spmem:s6] =	stream.linear.scatter [tilespmem:s11], [sflag:$0x3], $0x4F00, $0x38;
	[tilespmem:$0x10840] =	vst v63  }
0x1c: {  	_ =	swait.ge [sflag:s10], $0x4F00  }
0x1d: {  	[sflag:s10] =	ssyncset.done $0x0  }
0x1e: {  	[sflag:s10] =	ssyncadd.s32 $0xFFFFB100  }
0x1f: {  	[bflag:$0x0] =	sbarrier.arrive $0xFFFF  }
0x20: {  	[tilespmem:s12], [sflag:$0x3] =	stream.linear.gather [hbm4b:s7+s22], $0x28A0, $0x38;
	[tilespmem:$0x10840] =	vst v63  }
0x21: {  	_ =	swait.ge [sflag:s10], $0x28A0  }
0x22: {  	[sflag:s10] =	ssyncset.done $0x0  }
0x23: {  	[sflag:s10] =	ssyncadd.s32 $0xFFFFD760  }
0x24: {  	[tilespmem:s14], [sflag:$0x1] =	stream.indirect.gather [hbm4b:s4+s13], $0x20, s12, s13, $0xb8;
	[tilespmem:$0x10840] =	vst v63  }
0x25: {  	s28 =	simm.s32 $0x2908  }
0x26: {  	[tilespmem:s15], [sflag:$0x2] =	stream.indirect.gather [hbm4b:s4+s13], $0x20, s28, s13, $0xb8;
	[tilespmem:$0x10840] =	vst v63  }
0x27: {  	_ =	swait.ge [sflag:s16], $0xC80  }
0x28: {  	[sflag:s16] =	ssyncset.done $0x0  }
0x29: {  	s29 =	simm.s32 $0x0;
	[sflag:s16] =	ssyncadd.s32 $0xFFFFF380  }
0x2a: {  	[spmem:s1] =	stream.indirect.scatter.add.f32 [tilespmem:s14], [sflag:$0x3], $0x20, s29, s13, $0xb8;
	[tilespmem:$0x10840] =	vst v63  }
0x2b: {  	_ =	swait.ge [sflag:s10], $0xC80  }
0x2c: {  	[sflag:s10] =	ssyncset.done $0x0  }
0x2d: {  	s30 =	simm.s32 $0x2970;
	[sflag:s10] =	ssyncadd.s32 $0xFFFFF380  }
0x2e: {  	[tilespmem:s14], [sflag:$0x1] =	stream.indirect.gather [hbm4b:s4+s13], $0x20, s30, s13, $0xb8;
	[tilespmem:$0x10840] =	vst v63  }
0x2f: {  	_ =	swait.ge [sflag:s17], $0xC80  }
0x30: {  	[sflag:s17] =	ssyncset.done $0x0  }
0x31: {  	s31 =	simm.s32 $0x68;
	[sflag:s17] =	ssyncadd.s32 $0xFFFFF380  }
0x32: {  	[spmem:s1] =	stream.indirect.scatter.add.f32 [tilespmem:s15], [sflag:$0x3], $0x20, s31, s13, $0xb8;
	[tilespmem:$0x10840] =	vst v63  }
0x33: {  	_ =	swait.ge [sflag:s10], $0xC80  }
0x34: {  	s23 =	simm.s32 $0x680;
	s22 =	simm.s32 $0xD0;
	[sflag:s10] =	ssyncset.done $0x0  }
.LBB2_4:
0x35: {  	s24 =	sadd.s32 $0x2908, s22  }
0x36: {  	[sflag:s10] =	ssyncadd.s32 $0xFFFFF380;
	s25 =	smov.u32 s23;
	s26 =	sadd.s32 $0x340, s23  }
0x37: {  	[tilespmem:s15], [sflag:$0x2] =	stream.indirect.gather [hbm4b:s4+s13], $0x20, s24, s13, $0xb8;
	[tilespmem:$0x10840] =	vst v63  }
0x38: {  	p0 =	sne.s32 s23, $0x9C00;
	_ =	swait.ge [sflag:s16], $0xC80  }
0x39: {  	[sflag:s16] =	ssyncset.done $0x0  }
0x3a: {  	[sflag:s16] =	ssyncadd.s32 $0xFFFFF380  }
0x3b: {  	[spmem:s1] =	stream.indirect.scatter.add.f32 [tilespmem:s14], [sflag:$0x3], $0x20, s22, s13, $0xb8;
	[tilespmem:$0x10840] =	vst v63  }
0x3c: {  	_ =	swait.ge [sflag:s10], $0xC80  }
0x3d: {  	[sflag:s10] =	ssyncset.done $0x0  }
0x3e: {  	s23 =	sadd.s32 $0x2970, s22;
	[sflag:s10] =	ssyncadd.s32 $0xFFFFF380  }
0x3f: {  	[tilespmem:s14], [sflag:$0x1] =	stream.indirect.gather [hbm4b:s4+s13], $0x20, s23, s13, $0xb8;
	[tilespmem:$0x10840] =	vst v63  }
0x40: {  	_ =	swait.ge [sflag:s17], $0xC80  }
.Ltmp1:
0x41: {  	[sflag:s17] =	ssyncset.done $0x0;
	(pc) =	sbr.rel @p0 .LBB2_4-.Ltmp1, $4  }
0x42: {  	s22 =	sadd.s32 $0x68, s22;
	[sflag:s17] =	ssyncadd.s32 $0xFFFFF380  }
0x43: {  	[spmem:s1] =	stream.indirect.scatter.add.f32 [tilespmem:s15], [sflag:$0x3], $0x20, s22, s13, $0xb8;
	[tilespmem:$0x10840] =	vst v63  }
0x44: {  	_ =	swait.ge [sflag:s10], $0xC80  }
0x45: {  	s23 =	smov.u32 s26;
	s22 =	sshra.s32 s25, $0x2;
	[sflag:s10] =	ssyncset.done $0x0  }
0x46: {  	s23 =	sadd.s32 $0x2908, s22;
	[sflag:s10] =	ssyncadd.s32 $0xFFFFF380  }
0x47: {  	[tilespmem:s15], [sflag:$0x2] =	stream.indirect.gather [hbm4b:s4+s13], $0x20, s23, s13, $0xb8;
	[tilespmem:$0x10840] =	vst v63  }
0x48: {  	_ =	swait.ge [sflag:s16], $0xC80  }
0x49: {  	[sflag:s16] =	ssyncset.done $0x0  }
0x4a: {  	[sflag:s16] =	ssyncadd.s32 $0xFFFFF380  }
0x4b: {  	[spmem:s1] =	stream.indirect.scatter.add.f32 [tilespmem:s14], [sflag:$0x3], $0x20, s22, s13, $0xb8;
	[tilespmem:$0x10840] =	vst v63  }
0x4c: {  	_ =	swait.ge [sflag:s10], $0xC80  }
0x4d: {  	[sflag:s10] =	ssyncset.done $0x0  }
0x4e: {  	s29 =	sadd.s32 $0x2970, s22;
	[sflag:s10] =	ssyncadd.s32 $0xFFFFF380  }
0x4f: {  	[tilespmem:s14], [sflag:$0x1] =	stream.indirect.gather [hbm4b:s4+s13], $0x20, s29, s13, $0xb8;
	[tilespmem:$0x10840] =	vst v63  }
0x50: {  	_ =	swait.ge [sflag:s17], $0xC80  }
0x51: {  	[sflag:s17] =	ssyncset.done $0x0  }
0x52: {  	s30 =	sadd.s32 $0x68, s22;
	[sflag:s17] =	ssyncadd.s32 $0xFFFFF380  }
0x53: {  	[spmem:s1] =	stream.indirect.scatter.add.f32 [tilespmem:s15], [sflag:$0x3], $0x20, s30, s13, $0xb8;
	[tilespmem:$0x10840] =	vst v63  }
0x54: {  	_ =	swait.ge [sflag:s10], $0xC80  }
0x55: {  	[sflag:s10] =	ssyncset.done $0x0  }
0x56: {  	[sflag:s10] =	ssyncadd.s32 $0xFFFFF380  }
0x57: {  	[tilespmem:s15], [sflag:$0x2] =	stream.indirect.gather [hbm4b:s4+s13], $0x20, s18, s13, $0xb8;
	[tilespmem:$0x10840] =	vst v63  }
0x58: {  	_ =	swait.ge [sflag:s16], $0xC80  }
0x59: {  	[sflag:s16] =	ssyncset.done $0x0  }
0x5a: {  	[sflag:s16] =	ssyncadd.s32 $0xFFFFF380  }
0x5b: {  	[spmem:s1] =	stream.indirect.scatter.add.f32 [tilespmem:s14], [sflag:$0x3], $0x20, s19, s13, $0xb8;
	[tilespmem:$0x10840] =	vst v63  }
0x5c: {  	_ =	swait.ge [sflag:s10], $0xC80  }
0x5d: {  	[sflag:s10] =	ssyncset.done $0x0  }
0x5e: {  	[sflag:s10] =	ssyncadd.s32 $0xFFFFF380  }
0x5f: {  	_ =	swait.ge [sflag:s17], $0xC80  }
0x60: {  	[sflag:s17] =	ssyncset.done $0x0  }
0x61: {  	[sflag:s17] =	ssyncadd.s32 $0xFFFFF380  }
0x62: {  	[spmem:s1] =	stream.indirect.scatter.add.f32 [tilespmem:s15], [sflag:$0x3], $0x20, s20, s13, $0xb8;
	[tilespmem:$0x10840] =	vst v63  }
0x63: {  	_ =	swait.ge [sflag:s10], $0xC80  }
0x64: {  	[sflag:s10] =	ssyncset.done $0x0  }
0x65: {  	[sflag:s10] =	ssyncadd.s32 $0xFFFFF380  }
0x66: {  	s31 =	sshrl.u32 s6, $0x3;
	[bflag:$0x0] =	sbarrier.arrive $0xFFFF  }
0x67: {  	[hbm:s8], [sflag:s21] =	dma.local [spmem:s31], $0x9E0  }
0x68: {  	_ =	swait.ge [sflag:s10], $0x9E0  }
0x69: {  	s3 =	sadd.s32 $0x1, s3;
	[sflag:s10] =	ssyncset.done $0x0  }
0x6a: {  	p0 =	sne.s32 s3, s9;
	[sflag:s10] =	ssyncadd.s32 $0xFFFFF620  }
0x6b: {  	[spmem:s6] =	stream.linear.scatter [tilespmem:s11], [sflag:$0x3], $0x4F00, $0x38;
	[tilespmem:$0x10840] =	vst v63  }
.Ltmp2:
0x6c: {  	_ =	swait.ge [sflag:s10], $0x4F00;
	(pc) =	sbr.rel @p0 .LBB2_1-.Ltmp2, $3  }
0x6d: {  	[sflag:s10] =	ssyncset.done $0x0  }
0x6e: {  	[sflag:s10] =	ssyncadd.s32 $0xFFFFB100  }
0x6f: {  	[bflag:$0x0] =	sbarrier.arrive $0xFFFF;
	_ =	sdelay $0x1  }
0x70: {  	_ =	sfence.sel $0x180000  }
0x71: {  	[bflag:$0x0] =	sbarrier.arrive $0xFFFF  }
0x72: {  	p0 =	sne.s32 s2, $0x0;
	_ =	strace $0x9000004D  }
0x73: {  	s0 =	sadd.s32 @!p0 $0x100000, s0;
	[bflag:$0x2] =	sbarrier.arrive $0xFFFF  }
0x74: {  	[sflag:s0] =	ssyncadd.tile.s32 @!p0 $0x1;
	_ =	shalt  }
.Lfunc_end2:
_tile_overlayer_lowered:
.L_overlay_start_2:
0x75: {  	(tag) =	ssettag $0x2  }
0x76: {  	s0 =	rddreg [dreg:$0x0];
	s2 =	stileid.u32  }
0x77: {  	s1 =	rddreg [dreg:$0x1];
	p0 =	sne.s32 s2, $0x0  }
0x78: {  	s3 =	rddreg [dreg:$0x2];
	[bflag:$0x3] =	sbarrier.arrive $0xFFFF;
	s2 =	simm.s32 @!p0 $0x1C03  }
0x79: {  	[timem:s3], [sflag:s2] =	dma.local @!p0 [hbm:s0], s1  }
0x7a: {  	s0 =	simm.s32 @!p0 $0x3  }
0x7b: {  	_ =	swait.ge @!p0 [sflag:s0], s1  }
0x7c: {  	s1 =	ssub.s32 @!p0 $0x0, s1;
	[sflag:s0] =	ssyncset.done @!p0 $0x0  }
0x7d: {  	[sflag:s0] =	ssyncadd.s32 @!p0 s1  }
0x7e: {  	[bflag:$0x3] =	sbarrier.arrive $0xFFFF  }
0x7f: {  	_ =	shalt  }

// kernel: kernel.8.cloned.1.call-start
scs
__scs_entry_jumppad:
0x0: {  	(pc) =	sbr.rel $0x88, $3  }
0x1: {  	(tag) =	ssettag $0x0;
	lr =	simm.s32 $0x1  }
0x2: {  	[smem:$0x3F93] =	sst lr;
	_ =	strace $0xD0000000  }
0x3: {  	_ = 	snop  }
0x4: {  	_ = 	snop  }
0x5: {  	_ = 	snop  }
0x6: {  	_ = 	snop  }
0x7: {  	_ = 	snop  }
__scs_overlays_trampoline_lowered:
0x8: {  	[smem:$0x3FA2] =	sst s0  }
0x9: {  	[smem:$0x3FA3] =	sst s1  }
0xa: {  	[smem:$0x3FA4] =	sst s2  }
0xb: {  	[smem:$0x3FA5] =	sst s3  }
0xc: {  	[smem:$0x3FA6] =	sst s4  }
0xd: {  	[smem:$0x3FA7] =	sst s5  }
0xe: {  	[smem:$0x3FA8] =	sst s6  }
0xf: {  	[smem:$0x3FA9] =	sst s7  }
0x10: {  	[smem:$0x3FAA] =	sst s8  }
0x11: {  	[smem:$0x3FAB] =	sst s9;
	s0 =	simm.s32 @!p0 $0x0  }
0x12: {  	s1 =	sld [smem:$0x3F91];
	s0 =	simm.s32 @p0 $0x1  }
0x13: {  	[smem:$0x3FAC] =	sst s0;
	s0 =	simm.s32 @!p1 $0x0  }
0x14: {  	s2 =	sld [smem:$0x3F90];
	s0 =	simm.s32 @p1 $0x1  }
0x15: {  	[smem:$0x3FAD] =	sst s0;
	s0 =	simm.s32 @!p2 $0x0  }
0x16: {  	s3 =	sld [smem:$0x3FDB];
	s0 =	simm.s32 @p2 $0x1  }
0x17: {  	s4 =	simm.s32 $0x1BF5;
	[smem:$0x3FAF] =	sst s0  }
0x18: {  	s0 =	sld [smem:$0x3F92];
	_ =	swait.ge [sflag:s4], $0x0  }
0x19: {  	s7 =	sld [smem:$0x3F93]  }
0x1a: {  	s8 =	sadd.s32 $0xFFFFE003, lr  }
0x1b: {  	s9 =	sadd.s32 $0xFFFFFEF7, lr;
	s5 =	simm.s32 $0xFFFFFFFF;
	p2 =	slt.u32 s8, $0xFFFFF086  }
0x1c: {  	p1 =	slt.u32 s9, $0xF7A;
	s5 =	simm.s32 @!p2 $0x0  }
0x1d: {  	s5 =	simm.s32 @p1 $0x1;
	p0 =	seq.s32 s7, s2  }
0x1e: {  	s7 =	smul.u32 @!p0 $0xF7A, s2;
	p2 =	seq.s32 @!p0 s5, $0x0  }
0x1f: {  	s9 =	smul.u32 $0xF7A, s1;
	s8 =	simm.s32 @!p0 $0x1BF5;
	p2 =	por !p2, p0  }
0x20: {  	[sflag:s8] =	ssyncset.s32 @!p0 $0xFFFFF086;
	s6 =	sadd.s32 @!p0 s3, s7;
	s7 =	simm.s32 @!p0 $0x108  }
0x21: {  	s3 =	sadd.s32 s3, s9;
	s6 =	sadd.s32 @!p0 $0x88, s6;
	s7 =	simm.s32 @p2 $0x1082  }
0x22: {  	[simem:s7], [sflag:s8] =	dma.local @!p0 [hbm:s6], $0xF7A  }
0x23: {  	s9 =	sor.u32 $0xD0000000, s2;
	s6 =	simm.s32 $0x108;
	_ =	swait.ge @!p0 [sflag:s8], $0x0  }
0x24: {  	s3 =	sadd.s32 $0x88, s3;
	s6 =	simm.s32 @!p1 $0x1082;
	[sflag:s4] =	ssyncset.s32 $0xFFFFF086  }
0x25: {  	[simem:s6], [sflag:s4] =	dma.local [hbm:s3], $0xF7A  }
0x26: {  	[smem:$0x3F93] =	sst s1;
	(tag) =	ssettag s2;
	_ =	strace s9  }
0x27: {  	s1 =	sld [smem:$0x3FA3]  }
0x28: {  	s2 =	sld [smem:$0x3FA4]  }
0x29: {  	s4 =	sld [smem:$0x3FA6]  }
0x2a: {  	p0 =	seq.s32 s5, $0x0;
	s5 =	sld [smem:$0x3FA7]  }
0x2b: {  	s6 =	sld [smem:$0x3FA8]  }
0x2c: {  	s7 =	sld [smem:$0x3FA9]  }
0x2d: {  	s3 =	simm.s32 $0x108;
	s8 =	sld [smem:$0x3FAA]  }
0x2e: {  	s3 =	simm.s32 @!p0 $0x1082;
	s9 =	sld [smem:$0x3FAB]  }
0x2f: {  	lr =	sadd.s32 s0, s3;
	s0 =	sld [smem:$0x3FA2]  }
0x30: {  	s3 =	sld [smem:$0x3FA5]  }
0x31: {  	[smem:$0x3FAE] =	sst s10  }
0x32: {  	s10 =	sld [smem:$0x3FAC];
	_ =	sdelay $0x3  }
0x33: {  	p0 =	seq.s32 s10, $0x1;
	s10 =	sld [smem:$0x3FAE];
	_ =	sdelay $0x3  }
0x34: {  	[smem:$0x3FAE] =	sst s10  }
0x35: {  	s10 =	sld [smem:$0x3FAD];
	_ =	sdelay $0x3  }
0x36: {  	p1 =	seq.s32 s10, $0x1;
	s10 =	sld [smem:$0x3FAE];
	_ =	sdelay $0x3  }
0x37: {  	[smem:$0x3FAE] =	sst s10  }
0x38: {  	s10 =	sld [smem:$0x3FAF]  }
0x39: {  	_ = 	snop;
	(pc) =	sbr.ind lr, $3  }
0x3a: {  	_ = 	snop  }
0x3b: {  	_ = 	snop  }
0x3c: {  	p2 =	seq.s32 s10, $0x1;
	s10 =	sld [smem:$0x3FAE]  }
0x3d: {  	_ =	shalt  }
0x3e: {  	_ =	shalt  }
0x3f: {  	_ =	shalt  }
0x40: {  	_ =	shalt  }
0x41: {  	_ =	shalt  }
0x42: {  	_ =	shalt  }
0x43: {  	_ =	shalt  }
0x44: {  	_ =	shalt  }
0x45: {  	_ =	shalt  }
0x46: {  	_ =	shalt  }
0x47: {  	_ =	shalt  }
0x48: {  	_ =	shalt  }
0x49: {  	_ =	shalt  }
0x4a: {  	_ =	shalt  }
0x4b: {  	_ =	shalt  }
0x4c: {  	_ =	shalt  }
0x4d: {  	_ =	shalt  }
0x4e: {  	_ =	shalt  }
0x4f: {  	_ =	shalt  }
0x50: {  	_ =	shalt  }
0x51: {  	_ =	shalt  }
0x52: {  	_ =	shalt  }
0x53: {  	_ =	shalt  }
0x54: {  	_ =	shalt  }
0x55: {  	_ =	shalt  }
0x56: {  	_ =	shalt  }
0x57: {  	_ =	shalt  }
0x58: {  	_ =	shalt  }
0x59: {  	_ =	shalt  }
0x5a: {  	_ =	shalt  }
0x5b: {  	_ =	shalt  }
0x5c: {  	_ =	shalt  }
0x5d: {  	_ =	shalt  }
0x5e: {  	_ =	shalt  }
0x5f: {  	_ =	shalt  }
0x60: {  	_ =	shalt  }
0x61: {  	_ =	shalt  }
0x62: {  	_ =	shalt  }
0x63: {  	_ =	shalt  }
0x64: {  	_ =	shalt  }
0x65: {  	_ =	shalt  }
0x66: {  	_ =	shalt  }
0x67: {  	_ =	shalt  }
0x68: {  	_ =	shalt  }
0x69: {  	_ =	shalt  }
0x6a: {  	_ =	shalt  }
0x6b: {  	_ =	shalt  }
0x6c: {  	_ =	shalt  }
0x6d: {  	_ =	shalt  }
0x6e: {  	_ =	shalt  }
0x6f: {  	_ =	shalt  }
0x70: {  	_ =	shalt  }
0x71: {  	_ =	shalt  }
0x72: {  	_ =	shalt  }
0x73: {  	_ =	shalt  }
0x74: {  	_ =	shalt  }
0x75: {  	_ =	shalt  }
0x76: {  	_ =	shalt  }
0x77: {  	_ =	shalt  }
0x78: {  	_ =	shalt  }
0x79: {  	_ =	shalt  }
0x7a: {  	_ =	shalt  }
0x7b: {  	_ =	shalt  }
0x7c: {  	_ =	shalt  }
0x7d: {  	_ =	shalt  }
0x7e: {  	_ =	shalt  }
0x7f: {  	_ =	shalt  }
0x80: {  	_ =	shalt  }
0x81: {  	_ =	shalt  }
0x82: {  	_ =	shalt  }
0x83: {  	_ =	shalt  }
0x84: {  	_ =	shalt  }
0x85: {  	_ =	shalt  }
0x86: {  	_ =	shalt  }
0x87: {  	_ =	shalt  }
.Lfunc_end0:
.L_simem_size_0:
called_computation_lowered:
.L_overlay_start_0:
0x88: {  	s2 =	sld [smem:$0x3FD9]  }
0x89: {  	s3 =	sld [smem:$0x3FFE];
	_ =	sdelay $0x1  }
0x8a: {  	s1 =	srdreg.scid  }
0x8b: {  	s0 =	sand.u32 $0x1, s1  }
0x8c: {  	s16 =	sshll.u32 s0, $0xA;
	s2 =	sadd.s32 s3, s2  }
0x8d: {  	s2 =	sadd.s32 s2, s16  }
0x8e: {  	[smem:$0x3FBA] =	sst s2  }
0x8f: {  	_ = 	snop  }
0x90: {  	(tm) =	ssettm $0x1  }
0x91: {  	s17 =	sld [smem:$0x3FFB];
	_ =	sdelay $0x3  }
0x92: {  	_ =	strace s17  }
0x93: {  	s2 =	sld [smem:$0x3FFC];
	_ =	sdelay $0x3  }
0x94: {  	_ =	strace s2  }
0x95: {  	s2 =	sld [smem:$0x3FFD];
	_ =	sdelay $0x3  }
0x96: {  	_ =	strace s2  }
0x97: {  	_ =	strace $0x8FFFFFFF  }
0x98: {  	s18 =	sld [smem:$0x3FDB];
	_ =	sdelay $0x1  }
0x99: {  	s19 =	simm.s32 $_scs_section_size  }
0x9a: {  	s4 =	simm.s32 $_size__tile_overlayer_lowered;
	s5 =	simm.s32 $_tile_overlayer_lowered  }
0x9b: {  	s22 =	simm.s32 $0x1BFF;
	s21 =	sshll.u32 s5, $0x1;
	s2 =	sadd.s32 s19, s18  }
0x9c: {  	s6 =	simm.s32 $0x0;
	s20 =	sshll.u32 s4, $0x1;
	s4 =	sadd.s32 s21, s2  }
0x9d: {  	[timem:s6], [sflag:s22] =	dma.local [hbm:s4], s20  }
0x9e: {  	_ =	swait.ge [sflag:s22], s20  }
0x9f: {  	s3 =	ssub.s32 $0x0, s20;
	[sflag:s22] =	ssyncset.done $0x0  }
0xa0: {  	[sflag:s22] =	ssyncadd.s32 s3;
	_ =	sdelay $0x1  }
0xa1: {  	s23 =	simm.s32 $0x1B8B  }
0xa2: {  	_ =	swait.ge [sflag:s23], $0x1  }
0xa3: {  	[sflag:s23] =	ssyncset.done $0x0  }
0xa4: {  	s25 =	simm.s32 $0x1B8E;
	s24 =	sld [smem:$0x3FFE];
	[sflag:s23] =	ssyncadd.s32 $0xFFFFFFFF  }
0xa5: {  	s26 =	simm.s32 $execute0_lowered;
	[smem:$0x3FD2] =	sst s25  }
0xa6: {  	s4 =	sshll.u32 s26, $0x1;
	_ =	strace $0x80000046;
	[dreg:$0x1] =	wrdreg $0xFFFFFFFF  }
0xa7: {  	s28 =	simm.s32 $_size_execute0_lowered;
	s2 =	sadd.s32 s2, s4;
	[dreg:$0x0] =	wrdreg $0x0  }
0xa8: {  	s4 =	sshll.u32 s28, $0x1;
	[dreg:$0x2] =	wrdreg s2  }
0xa9: {  	[dreg:$0x3] =	wrdreg s4  }
0xaa: {  	[dreg:$0x4] =	wrdreg $0xC0  }
0xab: {  	_ =	task [dreg:s6], $0x5FFFF  }
0xac: {  	[dreg:$0x1] =	wrdreg $0xFFFFFFFF  }
0xad: {  	[dreg:$0x0] =	wrdreg $0x60  }
0xae: {  	[dreg:$0x2] =	wrdreg s24  }
0xaf: {  	[dreg:$0x3] =	wrdreg $0x85400  }
0xb0: {  	[dreg:$0x4] =	wrdreg $0x9  }
0xb1: {  	_ =	task.clear_ibuf [dreg:s6], $0x5FFFF;
	_ =	strace $0x90000046  }
0xb2: {  	s29 =	simm.s32 $0x9;
	_ =	strace $0x80000048  }
0xb3: {  	_ =	swait.ge [sflag:s29], $0x1  }
0xb4: {  	[sflag:s29] =	ssyncadd.s32 $0xFFFFFFFF  }
0xb5: {  	_ =	strace $0x90000048  }
0xb6: {  	_ =	sfence  }
0xb7: {  	s30 =	sld [smem:$0x0];
	_ =	sdelay $0x2  }
0xb8: {  	s31 =	sshll.u32 s1, $0xD;
	s1 =	sshrl.u32 s1, $0x2  }
0xb9: {  	s3 =	sand.u32 $0x4000, s31;
	s1 =	sadd.s32 s1, s30  }
0xba: {  	s0 =	sor.u32 s3, s0;
	s1 =	sshll.u32 s1, $0x11  }
0xbb: {  	s0 =	sor.u32 s1, s0  }
0xbc: {  	s0 =	sadd.s32 $0x8F2B, s0  }
0xbd: {  	[sflag:s0] =	ssyncadd.remote.s32 $0x1  }
0xbe: {  	_ =	sfence.sel $0xFFFF  }
0xbf: {  	[dreg:$0x0] =	wrdreg $0xFFFFFFFF;
	(pc) =	sbr.abs _section_cstart, $3  }
0xc0: {  	[dreg:$0x1] =	wrdreg $0xFFFFFFFF  }
0xc1: {  	_ =	task.clear_ibuf [dreg:s6], $0x2FFFF;
	_ =	strace $0x9FFFFFFF  }
0xc2: {  	(tm) =	ssettm $0x7FFFFFFF  }
0xc3: {  	_ =	shalt  }
tec
execute0_lowered:
.L_overlay_start_1:
0x0: {  	(tag) =	ssettag $0x1  }
0x1: {  	s5 =	rddreg [dreg:$0x0]  }
0x2: {  	s1 =	rddreg [dreg:$0x1]  }
0x3: {  	s2 =	srdreg.scid;
	s0 =	rddreg [dreg:$0x2]  }
0x4: {  	s3 =	simm.s32 $0x0;
	s12 =	simm.s32 $0x28A0;
	s13 =	simm.s32 $0x64  }
0x5: {  	s14 =	simm.s32 $0x5140;
	s15 =	simm.s32 $0x5780;
	s16 =	simm.s32 $0x1  }
0x6: {  	s17 =	simm.s32 $0x2;
	s18 =	simm.s32 $0x50D8;
	s19 =	simm.s32 $0x27D0  }
0x7: {  	s20 =	simm.s32 $0x2838;
	s6 =	sand.u32 $0x1, s2;
	s2 =	stileid.u32  }
0x8: {  	[smem:$0x7FF] =	sst s3;
	s7 =	smul.u32 $0x27800, s6;
	s4 =	sshll.u32 s6, $0x4  }
0x9: {  	s8 =	smul.u32 $0x2780, s2;
	_ =	strace $0x80000047;
	s6 =	ssub.s32 $0x2, s6  }
0xa: {  	s29 =	smul.u32 $0x9E00, s2;
	s21 =	sshll.u32 s2, $0x6;
	s9 =	sor.u32 s2, s4  }
0xb: {  	s4 =	sadd.s32 $0x17200, s5;
	s30 =	sshrl.u32 s6, $0x1;
	s21 =	sor.u32 $0x1C03, s21  }
0xc: {  	s9 =	smul.u32 $0x514, s9;
	s7 =	sadd.s32 s8, s7;
	s31 =	sshrl.u32 s29, $0x2  }
0xd: {  	s11 =	ssub.s32 s6, s30;
	s7 =	sshrl.u32 s7, $0x3;
	s6 =	sadd.s32 s31, s1  }
0xe: {  	s9 =	sadd.s32 s9, s5;
	s10 =	sadd.s32 s7, s5;
	s22 =	sshrl.u32 s6, $0x3  }
0xf: {  	s5 =	sadd.s32 $0xCE00, s9;
	s7 =	sadd.s32 $0x2A00, s9;
	s8 =	sadd.s32 $0x1C200, s10  }
0x10: {  	v0 =	vimm.f32 $0.0e+00;
	s9 =	smax.u32 s11, $0x1;
	s10 =	simm.s32 $0x3;
	s11 =	simm.s32 $0x5DC0  }
.LBB2_1:
0x11: {  	s23 =	simm.s32 $0x40;
	s24 =	simm.s32 $0x0  }
.LBB2_2:
0x12: {  	p0 =	sne.s32 s23, $0x9DC0;
	[tilespmem:s24+$0x5DC0] =	vst v0;
	s24 =	smov.u32 s23;
	s23 =	sadd.s32 $0x40, s23  }
.Ltmp0:
0x13: {  	(pc) =	sbr.rel @p0 .LBB2_2-.Ltmp0, $2  }
0x14: {  	_ =	sdelay $0x2  }
0x15: {  	s24 =	sshra.s32 s24, $0x2  }
0x16: {  	[tilespmem:s24+$0x5DC0] =	vst v0;
	s23 =	simm.s32 $0x0  }
0x17: {  	[tilespmem:s23], [sflag:$0x3] =	stream.linear.gather [hbm4b:s5+s23], $0x28A0, $0x38;
	[tilespmem:$0xACC0] =	vst v63  }
0x18: {  	_ =	swait.ge [sflag:s10], $0x28A0  }
0x19: {  	[sflag:s10] =	ssyncset.done $0x0  }
0x1a: {  	[sflag:s10] =	ssyncadd.s32 $0xFFFFD760  }
0x1b: {  	[spmem:s6] =	stream.linear.scatter [tilespmem:s11], [sflag:$0x3], $0x2780, $0x38;
	[tilespmem:$0xACC0] =	vst v63  }
0x1c: {  	_ =	swait.ge [sflag:s10], $0x2780  }
0x1d: {  	[sflag:s10] =	ssyncset.done $0x0  }
0x1e: {  	[sflag:s10] =	ssyncadd.s32 $0xFFFFD880  }
0x1f: {  	[bflag:$0x0] =	sbarrier.arrive $0xFFFF  }
0x20: {  	[tilespmem:s12], [sflag:$0x3] =	stream.linear.gather [hbm4b:s7+s23], $0x28A0, $0x38;
	[tilespmem:$0xACC0] =	vst v63  }
0x21: {  	_ =	swait.ge [sflag:s10], $0x28A0  }
0x22: {  	[sflag:s10] =	ssyncset.done $0x0  }
0x23: {  	[sflag:s10] =	ssyncadd.s32 $0xFFFFD760  }
0x24: {  	[tilespmem:s14], [sflag:$0x1] =	stream.indirect.gather [hbm4b:s4+s13], $0x10, s12, s13, $0xb8;
	[tilespmem:$0xACC0] =	vst v63  }
0x25: {  	s28 =	simm.s32 $0x2908  }
0x26: {  	[tilespmem:s15], [sflag:$0x2] =	stream.indirect.gather [hbm4b:s4+s13], $0x10, s28, s13, $0xb8;
	[tilespmem:$0xACC0] =	vst v63  }
0x27: {  	_ =	swait.ge [sflag:s16], $0x640  }
0x28: {  	[sflag:s16] =	ssyncset.done $0x0  }
0x29: {  	s29 =	simm.s32 $0x0;
	[sflag:s16] =	ssyncadd.s32 $0xFFFFF9C0  }
0x2a: {  	[spmem:s1] =	stream.indirect.scatter.add.f32 [tilespmem:s14], [sflag:$0x3], $0x10, s29, s13, $0xb8;
	[tilespmem:$0xACC0] =	vst v63  }
0x2b: {  	_ =	swait.ge [sflag:s10], $0x640  }
0x2c: {  	[sflag:s10] =	ssyncset.done $0x0  }
0x2d: {  	s30 =	simm.s32 $0x2970;
	[sflag:s10] =	ssyncadd.s32 $0xFFFFF9C0  }
0x2e: {  	[tilespmem:s14], [sflag:$0x1] =	stream.indirect.gather [hbm4b:s4+s13], $0x10, s30, s13, $0xb8;
	[tilespmem:$0xACC0] =	vst v63  }
0x2f: {  	_ =	swait.ge [sflag:s17], $0x640  }
0x30: {  	[sflag:s17] =	ssyncset.done $0x0  }
0x31: {  	s31 =	simm.s32 $0x68;
	[sflag:s17] =	ssyncadd.s32 $0xFFFFF9C0  }
0x32: {  	[spmem:s1] =	stream.indirect.scatter.add.f32 [tilespmem:s15], [sflag:$0x3], $0x10, s31, s13, $0xb8;
	[tilespmem:$0xACC0] =	vst v63  }
0x33: {  	_ =	swait.ge [sflag:s10], $0x640  }
0x34: {  	s24 =	simm.s32 $0x680;
	s23 =	simm.s32 $0xD0;
	[sflag:s10] =	ssyncset.done $0x0  }
.LBB2_4:
0x35: {  	s25 =	sadd.s32 $0x2908, s23  }
0x36: {  	[sflag:s10] =	ssyncadd.s32 $0xFFFFF9C0;
	s26 =	smov.u32 s24;
	s28 =	sadd.s32 $0x340, s24  }
0x37: {  	[tilespmem:s15], [sflag:$0x2] =	stream.indirect.gather [hbm4b:s4+s13], $0x10, s25, s13, $0xb8;
	[tilespmem:$0xACC0] =	vst v63  }
0x38: {  	p0 =	sne.s32 s24, $0x9C00;
	_ =	swait.ge [sflag:s16], $0x640  }
0x39: {  	[sflag:s16] =	ssyncset.done $0x0  }
0x3a: {  	[sflag:s16] =	ssyncadd.s32 $0xFFFFF9C0  }
0x3b: {  	[spmem:s1] =	stream.indirect.scatter.add.f32 [tilespmem:s14], [sflag:$0x3], $0x10, s23, s13, $0xb8;
	[tilespmem:$0xACC0] =	vst v63  }
0x3c: {  	_ =	swait.ge [sflag:s10], $0x640  }
0x3d: {  	[sflag:s10] =	ssyncset.done $0x0  }
0x3e: {  	s24 =	sadd.s32 $0x2970, s23;
	[sflag:s10] =	ssyncadd.s32 $0xFFFFF9C0  }
0x3f: {  	[tilespmem:s14], [sflag:$0x1] =	stream.indirect.gather [hbm4b:s4+s13], $0x10, s24, s13, $0xb8;
	[tilespmem:$0xACC0] =	vst v63  }
0x40: {  	_ =	swait.ge [sflag:s17], $0x640  }
.Ltmp1:
0x41: {  	[sflag:s17] =	ssyncset.done $0x0;
	(pc) =	sbr.rel @p0 .LBB2_4-.Ltmp1, $4  }
0x42: {  	s23 =	sadd.s32 $0x68, s23;
	[sflag:s17] =	ssyncadd.s32 $0xFFFFF9C0  }
0x43: {  	[spmem:s1] =	stream.indirect.scatter.add.f32 [tilespmem:s15], [sflag:$0x3], $0x10, s23, s13, $0xb8;
	[tilespmem:$0xACC0] =	vst v63  }
0x44: {  	_ =	swait.ge [sflag:s10], $0x640  }
0x45: {  	s24 =	smov.u32 s28;
	s23 =	sshra.s32 s26, $0x2;
	[sflag:s10] =	ssyncset.done $0x0  }
0x46: {  	s24 =	sadd.s32 $0x2908, s23;
	[sflag:s10] =	ssyncadd.s32 $0xFFFFF9C0  }
0x47: {  	[tilespmem:s15], [sflag:$0x2] =	stream.indirect.gather [hbm4b:s4+s13], $0x10, s24, s13, $0xb8;
	[tilespmem:$0xACC0] =	vst v63  }
0x48: {  	_ =	swait.ge [sflag:s16], $0x640  }
0x49: {  	[sflag:s16] =	ssyncset.done $0x0  }
0x4a: {  	[sflag:s16] =	ssyncadd.s32 $0xFFFFF9C0  }
0x4b: {  	[spmem:s1] =	stream.indirect.scatter.add.f32 [tilespmem:s14], [sflag:$0x3], $0x10, s23, s13, $0xb8;
	[tilespmem:$0xACC0] =	vst v63  }
0x4c: {  	_ =	swait.ge [sflag:s10], $0x640  }
0x4d: {  	[sflag:s10] =	ssyncset.done $0x0  }
0x4e: {  	s30 =	sadd.s32 $0x2970, s23;
	[sflag:s10] =	ssyncadd.s32 $0xFFFFF9C0  }
0x4f: {  	[tilespmem:s14], [sflag:$0x1] =	stream.indirect.gather [hbm4b:s4+s13], $0x10, s30, s13, $0xb8;
	[tilespmem:$0xACC0] =	vst v63  }
0x50: {  	_ =	swait.ge [sflag:s17], $0x640  }
0x51: {  	[sflag:s17] =	ssyncset.done $0x0  }
0x52: {  	s31 =	sadd.s32 $0x68, s23;
	[sflag:s17] =	ssyncadd.s32 $0xFFFFF9C0  }
0x53: {  	[spmem:s1] =	stream.indirect.scatter.add.f32 [tilespmem:s15], [sflag:$0x3], $0x10, s31, s13, $0xb8;
	[tilespmem:$0xACC0] =	vst v63  }
0x54: {  	_ =	swait.ge [sflag:s10], $0x640  }
0x55: {  	[sflag:s10] =	ssyncset.done $0x0  }
0x56: {  	[sflag:s10] =	ssyncadd.s32 $0xFFFFF9C0  }
0x57: {  	[tilespmem:s15], [sflag:$0x2] =	stream.indirect.gather [hbm4b:s4+s13], $0x10, s18, s13, $0xb8;
	[tilespmem:$0xACC0] =	vst v63  }
0x58: {  	_ =	swait.ge [sflag:s16], $0x640  }
0x59: {  	[sflag:s16] =	ssyncset.done $0x0  }
0x5a: {  	[sflag:s16] =	ssyncadd.s32 $0xFFFFF9C0  }
0x5b: {  	[spmem:s1] =	stream.indirect.scatter.add.f32 [tilespmem:s14], [sflag:$0x3], $0x10, s19, s13, $0xb8;
	[tilespmem:$0xACC0] =	vst v63  }
0x5c: {  	_ =	swait.ge [sflag:s10], $0x640  }
0x5d: {  	[sflag:s10] =	ssyncset.done $0x0  }
0x5e: {  	[sflag:s10] =	ssyncadd.s32 $0xFFFFF9C0  }
0x5f: {  	_ =	swait.ge [sflag:s17], $0x640  }
0x60: {  	[sflag:s17] =	ssyncset.done $0x0  }
0x61: {  	[sflag:s17] =	ssyncadd.s32 $0xFFFFF9C0  }
0x62: {  	[spmem:s1] =	stream.indirect.scatter.add.f32 [tilespmem:s15], [sflag:$0x3], $0x10, s20, s13, $0xb8;
	[tilespmem:$0xACC0] =	vst v63  }
0x63: {  	_ =	swait.ge [sflag:s10], $0x640  }
0x64: {  	[sflag:s10] =	ssyncset.done $0x0  }
0x65: {  	[sflag:s10] =	ssyncadd.s32 $0xFFFFF9C0  }
0x66: {  	[bflag:$0x0] =	sbarrier.arrive $0xFFFF  }
0x67: {  	[hbm:s8], [sflag:s21] =	dma.local [spmem:s22], $0x4F0  }
0x68: {  	_ =	swait.ge [sflag:s10], $0x4F0  }
0x69: {  	s3 =	sadd.s32 $0x1, s3;
	[sflag:s10] =	ssyncset.done $0x0  }
0x6a: {  	p0 =	sne.s32 s3, s9;
	[sflag:s10] =	ssyncadd.s32 $0xFFFFFB10  }
0x6b: {  	[spmem:s6] =	stream.linear.scatter [tilespmem:s11], [sflag:$0x3], $0x2780, $0x38;
	[tilespmem:$0xACC0] =	vst v63  }
.Ltmp2:
0x6c: {  	_ =	swait.ge [sflag:s10], $0x2780;
	(pc) =	sbr.rel @p0 .LBB2_1-.Ltmp2, $3  }
0x6d: {  	[sflag:s10] =	ssyncset.done $0x0  }
0x6e: {  	[sflag:s10] =	ssyncadd.s32 $0xFFFFD880  }
0x6f: {  	[bflag:$0x0] =	sbarrier.arrive $0xFFFF;
	_ =	sdelay $0x1  }
0x70: {  	_ =	sfence.sel $0x180000  }
0x71: {  	[bflag:$0x0] =	sbarrier.arrive $0xFFFF  }
0x72: {  	p0 =	sne.s32 s2, $0x0;
	_ =	strace $0x90000047  }
0x73: {  	s0 =	sadd.s32 @!p0 $0x100000, s0;
	[bflag:$0x2] =	sbarrier.arrive $0xFFFF  }
0x74: {  	[sflag:s0] =	ssyncadd.tile.s32 @!p0 $0x1;
	_ =	shalt  }
.Lfunc_end2:
_tile_overlayer_lowered:
.L_overlay_start_2:
0x75: {  	(tag) =	ssettag $0x2  }
0x76: {  	s0 =	rddreg [dreg:$0x0];
	s2 =	stileid.u32  }
0x77: {  	s1 =	rddreg [dreg:$0x1];
	p0 =	sne.s32 s2, $0x0  }
0x78: {  	s3 =	rddreg [dreg:$0x2];
	[bflag:$0x3] =	sbarrier.arrive $0xFFFF;
	s2 =	simm.s32 @!p0 $0x1C03  }
0x79: {  	[timem:s3], [sflag:s2] =	dma.local @!p0 [hbm:s0], s1  }
0x7a: {  	s0 =	simm.s32 @!p0 $0x3  }
0x7b: {  	_ =	swait.ge @!p0 [sflag:s0], s1  }
0x7c: {  	s1 =	ssub.s32 @!p0 $0x0, s1;
	[sflag:s0] =	ssyncset.done @!p0 $0x0  }
0x7d: {  	[sflag:s0] =	ssyncadd.s32 @!p0 s1  }
0x7e: {  	[bflag:$0x3] =	sbarrier.arrive $0xFFFF  }
0x7f: {  	_ =	shalt  }

</sc_bundles>
